<compile_context>
chip_gen: v7x
topology: tpu7x:2x2x1
jax: 0.10.2.dev20260603
libtpu: 0.0.44.dev20260713+nightly
codegen_flags: <defaults>
</compile_context>

<pallas_src>
import functools

import jax
import jax.numpy as jnp
from jax import lax
from jax.experimental import pallas as pl
from jax.experimental.pallas import tpu as pltpu
from jax.experimental.pallas import tpu_sc as plsc

BATCH = 4096
SEQ = 200
EMB = 16
ROWS = 100001

CBLK = 32768
NBLK = 2
HALF = NBLK * CBLK
PACK_ROWS = HALF // 128

NUM_CORES = 2
NUM_SUBCORES = 16
NW = NUM_CORES * NUM_SUBCORES
ROWS_PER_W = BATCH // NW
GROUPS = ROWS_PER_W // 16


def _bf16_bits(y):
    bits = jax.lax.bitcast_convert_type(y, jnp.uint32)
    lsb = (bits >> 16) & jnp.uint32(1)
    return (bits + jnp.uint32(0x7FFF) + lsb) >> 16


def _proj_body(xlo_ref, xhi_ref, w8_ref, b_ref, out_ref):
    w8 = w8_ref[...]
    b = b_ref[0, 0]
    ylo = jnp.dot(w8, xlo_ref[...], preferred_element_type=jnp.float32) + b
    yhi = jnp.dot(w8, xhi_ref[...], preferred_element_type=jnp.float32) + b
    packed = _bf16_bits(ylo) | (_bf16_bits(yhi) << 16)
    packed = jax.lax.bitcast_convert_type(packed, jnp.int32)
    out_ref[...] = packed[0:1].reshape(CBLK // 128, 128)


def _tc_proj(table_t, w8, b_scaled):
    return pl.pallas_call(
        _proj_body,
        grid=(NBLK,),
        in_specs=[
            pl.BlockSpec((EMB, CBLK), lambda i: (0, i)),
            pl.BlockSpec(
                (EMB, CBLK),
                lambda i: (0, jnp.minimum(i + NBLK, (ROWS - 1) // CBLK)),
            ),
            pl.BlockSpec((8, EMB), lambda i: (0, 0)),
            pl.BlockSpec(memory_space=pltpu.SMEM),
        ],
        out_specs=pl.BlockSpec((CBLK // 128, 128), lambda i: (i, 0)),
        out_shape=jax.ShapeDtypeStruct((PACK_ROWS, 128), jnp.int32),
    )(
        pltpu.with_memory_space_constraint(table_t, pltpu.MemorySpace.HBM),
        pltpu.with_memory_space_constraint(table_t, pltpu.MemorySpace.HBM),
        w8,
        b_scaled,
    )


def _sc_body(proj_hbm, tok_hbm, out_hbm, proj_v, tok_v, out_v, sem1, sem2):
    wid = lax.axis_index("s") * NUM_CORES + lax.axis_index("c")
    cp_proj = pltpu.async_copy(proj_hbm.at[pl.ds(0, HALF)], proj_v, sem1)
    cp_tok = pltpu.async_copy(
        tok_hbm.at[:, pl.ds(wid * ROWS_PER_W, ROWS_PER_W)], tok_v, sem2
    )
    cp_tok.wait()
    cp_proj.wait()
    for g in range(GROUPS):

        def body(s, acc, g=g):
            tok = tok_v[s, pl.ds(g * 16, 16)]
            islo = tok < HALF
            word = plsc.load_gather(
                proj_v, [jnp.where(islo, tok, tok - HALF)]
            )
            keep = jnp.where(islo, word << 16, word) & jnp.int32(-65536)
            return acc + plsc.bitcast(keep, jnp.float32)

        acc = lax.fori_loop(
            0, SEQ, body, jnp.zeros((16,), jnp.float32), unroll=8
        )
        out_v[pl.ds(g * 16, 16)] = acc
    pltpu.sync_copy(out_v, out_hbm.at[pl.ds(wid * ROWS_PER_W, ROWS_PER_W)])


def _sc_pool(proj, toks_t):
    mesh = plsc.VectorSubcoreMesh(core_axis_name="c", subcore_axis_name="s")
    run = functools.partial(
        pl.kernel,
        out_type=jax.ShapeDtypeStruct((BATCH,), jnp.float32),
        mesh=mesh,
        compiler_params=pltpu.CompilerParams(needs_layout_passes=False),
        scratch_types=[
            pltpu.VMEM((HALF,), jnp.int32),
            pltpu.VMEM((SEQ, ROWS_PER_W), jnp.int32),
            pltpu.VMEM((ROWS_PER_W,), jnp.float32),
            pltpu.SemaphoreType.DMA,
            pltpu.SemaphoreType.DMA,
        ],
    )(_sc_body)
    return run(proj, toks_t)


def kernel(token_ids, table, dense_w, dense_b):
    toks_t = token_ids.astype(jnp.int32).T
    table_t = table.T
    w8 = jnp.broadcast_to(
        dense_w.astype(jnp.float32).reshape(1, EMB), (8, EMB)
    ) * (1.0 / SEQ)
    b_scaled = (dense_b.astype(jnp.float32) / SEQ).reshape(1, 1)
    proj = _tc_proj(table_t, w8, b_scaled)
    out = _sc_pool(proj.reshape(-1), toks_t)
    return out.reshape(BATCH, 1)

# --- scband reference (transcript-rebuilt; emitter-appended) ---
"""Pipeline reference for scband-my-model-87522843559724 (READ-ONLY COPY).

The authoritative reference and input builder live on the scoring server;
editing this copy changes nothing except your own understanding.
"""

import jax, jax.numpy as jnp
import numpy as np

MAX_FEATURES = 100000
EMBED_DIM = 16
SEQ_LEN = 200
BATCH = 4096

def setup_inputs(seed: int = 0) -> dict:
    key = jax.random.key(seed)
    k1, k2, k3, k4 = jax.random.split(key, 4)
    token_ids = jax.random.randint(k1, (BATCH, SEQ_LEN), 0, MAX_FEATURES + 1, dtype=jnp.int32).astype(jnp.int64)
    table = jax.random.normal(k2, (MAX_FEATURES + 1, EMBED_DIM), dtype=jnp.float32) * 0.05
    dense_w = jax.random.normal(k3, (EMBED_DIM, 1), dtype=jnp.float32) * 0.1
    dense_b = jnp.zeros((1,), dtype=jnp.float32)
    return {"token_ids": token_ids, "table": table, "dense_w": dense_w, "dense_b": dense_b}

def reference(token_ids, table, dense_w, dense_b):
    # Embedding lookup: [B, S] -> [B, S, D]
    x = jnp.take(table, token_ids, axis=0)
    # Dropout is identity in inference mode (training=False)
    # GlobalAveragePooling1D: mean over sequence axis
    x = jnp.mean(x, axis=1)
    # Dense(1)
    out = x @ dense_w + dense_b
    return out

if __name__ == "__main__":
    import jax
    _d = setup_inputs()
    print(jax.jit(kernel)(*tuple(_d.values())))

</pallas_src>

<mosaic_0001>
#map = affine_map<(d0, d1) -> (0)>
#map1 = affine_map<(d0, d1) -> (0, 0)>
module attributes {stable_mosaic.version = 14 : i64} {
  func.func @_sc_body(%arg0: i32, %arg1: i32, %arg2: memref<65536xi32, #tpu.memory_space<hbm>>, %arg3: memref<200x4096xi32, #tpu.memory_space<hbm>>, %arg4: memref<4096xf32, #tpu.memory_space<hbm>>, %arg5: memref<65536xi32, #tpu.memory_space<vmem>>, %arg6: memref<200x128xi32, #tpu.memory_space<vmem>>, %arg7: memref<128xf32, #tpu.memory_space<vmem>>, %arg8: memref<!tpu.dma_semaphore, #tpu.memory_space<semaphore_mem>>, %arg9: memref<!tpu.dma_semaphore, #tpu.memory_space<semaphore_mem>>) attributes {dimension_semantics = [#tpu.dimension_semantics<core_parallel>, #tpu.dimension_semantics<subcore_parallel>], iteration_bounds = array<i64: 2, 16>, scalar_prefetch = 0 : i64, scratch_operands = 5 : i64, tpu.core_type = #tpu.core_type<sc_vector_subcore>, window_params = [{transform_indices = #map}, {transform_indices = #map1}, {transform_indices = #map}]} {
    %mul3A = arith.constant 2 : i32
    %mul3A_0 = arith.muli %arg1, %mul3A : i32
    %add3A = arith.addi %mul3A_0, %arg0 : i32
    %dma_start3A = arith.constant 0 : i32
    %dma_start3A_1 = tpu.memref_slice %arg2[%dma_start3A] : memref<65536xi32, #tpu.memory_space<hbm>> -> memref<65536xi32, #tpu.memory_space<hbm>>
    %dma_start3A_2 = arith.constant 0 : i32
    %dma_start3A_3 = tpu.memref_slice %arg2[%dma_start3A_2] : memref<65536xi32, #tpu.memory_space<hbm>> -> memref<65536xi32, #tpu.memory_space<hbm>>
    tpu.enqueue_dma source(%dma_start3A_3 : memref<65536xi32, #tpu.memory_space<hbm>>) target(%arg5 : memref<65536xi32, #tpu.memory_space<vmem>>) target_semaphore(%arg8 : memref<!tpu.dma_semaphore, #tpu.memory_space<semaphore_mem>>)
    %mul3A_4 = arith.constant 128 : i32
    %mul3A_5 = arith.muli %add3A, %mul3A_4 : i32
    %dma_start3A_6 = arith.constant 0 : i32
    %dma_start3A_7 = tpu.memref_slice %arg3[%dma_start3A_6, %mul3A_5] : memref<200x4096xi32, #tpu.memory_space<hbm>> -> memref<200x128xi32, #tpu.memory_space<hbm>>
    %dma_start3A_8 = arith.constant 0 : i32
    %dma_start3A_9 = tpu.memref_slice %arg3[%dma_start3A_8, %mul3A_5] : memref<200x4096xi32, #tpu.memory_space<hbm>> -> memref<200x128xi32, #tpu.memory_space<hbm>>
    tpu.enqueue_dma source(%dma_start3A_9 : memref<200x128xi32, #tpu.memory_space<hbm>>) target(%arg6 : memref<200x128xi32, #tpu.memory_space<vmem>>) target_semaphore(%arg9 : memref<!tpu.dma_semaphore, #tpu.memory_space<semaphore_mem>>)
    %dma_wait3A = arith.constant 0 : i32
    %dma_wait3A_10 = tpu.memref_slice %arg3[%dma_wait3A, %mul3A_5] : memref<200x4096xi32, #tpu.memory_space<hbm>> -> memref<200x128xi32, #tpu.memory_space<hbm>>
    %dma_wait3A_11 = arith.constant 0 : i32
    %dma_wait3A_12 = tpu.memref_slice %arg3[%dma_wait3A_11, %mul3A_5] : memref<200x4096xi32, #tpu.memory_space<hbm>> -> memref<200x128xi32, #tpu.memory_space<hbm>>
    tpu.wait_dma2 semaphore(%arg9 : memref<!tpu.dma_semaphore, #tpu.memory_space<semaphore_mem>>) src(%dma_wait3A_12 : memref<200x128xi32, #tpu.memory_space<hbm>>) dst(%arg6 : memref<200x128xi32, #tpu.memory_space<vmem>>)
    %dma_wait3A_13 = arith.constant 0 : i32
    %dma_wait3A_14 = tpu.memref_slice %arg2[%dma_wait3A_13] : memref<65536xi32, #tpu.memory_space<hbm>> -> memref<65536xi32, #tpu.memory_space<hbm>>
    %dma_wait3A_15 = arith.constant 0 : i32
    %dma_wait3A_16 = tpu.memref_slice %arg2[%dma_wait3A_15] : memref<65536xi32, #tpu.memory_space<hbm>> -> memref<65536xi32, #tpu.memory_space<hbm>>
    tpu.wait_dma2 semaphore(%arg8 : memref<!tpu.dma_semaphore, #tpu.memory_space<semaphore_mem>>) src(%dma_wait3A_16 : memref<65536xi32, #tpu.memory_space<hbm>>) dst(%arg5 : memref<65536xi32, #tpu.memory_space<vmem>>)
    %broadcast_in_dim3A = arith.constant 0.000000e+00 : f32
    %broadcast_in_dim3A_17 = vector.broadcast %broadcast_in_dim3A : f32 to vector<16xf32>
    %scan3A = arith.constant 0 : i32
    %scan3A_18 = arith.constant 200 : i32
    %scan3A_19 = arith.addi %scan3A, %scan3A_18 : i32
    %scan3A_20 = arith.constant 8 : i32
    %scan3A_21 = scf.for %scan3A_96 = %scan3A to %scan3A_19 step %scan3A_20 iter_args(%scan3A_97 = %broadcast_in_dim3A_17) -> (vector<16xf32>)  : i32 {
      %get3A = arith.index_cast %scan3A_96 : i32 to index
      %get3A_98 = arith.constant 0 : index
      %get3A_99 = tpu.vector_load %arg6[%get3A, %get3A_98] {strides = array<i32>} : memref<200x128xi32, #tpu.memory_space<vmem>>, vector<16xi32>,
      %lt3A = arith.constant 65536 : i32
      %lt3A_100 = vector.broadcast %lt3A : i32 to vector<16xi32>
      %lt3A_101 = arith.cmpi slt, %get3A_99, %lt3A_100 : vector<16xi32>
      %sub3A = arith.constant 65536 : i32
      %sub3A_102 = vector.broadcast %sub3A : i32 to vector<16xi32>
      %sub3A_103 = arith.subi %get3A_99, %sub3A_102 : vector<16xi32>
      %select_n3A = arith.select %lt3A_101, %get3A_99, %sub3A_103 : vector<16xi1>, vector<16xi32>
      %gather3A = tpu.vector_load_idx %arg5[%select_n3A] : memref<65536xi32, #tpu.memory_space<vmem>>[vector<16xi32>], vector<16xi32>,
      %shift_left3A = arith.constant 16 : i32
      %shift_left3A_104 = vector.broadcast %shift_left3A : i32 to vector<16xi32>
      %shift_left3A_105 = arith.shli %gather3A, %shift_left3A_104 : vector<16xi32>
      %select_n3A_106 = arith.select %lt3A_101, %shift_left3A_105, %gather3A : vector<16xi1>, vector<16xi32>
      %and3A = arith.constant -65536 : i32
      %and3A_107 = vector.broadcast %and3A : i32 to vector<16xi32>
      %and3A_108 = arith.andi %select_n3A_106, %and3A_107 : vector<16xi32>
      %bitcast3A = vector.bitcast %and3A_108 : vector<16xi32> to vector<16xf32>
      %add3A_109 = arith.addf %scan3A_97, %bitcast3A : vector<16xf32>
      %scan3A_110 = arith.constant 1 : i32
      %scan3A_111 = arith.addi %scan3A_96, %scan3A_110 : i32
      %get3A_112 = arith.index_cast %scan3A_111 : i32 to index
      %get3A_113 = arith.constant 0 : index
      %get3A_114 = tpu.vector_load %arg6[%get3A_112, %get3A_113] {strides = array<i32>} : memref<200x128xi32, #tpu.memory_space<vmem>>, vector<16xi32>,
      %lt3A_115 = arith.constant 65536 : i32
      %lt3A_116 = vector.broadcast %lt3A_115 : i32 to vector<16xi32>
      %lt3A_117 = arith.cmpi slt, %get3A_114, %lt3A_116 : vector<16xi32>
      %sub3A_118 = arith.constant 65536 : i32
      %sub3A_119 = vector.broadcast %sub3A_118 : i32 to vector<16xi32>
      %sub3A_120 = arith.subi %get3A_114, %sub3A_119 : vector<16xi32>
      %select_n3A_121 = arith.select %lt3A_117, %get3A_114, %sub3A_120 : vector<16xi1>, vector<16xi32>
      %gather3A_122 = tpu.vector_load_idx %arg5[%select_n3A_121] : memref<65536xi32, #tpu.memory_space<vmem>>[vector<16xi32>], vector<16xi32>,
      %shift_left3A_123 = arith.constant 16 : i32
      %shift_left3A_124 = vector.broadcast %shift_left3A_123 : i32 to vector<16xi32>
      %shift_left3A_125 = arith.shli %gather3A_122, %shift_left3A_124 : vector<16xi32>
      %select_n3A_126 = arith.select %lt3A_117, %shift_left3A_125, %gather3A_122 : vector<16xi1>, vector<16xi32>
      %and3A_127 = arith.constant -65536 : i32
      %and3A_128 = vector.broadcast %and3A_127 : i32 to vector<16xi32>
      %and3A_129 = arith.andi %select_n3A_126, %and3A_128 : vector<16xi32>
      %bitcast3A_130 = vector.bitcast %and3A_129 : vector<16xi32> to vector<16xf32>
      %add3A_131 = arith.addf %add3A_109, %bitcast3A_130 : vector<16xf32>
      %scan3A_132 = arith.constant 2 : i32
      %scan3A_133 = arith.addi %scan3A_96, %scan3A_132 : i32
      %get3A_134 = arith.index_cast %scan3A_133 : i32 to index
      %get3A_135 = arith.constant 0 : index
      %get3A_136 = tpu.vector_load %arg6[%get3A_134, %get3A_135] {strides = array<i32>} : memref<200x128xi32, #tpu.memory_space<vmem>>, vector<16xi32>,
      %lt3A_137 = arith.constant 65536 : i32
      %lt3A_138 = vector.broadcast %lt3A_137 : i32 to vector<16xi32>
      %lt3A_139 = arith.cmpi slt, %get3A_136, %lt3A_138 : vector<16xi32>
      %sub3A_140 = arith.constant 65536 : i32
      %sub3A_141 = vector.broadcast %sub3A_140 : i32 to vector<16xi32>
      %sub3A_142 = arith.subi %get3A_136, %sub3A_141 : vector<16xi32>
      %select_n3A_143 = arith.select %lt3A_139, %get3A_136, %sub3A_142 : vector<16xi1>, vector<16xi32>
      %gather3A_144 = tpu.vector_load_idx %arg5[%select_n3A_143] : memref<65536xi32, #tpu.memory_space<vmem>>[vector<16xi32>], vector<16xi32>,
      %shift_left3A_145 = arith.constant 16 : i32
      %shift_left3A_146 = vector.broadcast %shift_left3A_145 : i32 to vector<16xi32>
      %shift_left3A_147 = arith.shli %gather3A_144, %shift_left3A_146 : vector<16xi32>
      %select_n3A_148 = arith.select %lt3A_139, %shift_left3A_147, %gather3A_144 : vector<16xi1>, vector<16xi32>
      %and3A_149 = arith.constant -65536 : i32
      %and3A_150 = vector.broadcast %and3A_149 : i32 to vector<16xi32>
      %and3A_151 = arith.andi %select_n3A_148, %and3A_150 : vector<16xi32>
      %bitcast3A_152 = vector.bitcast %and3A_151 : vector<16xi32> to vector<16xf32>
      %add3A_153 = arith.addf %add3A_131, %bitcast3A_152 : vector<16xf32>
      %scan3A_154 = arith.constant 3 : i32
      %scan3A_155 = arith.addi %scan3A_96, %scan3A_154 : i32
      %get3A_156 = arith.index_cast %scan3A_155 : i32 to index
      %get3A_157 = arith.constant 0 : index
      %get3A_158 = tpu.vector_load %arg6[%get3A_156, %get3A_157] {strides = array<i32>} : memref<200x128xi32, #tpu.memory_space<vmem>>, vector<16xi32>,
      %lt3A_159 = arith.constant 65536 : i32
      %lt3A_160 = vector.broadcast %lt3A_159 : i32 to vector<16xi32>
      %lt3A_161 = arith.cmpi slt, %get3A_158, %lt3A_160 : vector<16xi32>
      %sub3A_162 = arith.constant 65536 : i32
      %sub3A_163 = vector.broadcast %sub3A_162 : i32 to vector<16xi32>
      %sub3A_164 = arith.subi %get3A_158, %sub3A_163 : vector<16xi32>
      %select_n3A_165 = arith.select %lt3A_161, %get3A_158, %sub3A_164 : vector<16xi1>, vector<16xi32>
      %gather3A_166 = tpu.vector_load_idx %arg5[%select_n3A_165] : memref<65536xi32, #tpu.memory_space<vmem>>[vector<16xi32>], vector<16xi32>,
      %shift_left3A_167 = arith.constant 16 : i32
      %shift_left3A_168 = vector.broadcast %shift_left3A_167 : i32 to vector<16xi32>
      %shift_left3A_169 = arith.shli %gather3A_166, %shift_left3A_168 : vector<16xi32>
      %select_n3A_170 = arith.select %lt3A_161, %shift_left3A_169, %gather3A_166 : vector<16xi1>, vector<16xi32>
      %and3A_171 = arith.constant -65536 : i32
      %and3A_172 = vector.broadcast %and3A_171 : i32 to vector<16xi32>
      %and3A_173 = arith.andi %select_n3A_170, %and3A_172 : vector<16xi32>
      %bitcast3A_174 = vector.bitcast %and3A_173 : vector<16xi32> to vector<16xf32>
      %add3A_175 = arith.addf %add3A_153, %bitcast3A_174 : vector<16xf32>
      %scan3A_176 = arith.constant 4 : i32
      %scan3A_177 = arith.addi %scan3A_96, %scan3A_176 : i32
      %get3A_178 = arith.index_cast %scan3A_177 : i32 to index
      %get3A_179 = arith.constant 0 : index
      %get3A_180 = tpu.vector_load %arg6[%get3A_178, %get3A_179] {strides = array<i32>} : memref<200x128xi32, #tpu.memory_space<vmem>>, vector<16xi32>,
      %lt3A_181 = arith.constant 65536 : i32
      %lt3A_182 = vector.broadcast %lt3A_181 : i32 to vector<16xi32>
      %lt3A_183 = arith.cmpi slt, %get3A_180, %lt3A_182 : vector<16xi32>
      %sub3A_184 = arith.constant 65536 : i32
      %sub3A_185 = vector.broadcast %sub3A_184 : i32 to vector<16xi32>
      %sub3A_186 = arith.subi %get3A_180, %sub3A_185 : vector<16xi32>
      %select_n3A_187 = arith.select %lt3A_183, %get3A_180, %sub3A_186 : vector<16xi1>, vector<16xi32>
      %gather3A_188 = tpu.vector_load_idx %arg5[%select_n3A_187] : memref<65536xi32, #tpu.memory_space<vmem>>[vector<16xi32>], vector<16xi32>,
      %shift_left3A_189 = arith.constant 16 : i32
      %shift_left3A_190 = vector.broadcast %shift_left3A_189 : i32 to vector<16xi32>
      %shift_left3A_191 = arith.shli %gather3A_188, %shift_left3A_190 : vector<16xi32>
      %select_n3A_192 = arith.select %lt3A_183, %shift_left3A_191, %gather3A_188 : vector<16xi1>, vector<16xi32>
      %and3A_193 = arith.constant -65536 : i32
      %and3A_194 = vector.broadcast %and3A_193 : i32 to vector<16xi32>
      %and3A_195 = arith.andi %select_n3A_192, %and3A_194 : vector<16xi32>
      %bitcast3A_196 = vector.bitcast %and3A_195 : vector<16xi32> to vector<16xf32>
      %add3A_197 = arith.addf %add3A_175, %bitcast3A_196 : vector<16xf32>
      %scan3A_198 = arith.constant 5 : i32
      %scan3A_199 = arith.addi %scan3A_96, %scan3A_198 : i32
      %get3A_200 = arith.index_cast %scan3A_199 : i32 to index
      %get3A_201 = arith.constant 0 : index
      %get3A_202 = tpu.vector_load %arg6[%get3A_200, %get3A_201] {strides = array<i32>} : memref<200x128xi32, #tpu.memory_space<vmem>>, vector<16xi32>,
      %lt3A_203 = arith.constant 65536 : i32
      %lt3A_204 = vector.broadcast %lt3A_203 : i32 to vector<16xi32>
      %lt3A_205 = arith.cmpi slt, %get3A_202, %lt3A_204 : vector<16xi32>
      %sub3A_206 = arith.constant 65536 : i32
      %sub3A_207 = vector.broadcast %sub3A_206 : i32 to vector<16xi32>
      %sub3A_208 = arith.subi %get3A_202, %sub3A_207 : vector<16xi32>
      %select_n3A_209 = arith.select %lt3A_205, %get3A_202, %sub3A_208 : vector<16xi1>, vector<16xi32>
      %gather3A_210 = tpu.vector_load_idx %arg5[%select_n3A_209] : memref<65536xi32, #tpu.memory_space<vmem>>[vector<16xi32>], vector<16xi32>,
      %shift_left3A_211 = arith.constant 16 : i32
      %shift_left3A_212 = vector.broadcast %shift_left3A_211 : i32 to vector<16xi32>
      %shift_left3A_213 = arith.shli %gather3A_210, %shift_left3A_212 : vector<16xi32>
      %select_n3A_214 = arith.select %lt3A_205, %shift_left3A_213, %gather3A_210 : vector<16xi1>, vector<16xi32>
      %and3A_215 = arith.constant -65536 : i32
      %and3A_216 = vector.broadcast %and3A_215 : i32 to vector<16xi32>
      %and3A_217 = arith.andi %select_n3A_214, %and3A_216 : vector<16xi32>
      %bitcast3A_218 = vector.bitcast %and3A_217 : vector<16xi32> to vector<16xf32>
      %add3A_219 = arith.addf %add3A_197, %bitcast3A_218 : vector<16xf32>
      %scan3A_220 = arith.constant 6 : i32
      %scan3A_221 = arith.addi %scan3A_96, %scan3A_220 : i32
      %get3A_222 = arith.index_cast %scan3A_221 : i32 to index
      %get3A_223 = arith.constant 0 : index
      %get3A_224 = tpu.vector_load %arg6[%get3A_222, %get3A_223] {strides = array<i32>} : memref<200x128xi32, #tpu.memory_space<vmem>>, vector<16xi32>,
      %lt3A_225 = arith.constant 65536 : i32
      %lt3A_226 = vector.broadcast %lt3A_225 : i32 to vector<16xi32>
      %lt3A_227 = arith.cmpi slt, %get3A_224, %lt3A_226 : vector<16xi32>
      %sub3A_228 = arith.constant 65536 : i32
      %sub3A_229 = vector.broadcast %sub3A_228 : i32 to vector<16xi32>
      %sub3A_230 = arith.subi %get3A_224, %sub3A_229 : vector<16xi32>
      %select_n3A_231 = arith.select %lt3A_227, %get3A_224, %sub3A_230 : vector<16xi1>, vector<16xi32>
      %gather3A_232 = tpu.vector_load_idx %arg5[%select_n3A_231] : memref<65536xi32, #tpu.memory_space<vmem>>[vector<16xi32>], vector<16xi32>,
      %shift_left3A_233 = arith.constant 16 : i32
      %shift_left3A_234 = vector.broadcast %shift_left3A_233 : i32 to vector<16xi32>
      %shift_left3A_235 = arith.shli %gather3A_232, %shift_left3A_234 : vector<16xi32>
      %select_n3A_236 = arith.select %lt3A_227, %shift_left3A_235, %gather3A_232 : vector<16xi1>, vector<16xi32>
      %and3A_237 = arith.constant -65536 : i32
      %and3A_238 = vector.broadcast %and3A_237 : i32 to vector<16xi32>
      %and3A_239 = arith.andi %select_n3A_236, %and3A_238 : vector<16xi32>
      %bitcast3A_240 = vector.bitcast %and3A_239 : vector<16xi32> to vector<16xf32>
      %add3A_241 = arith.addf %add3A_219, %bitcast3A_240 : vector<16xf32>
      %scan3A_242 = arith.constant 7 : i32
      %scan3A_243 = arith.addi %scan3A_96, %scan3A_242 : i32
      %get3A_244 = arith.index_cast %scan3A_243 : i32 to index
      %get3A_245 = arith.constant 0 : index
      %get3A_246 = tpu.vector_load %arg6[%get3A_244, %get3A_245] {strides = array<i32>} : memref<200x128xi32, #tpu.memory_space<vmem>>, vector<16xi32>,
      %lt3A_247 = arith.constant 65536 : i32
      %lt3A_248 = vector.broadcast %lt3A_247 : i32 to vector<16xi32>
      %lt3A_249 = arith.cmpi slt, %get3A_246, %lt3A_248 : vector<16xi32>
      %sub3A_250 = arith.constant 65536 : i32
      %sub3A_251 = vector.broadcast %sub3A_250 : i32 to vector<16xi32>
      %sub3A_252 = arith.subi %get3A_246, %sub3A_251 : vector<16xi32>
      %select_n3A_253 = arith.select %lt3A_249, %get3A_246, %sub3A_252 : vector<16xi1>, vector<16xi32>
      %gather3A_254 = tpu.vector_load_idx %arg5[%select_n3A_253] : memref<65536xi32, #tpu.memory_space<vmem>>[vector<16xi32>], vector<16xi32>,
      %shift_left3A_255 = arith.constant 16 : i32
      %shift_left3A_256 = vector.broadcast %shift_left3A_255 : i32 to vector<16xi32>
      %shift_left3A_257 = arith.shli %gather3A_254, %shift_left3A_256 : vector<16xi32>
      %select_n3A_258 = arith.select %lt3A_249, %shift_left3A_257, %gather3A_254 : vector<16xi1>, vector<16xi32>
      %and3A_259 = arith.constant -65536 : i32
      %and3A_260 = vector.broadcast %and3A_259 : i32 to vector<16xi32>
      %and3A_261 = arith.andi %select_n3A_258, %and3A_260 : vector<16xi32>
      %bitcast3A_262 = vector.bitcast %and3A_261 : vector<16xi32> to vector<16xf32>
      %add3A_263 = arith.addf %add3A_241, %bitcast3A_262 : vector<16xf32>
      scf.yield %add3A_263 : vector<16xf32>
    }
    %scan3A_22 = arith.constant 200 : i32
    %swap3A = arith.constant 0 : index
    %swap3A_23 = tpu.vector_load %arg7[%swap3A] {strides = array<i32>} : memref<128xf32, #tpu.memory_space<vmem>>, vector<16xf32>,
    tpu.vector_store %arg7[%swap3A], %scan3A_21 {strides = array<i32>} : memref<128xf32, #tpu.memory_space<vmem>>, vector<16xf32>,
    %broadcast_in_dim3A_24 = arith.constant 0.000000e+00 : f32
    %broadcast_in_dim3A_25 = vector.broadcast %broadcast_in_dim3A_24 : f32 to vector<16xf32>
    %scan3A_26 = arith.constant 0 : i32
    %scan3A_27 = arith.constant 200 : i32
    %scan3A_28 = arith.addi %scan3A_26, %scan3A_27 : i32
    %scan3A_29 = arith.constant 8 : i32
    %scan3A_30 = scf.for %scan3A_96 = %scan3A_26 to %scan3A_28 step %scan3A_29 iter_args(%scan3A_97 = %broadcast_in_dim3A_25) -> (vector<16xf32>)  : i32 {
      %get3A = arith.index_cast %scan3A_96 : i32 to index
      %get3A_98 = arith.constant 16 : index
      %get3A_99 = tpu.vector_load %arg6[%get3A, %get3A_98] {strides = array<i32>} : memref<200x128xi32, #tpu.memory_space<vmem>>, vector<16xi32>,
      %lt3A = arith.constant 65536 : i32
      %lt3A_100 = vector.broadcast %lt3A : i32 to vector<16xi32>
      %lt3A_101 = arith.cmpi slt, %get3A_99, %lt3A_100 : vector<16xi32>
      %sub3A = arith.constant 65536 : i32
      %sub3A_102 = vector.broadcast %sub3A : i32 to vector<16xi32>
      %sub3A_103 = arith.subi %get3A_99, %sub3A_102 : vector<16xi32>
      %select_n3A = arith.select %lt3A_101, %get3A_99, %sub3A_103 : vector<16xi1>, vector<16xi32>
      %gather3A = tpu.vector_load_idx %arg5[%select_n3A] : memref<65536xi32, #tpu.memory_space<vmem>>[vector<16xi32>], vector<16xi32>,
      %shift_left3A = arith.constant 16 : i32
      %shift_left3A_104 = vector.broadcast %shift_left3A : i32 to vector<16xi32>
      %shift_left3A_105 = arith.shli %gather3A, %shift_left3A_104 : vector<16xi32>
      %select_n3A_106 = arith.select %lt3A_101, %shift_left3A_105, %gather3A : vector<16xi1>, vector<16xi32>
      %and3A = arith.constant -65536 : i32
      %and3A_107 = vector.broadcast %and3A : i32 to vector<16xi32>
      %and3A_108 = arith.andi %select_n3A_106, %and3A_107 : vector<16xi32>
      %bitcast3A = vector.bitcast %and3A_108 : vector<16xi32> to vector<16xf32>
      %add3A_109 = arith.addf %scan3A_97, %bitcast3A : vector<16xf32>
      %scan3A_110 = arith.constant 1 : i32
      %scan3A_111 = arith.addi %scan3A_96, %scan3A_110 : i32
      %get3A_112 = arith.index_cast %scan3A_111 : i32 to index
      %get3A_113 = arith.constant 16 : index
      %get3A_114 = tpu.vector_load %arg6[%get3A_112, %get3A_113] {strides = array<i32>} : memref<200x128xi32, #tpu.memory_space<vmem>>, vector<16xi32>,
      %lt3A_115 = arith.constant 65536 : i32
      %lt3A_116 = vector.broadcast %lt3A_115 : i32 to vector<16xi32>
      %lt3A_117 = arith.cmpi slt, %get3A_114, %lt3A_116 : vector<16xi32>
      %sub3A_118 = arith.constant 65536 : i32
      %sub3A_119 = vector.broadcast %sub3A_118 : i32 to vector<16xi32>
      %sub3A_120 = arith.subi %get3A_114, %sub3A_119 : vector<16xi32>
      %select_n3A_121 = arith.select %lt3A_117, %get3A_114, %sub3A_120 : vector<16xi1>, vector<16xi32>
      %gather3A_122 = tpu.vector_load_idx %arg5[%select_n3A_121] : memref<65536xi32, #tpu.memory_space<vmem>>[vector<16xi32>], vector<16xi32>,
      %shift_left3A_123 = arith.constant 16 : i32
      %shift_left3A_124 = vector.broadcast %shift_left3A_123 : i32 to vector<16xi32>
      %shift_left3A_125 = arith.shli %gather3A_122, %shift_left3A_124 : vector<16xi32>
      %select_n3A_126 = arith.select %lt3A_117, %shift_left3A_125, %gather3A_122 : vector<16xi1>, vector<16xi32>
      %and3A_127 = arith.constant -65536 : i32
      %and3A_128 = vector.broadcast %and3A_127 : i32 to vector<16xi32>
      %and3A_129 = arith.andi %select_n3A_126, %and3A_128 : vector<16xi32>
      %bitcast3A_130 = vector.bitcast %and3A_129 : vector<16xi32> to vector<16xf32>
      %add3A_131 = arith.addf %add3A_109, %bitcast3A_130 : vector<16xf32>
      %scan3A_132 = arith.constant 2 : i32
      %scan3A_133 = arith.addi %scan3A_96, %scan3A_132 : i32
      %get3A_134 = arith.index_cast %scan3A_133 : i32 to index
      %get3A_135 = arith.constant 16 : index
      %get3A_136 = tpu.vector_load %arg6[%get3A_134, %get3A_135] {strides = array<i32>} : memref<200x128xi32, #tpu.memory_space<vmem>>, vector<16xi32>,
      %lt3A_137 = arith.constant 65536 : i32
      %lt3A_138 = vector.broadcast %lt3A_137 : i32 to vector<16xi32>
      %lt3A_139 = arith.cmpi slt, %get3A_136, %lt3A_138 : vector<16xi32>
      %sub3A_140 = arith.constant 65536 : i32
      %sub3A_141 = vector.broadcast %sub3A_140 : i32 to vector<16xi32>
      %sub3A_142 = arith.subi %get3A_136, %sub3A_141 : vector<16xi32>
      %select_n3A_143 = arith.select %lt3A_139, %get3A_136, %sub3A_142 : vector<16xi1>, vector<16xi32>
      %gather3A_144 = tpu.vector_load_idx %arg5[%select_n3A_143] : memref<65536xi32, #tpu.memory_space<vmem>>[vector<16xi32>], vector<16xi32>,
      %shift_left3A_145 = arith.constant 16 : i32
      %shift_left3A_146 = vector.broadcast %shift_left3A_145 : i32 to vector<16xi32>
      %shift_left3A_147 = arith.shli %gather3A_144, %shift_left3A_146 : vector<16xi32>
      %select_n3A_148 = arith.select %lt3A_139, %shift_left3A_147, %gather3A_144 : vector<16xi1>, vector<16xi32>
      %and3A_149 = arith.constant -65536 : i32
      %and3A_150 = vector.broadcast %and3A_149 : i32 to vector<16xi32>
      %and3A_151 = arith.andi %select_n3A_148, %and3A_150 : vector<16xi32>
      %bitcast3A_152 = vector.bitcast %and3A_151 : vector<16xi32> to vector<16xf32>
      %add3A_153 = arith.addf %add3A_131, %bitcast3A_152 : vector<16xf32>
      %scan3A_154 = arith.constant 3 : i32
      %scan3A_155 = arith.addi %scan3A_96, %scan3A_154 : i32
      %get3A_156 = arith.index_cast %scan3A_155 : i32 to index
      %get3A_157 = arith.constant 16 : index
      %get3A_158 = tpu.vector_load %arg6[%get3A_156, %get3A_157] {strides = array<i32>} : memref<200x128xi32, #tpu.memory_space<vmem>>, vector<16xi32>,
      %lt3A_159 = arith.constant 65536 : i32
      %lt3A_160 = vector.broadcast %lt3A_159 : i32 to vector<16xi32>
      %lt3A_161 = arith.cmpi slt, %get3A_158, %lt3A_160 : vector<16xi32>
      %sub3A_162 = arith.constant 65536 : i32
      %sub3A_163 = vector.broadcast %sub3A_162 : i32 to vector<16xi32>
      %sub3A_164 = arith.subi %get3A_158, %sub3A_163 : vector<16xi32>
      %select_n3A_165 = arith.select %lt3A_161, %get3A_158, %sub3A_164 : vector<16xi1>, vector<16xi32>
      %gather3A_166 = tpu.vector_load_idx %arg5[%select_n3A_165] : memref<65536xi32, #tpu.memory_space<vmem>>[vector<16xi32>], vector<16xi32>,
      %shift_left3A_167 = arith.constant 16 : i32
      %shift_left3A_168 = vector.broadcast %shift_left3A_167 : i32 to vector<16xi32>
      %shift_left3A_169 = arith.shli %gather3A_166, %shift_left3A_168 : vector<16xi32>
      %select_n3A_170 = arith.select %lt3A_161, %shift_left3A_169, %gather3A_166 : vector<16xi1>, vector<16xi32>
      %and3A_171 = arith.constant -65536 : i32
      %and3A_172 = vector.broadcast %and3A_171 : i32 to vector<16xi32>
      %and3A_173 = arith.andi %select_n3A_170, %and3A_172 : vector<16xi32>
      %bitcast3A_174 = vector.bitcast %and3A_173 : vector<16xi32> to vector<16xf32>
      %add3A_175 = arith.addf %add3A_153, %bitcast3A_174 : vector<16xf32>
      %scan3A_176 = arith.constant 4 : i32
      %scan3A_177 = arith.addi %scan3A_96, %scan3A_176 : i32
      %get3A_178 = arith.index_cast %scan3A_177 : i32 to index
      %get3A_179 = arith.constant 16 : index
      %get3A_180 = tpu.vector_load %arg6[%get3A_178, %get3A_179] {strides = array<i32>} : memref<200x128xi32, #tpu.memory_space<vmem>>, vector<16xi32>,
      %lt3A_181 = arith.constant 65536 : i32
      %lt3A_182 = vector.broadcast %lt3A_181 : i32 to vector<16xi32>
      %lt3A_183 = arith.cmpi slt, %get3A_180, %lt3A_182 : vector<16xi32>
      %sub3A_184 = arith.constant 65536 : i32
      %sub3A_185 = vector.broadcast %sub3A_184 : i32 to vector<16xi32>
      %sub3A_186 = arith.subi %get3A_180, %sub3A_185 : vector<16xi32>
      %select_n3A_187 = arith.select %lt3A_183, %get3A_180, %sub3A_186 : vector<16xi1>, vector<16xi32>
      %gather3A_188 = tpu.vector_load_idx %arg5[%select_n3A_187] : memref<65536xi32, #tpu.memory_space<vmem>>[vector<16xi32>], vector<16xi32>,
      %shift_left3A_189 = arith.constant 16 : i32
      %shift_left3A_190 = vector.broadcast %shift_left3A_189 : i32 to vector<16xi32>
      %shift_left3A_191 = arith.shli %gather3A_188, %shift_left3A_190 : vector<16xi32>
      %select_n3A_192 = arith.select %lt3A_183, %shift_left3A_191, %gather3A_188 : vector<16xi1>, vector<16xi32>
      %and3A_193 = arith.constant -65536 : i32
      %and3A_194 = vector.broadcast %and3A_193 : i32 to vector<16xi32>
      %and3A_195 = arith.andi %select_n3A_192, %and3A_194 : vector<16xi32>
      %bitcast3A_196 = vector.bitcast %and3A_195 : vector<16xi32> to vector<16xf32>
      %add3A_197 = arith.addf %add3A_175, %bitcast3A_196 : vector<16xf32>
      %scan3A_198 = arith.constant 5 : i32
      %scan3A_199 = arith.addi %scan3A_96, %scan3A_198 : i32
      %get3A_200 = arith.index_cast %scan3A_199 : i32 to index
      %get3A_201 = arith.constant 16 : index
      %get3A_202 = tpu.vector_load %arg6[%get3A_200, %get3A_201] {strides = array<i32>} : memref<200x128xi32, #tpu.memory_space<vmem>>, vector<16xi32>,
      %lt3A_203 = arith.constant 65536 : i32
      %lt3A_204 = vector.broadcast %lt3A_203 : i32 to vector<16xi32>
      %lt3A_205 = arith.cmpi slt, %get3A_202, %lt3A_204 : vector<16xi32>
      %sub3A_206 = arith.constant 65536 : i32
      %sub3A_207 = vector.broadcast %sub3A_206 : i32 to vector<16xi32>
      %sub3A_208 = arith.subi %get3A_202, %sub3A_207 : vector<16xi32>
      %select_n3A_209 = arith.select %lt3A_205, %get3A_202, %sub3A_208 : vector<16xi1>, vector<16xi32>
      %gather3A_210 = tpu.vector_load_idx %arg5[%select_n3A_209] : memref<65536xi32, #tpu.memory_space<vmem>>[vector<16xi32>], vector<16xi32>,
      %shift_left3A_211 = arith.constant 16 : i32
      %shift_left3A_212 = vector.broadcast %shift_left3A_211 : i32 to vector<16xi32>
      %shift_left3A_213 = arith.shli %gather3A_210, %shift_left3A_212 : vector<16xi32>
      %select_n3A_214 = arith.select %lt3A_205, %shift_left3A_213, %gather3A_210 : vector<16xi1>, vector<16xi32>
      %and3A_215 = arith.constant -65536 : i32
      %and3A_216 = vector.broadcast %and3A_215 : i32 to vector<16xi32>
      %and3A_217 = arith.andi %select_n3A_214, %and3A_216 : vector<16xi32>
      %bitcast3A_218 = vector.bitcast %and3A_217 : vector<16xi32> to vector<16xf32>
      %add3A_219 = arith.addf %add3A_197, %bitcast3A_218 : vector<16xf32>
      %scan3A_220 = arith.constant 6 : i32
      %scan3A_221 = arith.addi %scan3A_96, %scan3A_220 : i32
      %get3A_222 = arith.index_cast %scan3A_221 : i32 to index
      %get3A_223 = arith.constant 16 : index
      %get3A_224 = tpu.vector_load %arg6[%get3A_222, %get3A_223] {strides = array<i32>} : memref<200x128xi32, #tpu.memory_space<vmem>>, vector<16xi32>,
      %lt3A_225 = arith.constant 65536 : i32
      %lt3A_226 = vector.broadcast %lt3A_225 : i32 to vector<16xi32>
      %lt3A_227 = arith.cmpi slt, %get3A_224, %lt3A_226 : vector<16xi32>
      %sub3A_228 = arith.constant 65536 : i32
      %sub3A_229 = vector.broadcast %sub3A_228 : i32 to vector<16xi32>
      %sub3A_230 = arith.subi %get3A_224, %sub3A_229 : vector<16xi32>
      %select_n3A_231 = arith.select %lt3A_227, %get3A_224, %sub3A_230 : vector<16xi1>, vector<16xi32>
      %gather3A_232 = tpu.vector_load_idx %arg5[%select_n3A_231] : memref<65536xi32, #tpu.memory_space<vmem>>[vector<16xi32>], vector<16xi32>,
      %shift_left3A_233 = arith.constant 16 : i32
      %shift_left3A_234 = vector.broadcast %shift_left3A_233 : i32 to vector<16xi32>
      %shift_left3A_235 = arith.shli %gather3A_232, %shift_left3A_234 : vector<16xi32>
      %select_n3A_236 = arith.select %lt3A_227, %shift_left3A_235, %gather3A_232 : vector<16xi1>, vector<16xi32>
      %and3A_237 = arith.constant -65536 : i32
      %and3A_238 = vector.broadcast %and3A_237 : i32 to vector<16xi32>
      %and3A_239 = arith.andi %select_n3A_236, %and3A_238 : vector<16xi32>
      %bitcast3A_240 = vector.bitcast %and3A_239 : vector<16xi32> to vector<16xf32>
      %add3A_241 = arith.addf %add3A_219, %bitcast3A_240 : vector<16xf32>
      %scan3A_242 = arith.constant 7 : i32
      %scan3A_243 = arith.addi %scan3A_96, %scan3A_242 : i32
      %get3A_244 = arith.index_cast %scan3A_243 : i32 to index
      %get3A_245 = arith.constant 16 : index
      %get3A_246 = tpu.vector_load %arg6[%get3A_244, %get3A_245] {strides = array<i32>} : memref<200x128xi32, #tpu.memory_space<vmem>>, vector<16xi32>,
      %lt3A_247 = arith.constant 65536 : i32
      %lt3A_248 = vector.broadcast %lt3A_247 : i32 to vector<16xi32>
      %lt3A_249 = arith.cmpi slt, %get3A_246, %lt3A_248 : vector<16xi32>
      %sub3A_250 = arith.constant 65536 : i32
      %sub3A_251 = vector.broadcast %sub3A_250 : i32 to vector<16xi32>
      %sub3A_252 = arith.subi %get3A_246, %sub3A_251 : vector<16xi32>
      %select_n3A_253 = arith.select %lt3A_249, %get3A_246, %sub3A_252 : vector<16xi1>, vector<16xi32>
      %gather3A_254 = tpu.vector_load_idx %arg5[%select_n3A_253] : memref<65536xi32, #tpu.memory_space<vmem>>[vector<16xi32>], vector<16xi32>,
      %shift_left3A_255 = arith.constant 16 : i32
      %shift_left3A_256 = vector.broadcast %shift_left3A_255 : i32 to vector<16xi32>
      %shift_left3A_257 = arith.shli %gather3A_254, %shift_left3A_256 : vector<16xi32>
      %select_n3A_258 = arith.select %lt3A_249, %shift_left3A_257, %gather3A_254 : vector<16xi1>, vector<16xi32>
      %and3A_259 = arith.constant -65536 : i32
      %and3A_260 = vector.broadcast %and3A_259 : i32 to vector<16xi32>
      %and3A_261 = arith.andi %select_n3A_258, %and3A_260 : vector<16xi32>
      %bitcast3A_262 = vector.bitcast %and3A_261 : vector<16xi32> to vector<16xf32>
      %add3A_263 = arith.addf %add3A_241, %bitcast3A_262 : vector<16xf32>
      scf.yield %add3A_263 : vector<16xf32>
    }
    %scan3A_31 = arith.constant 200 : i32
    %swap3A_32 = arith.constant 16 : index
    %swap3A_33 = tpu.vector_load %arg7[%swap3A_32] {strides = array<i32>} : memref<128xf32, #tpu.memory_space<vmem>>, vector<16xf32>,
    tpu.vector_store %arg7[%swap3A_32], %scan3A_30 {strides = array<i32>} : memref<128xf32, #tpu.memory_space<vmem>>, vector<16xf32>,
    %broadcast_in_dim3A_34 = arith.constant 0.000000e+00 : f32
    %broadcast_in_dim3A_35 = vector.broadcast %broadcast_in_dim3A_34 : f32 to vector<16xf32>
    %scan3A_36 = arith.constant 0 : i32
    %scan3A_37 = arith.constant 200 : i32
    %scan3A_38 = arith.addi %scan3A_36, %scan3A_37 : i32
    %scan3A_39 = arith.constant 8 : i32
    %scan3A_40 = scf.for %scan3A_96 = %scan3A_36 to %scan3A_38 step %scan3A_39 iter_args(%scan3A_97 = %broadcast_in_dim3A_35) -> (vector<16xf32>)  : i32 {
      %get3A = arith.index_cast %scan3A_96 : i32 to index
      %get3A_98 = arith.constant 32 : index
      %get3A_99 = tpu.vector_load %arg6[%get3A, %get3A_98] {strides = array<i32>} : memref<200x128xi32, #tpu.memory_space<vmem>>, vector<16xi32>,
      %lt3A = arith.constant 65536 : i32
      %lt3A_100 = vector.broadcast %lt3A : i32 to vector<16xi32>
      %lt3A_101 = arith.cmpi slt, %get3A_99, %lt3A_100 : vector<16xi32>
      %sub3A = arith.constant 65536 : i32
      %sub3A_102 = vector.broadcast %sub3A : i32 to vector<16xi32>
      %sub3A_103 = arith.subi %get3A_99, %sub3A_102 : vector<16xi32>
      %select_n3A = arith.select %lt3A_101, %get3A_99, %sub3A_103 : vector<16xi1>, vector<16xi32>
      %gather3A = tpu.vector_load_idx %arg5[%select_n3A] : memref<65536xi32, #tpu.memory_space<vmem>>[vector<16xi32>], vector<16xi32>,
      %shift_left3A = arith.constant 16 : i32
      %shift_left3A_104 = vector.broadcast %shift_left3A : i32 to vector<16xi32>
      %shift_left3A_105 = arith.shli %gather3A, %shift_left3A_104 : vector<16xi32>
      %select_n3A_106 = arith.select %lt3A_101, %shift_left3A_105, %gather3A : vector<16xi1>, vector<16xi32>
      %and3A = arith.constant -65536 : i32
      %and3A_107 = vector.broadcast %and3A : i32 to vector<16xi32>
      %and3A_108 = arith.andi %select_n3A_106, %and3A_107 : vector<16xi32>
      %bitcast3A = vector.bitcast %and3A_108 : vector<16xi32> to vector<16xf32>
      %add3A_109 = arith.addf %scan3A_97, %bitcast3A : vector<16xf32>
      %scan3A_110 = arith.constant 1 : i32
      %scan3A_111 = arith.addi %scan3A_96, %scan3A_110 : i32
      %get3A_112 = arith.index_cast %scan3A_111 : i32 to index
      %get3A_113 = arith.constant 32 : index
      %get3A_114 = tpu.vector_load %arg6[%get3A_112, %get3A_113] {strides = array<i32>} : memref<200x128xi32, #tpu.memory_space<vmem>>, vector<16xi32>,
      %lt3A_115 = arith.constant 65536 : i32
      %lt3A_116 = vector.broadcast %lt3A_115 : i32 to vector<16xi32>
      %lt3A_117 = arith.cmpi slt, %get3A_114, %lt3A_116 : vector<16xi32>
      %sub3A_118 = arith.constant 65536 : i32
      %sub3A_119 = vector.broadcast %sub3A_118 : i32 to vector<16xi32>
      %sub3A_120 = arith.subi %get3A_114, %sub3A_119 : vector<16xi32>
      %select_n3A_121 = arith.select %lt3A_117, %get3A_114, %sub3A_120 : vector<16xi1>, vector<16xi32>
      %gather3A_122 = tpu.vector_load_idx %arg5[%select_n3A_121] : memref<65536xi32, #tpu.memory_space<vmem>>[vector<16xi32>], vector<16xi32>,
      %shift_left3A_123 = arith.constant 16 : i32
      %shift_left3A_124 = vector.broadcast %shift_left3A_123 : i32 to vector<16xi32>
      %shift_left3A_125 = arith.shli %gather3A_122, %shift_left3A_124 : vector<16xi32>
      %select_n3A_126 = arith.select %lt3A_117, %shift_left3A_125, %gather3A_122 : vector<16xi1>, vector<16xi32>
      %and3A_127 = arith.constant -65536 : i32
      %and3A_128 = vector.broadcast %and3A_127 : i32 to vector<16xi32>
      %and3A_129 = arith.andi %select_n3A_126, %and3A_128 : vector<16xi32>
      %bitcast3A_130 = vector.bitcast %and3A_129 : vector<16xi32> to vector<16xf32>
      %add3A_131 = arith.addf %add3A_109, %bitcast3A_130 : vector<16xf32>
      %scan3A_132 = arith.constant 2 : i32
      %scan3A_133 = arith.addi %scan3A_96, %scan3A_132 : i32
      %get3A_134 = arith.index_cast %scan3A_133 : i32 to index
      %get3A_135 = arith.constant 32 : index
      %get3A_136 = tpu.vector_load %arg6[%get3A_134, %get3A_135] {strides = array<i32>} : memref<200x128xi32, #tpu.memory_space<vmem>>, vector<16xi32>,
      %lt3A_137 = arith.constant 65536 : i32
      %lt3A_138 = vector.broadcast %lt3A_137 : i32 to vector<16xi32>
      %lt3A_139 = arith.cmpi slt, %get3A_136, %lt3A_138 : vector<16xi32>
      %sub3A_140 = arith.constant 65536 : i32
      %sub3A_141 = vector.broadcast %sub3A_140 : i32 to vector<16xi32>
      %sub3A_142 = arith.subi %get3A_136, %sub3A_141 : vector<16xi32>
      %select_n3A_143 = arith.select %lt3A_139, %get3A_136, %sub3A_142 : vector<16xi1>, vector<16xi32>
      %gather3A_144 = tpu.vector_load_idx %arg5[%select_n3A_143] : memref<65536xi32, #tpu.memory_space<vmem>>[vector<16xi32>], vector<16xi32>,
      %shift_left3A_145 = arith.constant 16 : i32
      %shift_left3A_146 = vector.broadcast %shift_left3A_145 : i32 to vector<16xi32>
      %shift_left3A_147 = arith.shli %gather3A_144, %shift_left3A_146 : vector<16xi32>
      %select_n3A_148 = arith.select %lt3A_139, %shift_left3A_147, %gather3A_144 : vector<16xi1>, vector<16xi32>
      %and3A_149 = arith.constant -65536 : i32
      %and3A_150 = vector.broadcast %and3A_149 : i32 to vector<16xi32>
      %and3A_151 = arith.andi %select_n3A_148, %and3A_150 : vector<16xi32>
      %bitcast3A_152 = vector.bitcast %and3A_151 : vector<16xi32> to vector<16xf32>
      %add3A_153 = arith.addf %add3A_131, %bitcast3A_152 : vector<16xf32>
      %scan3A_154 = arith.constant 3 : i32
      %scan3A_155 = arith.addi %scan3A_96, %scan3A_154 : i32
      %get3A_156 = arith.index_cast %scan3A_155 : i32 to index
      %get3A_157 = arith.constant 32 : index
      %get3A_158 = tpu.vector_load %arg6[%get3A_156, %get3A_157] {strides = array<i32>} : memref<200x128xi32, #tpu.memory_space<vmem>>, vector<16xi32>,
      %lt3A_159 = arith.constant 65536 : i32
      %lt3A_160 = vector.broadcast %lt3A_159 : i32 to vector<16xi32>
      %lt3A_161 = arith.cmpi slt, %get3A_158, %lt3A_160 : vector<16xi32>
      %sub3A_162 = arith.constant 65536 : i32
      %sub3A_163 = vector.broadcast %sub3A_162 : i32 to vector<16xi32>
      %sub3A_164 = arith.subi %get3A_158, %sub3A_163 : vector<16xi32>
      %select_n3A_165 = arith.select %lt3A_161, %get3A_158, %sub3A_164 : vector<16xi1>, vector<16xi32>
      %gather3A_166 = tpu.vector_load_idx %arg5[%select_n3A_165] : memref<65536xi32, #tpu.memory_space<vmem>>[vector<16xi32>], vector<16xi32>,
      %shift_left3A_167 = arith.constant 16 : i32
      %shift_left3A_168 = vector.broadcast %shift_left3A_167 : i32 to vector<16xi32>
      %shift_left3A_169 = arith.shli %gather3A_166, %shift_left3A_168 : vector<16xi32>
      %select_n3A_170 = arith.select %lt3A_161, %shift_left3A_169, %gather3A_166 : vector<16xi1>, vector<16xi32>
      %and3A_171 = arith.constant -65536 : i32
      %and3A_172 = vector.broadcast %and3A_171 : i32 to vector<16xi32>
      %and3A_173 = arith.andi %select_n3A_170, %and3A_172 : vector<16xi32>
      %bitcast3A_174 = vector.bitcast %and3A_173 : vector<16xi32> to vector<16xf32>
      %add3A_175 = arith.addf %add3A_153, %bitcast3A_174 : vector<16xf32>
      %scan3A_176 = arith.constant 4 : i32
      %scan3A_177 = arith.addi %scan3A_96, %scan3A_176 : i32
      %get3A_178 = arith.index_cast %scan3A_177 : i32 to index
      %get3A_179 = arith.constant 32 : index
      %get3A_180 = tpu.vector_load %arg6[%get3A_178, %get3A_179] {strides = array<i32>} : memref<200x128xi32, #tpu.memory_space<vmem>>, vector<16xi32>,
      %lt3A_181 = arith.constant 65536 : i32
      %lt3A_182 = vector.broadcast %lt3A_181 : i32 to vector<16xi32>
      %lt3A_183 = arith.cmpi slt, %get3A_180, %lt3A_182 : vector<16xi32>
      %sub3A_184 = arith.constant 65536 : i32
      %sub3A_185 = vector.broadcast %sub3A_184 : i32 to vector<16xi32>
      %sub3A_186 = arith.subi %get3A_180, %sub3A_185 : vector<16xi32>
      %select_n3A_187 = arith.select %lt3A_183, %get3A_180, %sub3A_186 : vector<16xi1>, vector<16xi32>
      %gather3A_188 = tpu.vector_load_idx %arg5[%select_n3A_187] : memref<65536xi32, #tpu.memory_space<vmem>>[vector<16xi32>], vector<16xi32>,
      %shift_left3A_189 = arith.constant 16 : i32
      %shift_left3A_190 = vector.broadcast %shift_left3A_189 : i32 to vector<16xi32>
      %shift_left3A_191 = arith.shli %gather3A_188, %shift_left3A_190 : vector<16xi32>
      %select_n3A_192 = arith.select %lt3A_183, %shift_left3A_191, %gather3A_188 : vector<16xi1>, vector<16xi32>
      %and3A_193 = arith.constant -65536 : i32
      %and3A_194 = vector.broadcast %and3A_193 : i32 to vector<16xi32>
      %and3A_195 = arith.andi %select_n3A_192, %and3A_194 : vector<16xi32>
      %bitcast3A_196 = vector.bitcast %and3A_195 : vector<16xi32> to vector<16xf32>
      %add3A_197 = arith.addf %add3A_175, %bitcast3A_196 : vector<16xf32>
      %scan3A_198 = arith.constant 5 : i32
      %scan3A_199 = arith.addi %scan3A_96, %scan3A_198 : i32
      %get3A_200 = arith.index_cast %scan3A_199 : i32 to index
      %get3A_201 = arith.constant 32 : index
      %get3A_202 = tpu.vector_load %arg6[%get3A_200, %get3A_201] {strides = array<i32>} : memref<200x128xi32, #tpu.memory_space<vmem>>, vector<16xi32>,
      %lt3A_203 = arith.constant 65536 : i32
      %lt3A_204 = vector.broadcast %lt3A_203 : i32 to vector<16xi32>
      %lt3A_205 = arith.cmpi slt, %get3A_202, %lt3A_204 : vector<16xi32>
      %sub3A_206 = arith.constant 65536 : i32
      %sub3A_207 = vector.broadcast %sub3A_206 : i32 to vector<16xi32>
      %sub3A_208 = arith.subi %get3A_202, %sub3A_207 : vector<16xi32>
      %select_n3A_209 = arith.select %lt3A_205, %get3A_202, %sub3A_208 : vector<16xi1>, vector<16xi32>
      %gather3A_210 = tpu.vector_load_idx %arg5[%select_n3A_209] : memref<65536xi32, #tpu.memory_space<vmem>>[vector<16xi32>], vector<16xi32>,
      %shift_left3A_211 = arith.constant 16 : i32
      %shift_left3A_212 = vector.broadcast %shift_left3A_211 : i32 to vector<16xi32>
      %shift_left3A_213 = arith.shli %gather3A_210, %shift_left3A_212 : vector<16xi32>
      %select_n3A_214 = arith.select %lt3A_205, %shift_left3A_213, %gather3A_210 : vector<16xi1>, vector<16xi32>
      %and3A_215 = arith.constant -65536 : i32
      %and3A_216 = vector.broadcast %and3A_215 : i32 to vector<16xi32>
      %and3A_217 = arith.andi %select_n3A_214, %and3A_216 : vector<16xi32>
      %bitcast3A_218 = vector.bitcast %and3A_217 : vector<16xi32> to vector<16xf32>
      %add3A_219 = arith.addf %add3A_197, %bitcast3A_218 : vector<16xf32>
      %scan3A_220 = arith.constant 6 : i32
      %scan3A_221 = arith.addi %scan3A_96, %scan3A_220 : i32
      %get3A_222 = arith.index_cast %scan3A_221 : i32 to index
      %get3A_223 = arith.constant 32 : index
      %get3A_224 = tpu.vector_load %arg6[%get3A_222, %get3A_223] {strides = array<i32>} : memref<200x128xi32, #tpu.memory_space<vmem>>, vector<16xi32>,
      %lt3A_225 = arith.constant 65536 : i32
      %lt3A_226 = vector.broadcast %lt3A_225 : i32 to vector<16xi32>
      %lt3A_227 = arith.cmpi slt, %get3A_224, %lt3A_226 : vector<16xi32>
      %sub3A_228 = arith.constant 65536 : i32
      %sub3A_229 = vector.broadcast %sub3A_228 : i32 to vector<16xi32>
      %sub3A_230 = arith.subi %get3A_224, %sub3A_229 : vector<16xi32>
      %select_n3A_231 = arith.select %lt3A_227, %get3A_224, %sub3A_230 : vector<16xi1>, vector<16xi32>
      %gather3A_232 = tpu.vector_load_idx %arg5[%select_n3A_231] : memref<65536xi32, #tpu.memory_space<vmem>>[vector<16xi32>], vector<16xi32>,
      %shift_left3A_233 = arith.constant 16 : i32
      %shift_left3A_234 = vector.broadcast %shift_left3A_233 : i32 to vector<16xi32>
      %shift_left3A_235 = arith.shli %gather3A_232, %shift_left3A_234 : vector<16xi32>
      %select_n3A_236 = arith.select %lt3A_227, %shift_left3A_235, %gather3A_232 : vector<16xi1>, vector<16xi32>
      %and3A_237 = arith.constant -65536 : i32
      %and3A_238 = vector.broadcast %and3A_237 : i32 to vector<16xi32>
      %and3A_239 = arith.andi %select_n3A_236, %and3A_238 : vector<16xi32>
      %bitcast3A_240 = vector.bitcast %and3A_239 : vector<16xi32> to vector<16xf32>
      %add3A_241 = arith.addf %add3A_219, %bitcast3A_240 : vector<16xf32>
      %scan3A_242 = arith.constant 7 : i32
      %scan3A_243 = arith.addi %scan3A_96, %scan3A_242 : i32
      %get3A_244 = arith.index_cast %scan3A_243 : i32 to index
      %get3A_245 = arith.constant 32 : index
      %get3A_246 = tpu.vector_load %arg6[%get3A_244, %get3A_245] {strides = array<i32>} : memref<200x128xi32, #tpu.memory_space<vmem>>, vector<16xi32>,
      %lt3A_247 = arith.constant 65536 : i32
      %lt3A_248 = vector.broadcast %lt3A_247 : i32 to vector<16xi32>
      %lt3A_249 = arith.cmpi slt, %get3A_246, %lt3A_248 : vector<16xi32>
      %sub3A_250 = arith.constant 65536 : i32
      %sub3A_251 = vector.broadcast %sub3A_250 : i32 to vector<16xi32>
      %sub3A_252 = arith.subi %get3A_246, %sub3A_251 : vector<16xi32>
      %select_n3A_253 = arith.select %lt3A_249, %get3A_246, %sub3A_252 : vector<16xi1>, vector<16xi32>
      %gather3A_254 = tpu.vector_load_idx %arg5[%select_n3A_253] : memref<65536xi32, #tpu.memory_space<vmem>>[vector<16xi32>], vector<16xi32>,
      %shift_left3A_255 = arith.constant 16 : i32
      %shift_left3A_256 = vector.broadcast %shift_left3A_255 : i32 to vector<16xi32>
      %shift_left3A_257 = arith.shli %gather3A_254, %shift_left3A_256 : vector<16xi32>
      %select_n3A_258 = arith.select %lt3A_249, %shift_left3A_257, %gather3A_254 : vector<16xi1>, vector<16xi32>
      %and3A_259 = arith.constant -65536 : i32
      %and3A_260 = vector.broadcast %and3A_259 : i32 to vector<16xi32>
      %and3A_261 = arith.andi %select_n3A_258, %and3A_260 : vector<16xi32>
      %bitcast3A_262 = vector.bitcast %and3A_261 : vector<16xi32> to vector<16xf32>
      %add3A_263 = arith.addf %add3A_241, %bitcast3A_262 : vector<16xf32>
      scf.yield %add3A_263 : vector<16xf32>
    }
    %scan3A_41 = arith.constant 200 : i32
    %swap3A_42 = arith.constant 32 : index
    %swap3A_43 = tpu.vector_load %arg7[%swap3A_42] {strides = array<i32>} : memref<128xf32, #tpu.memory_space<vmem>>, vector<16xf32>,
    tpu.vector_store %arg7[%swap3A_42], %scan3A_40 {strides = array<i32>} : memref<128xf32, #tpu.memory_space<vmem>>, vector<16xf32>,
    %broadcast_in_dim3A_44 = arith.constant 0.000000e+00 : f32
    %broadcast_in_dim3A_45 = vector.broadcast %broadcast_in_dim3A_44 : f32 to vector<16xf32>
    %scan3A_46 = arith.constant 0 : i32
    %scan3A_47 = arith.constant 200 : i32
    %scan3A_48 = arith.addi %scan3A_46, %scan3A_47 : i32
    %scan3A_49 = arith.constant 8 : i32
    %scan3A_50 = scf.for %scan3A_96 = %scan3A_46 to %scan3A_48 step %scan3A_49 iter_args(%scan3A_97 = %broadcast_in_dim3A_45) -> (vector<16xf32>)  : i32 {
      %get3A = arith.index_cast %scan3A_96 : i32 to index
      %get3A_98 = arith.constant 48 : index
      %get3A_99 = tpu.vector_load %arg6[%get3A, %get3A_98] {strides = array<i32>} : memref<200x128xi32, #tpu.memory_space<vmem>>, vector<16xi32>,
      %lt3A = arith.constant 65536 : i32
      %lt3A_100 = vector.broadcast %lt3A : i32 to vector<16xi32>
      %lt3A_101 = arith.cmpi slt, %get3A_99, %lt3A_100 : vector<16xi32>
      %sub3A = arith.constant 65536 : i32
      %sub3A_102 = vector.broadcast %sub3A : i32 to vector<16xi32>
      %sub3A_103 = arith.subi %get3A_99, %sub3A_102 : vector<16xi32>
      %select_n3A = arith.select %lt3A_101, %get3A_99, %sub3A_103 : vector<16xi1>, vector<16xi32>
      %gather3A = tpu.vector_load_idx %arg5[%select_n3A] : memref<65536xi32, #tpu.memory_space<vmem>>[vector<16xi32>], vector<16xi32>,
      %shift_left3A = arith.constant 16 : i32
      %shift_left3A_104 = vector.broadcast %shift_left3A : i32 to vector<16xi32>
      %shift_left3A_105 = arith.shli %gather3A, %shift_left3A_104 : vector<16xi32>
      %select_n3A_106 = arith.select %lt3A_101, %shift_left3A_105, %gather3A : vector<16xi1>, vector<16xi32>
      %and3A = arith.constant -65536 : i32
      %and3A_107 = vector.broadcast %and3A : i32 to vector<16xi32>
      %and3A_108 = arith.andi %select_n3A_106, %and3A_107 : vector<16xi32>
      %bitcast3A = vector.bitcast %and3A_108 : vector<16xi32> to vector<16xf32>
      %add3A_109 = arith.addf %scan3A_97, %bitcast3A : vector<16xf32>
      %scan3A_110 = arith.constant 1 : i32
      %scan3A_111 = arith.addi %scan3A_96, %scan3A_110 : i32
      %get3A_112 = arith.index_cast %scan3A_111 : i32 to index
      %get3A_113 = arith.constant 48 : index
      %get3A_114 = tpu.vector_load %arg6[%get3A_112, %get3A_113] {strides = array<i32>} : memref<200x128xi32, #tpu.memory_space<vmem>>, vector<16xi32>,
      %lt3A_115 = arith.constant 65536 : i32
      %lt3A_116 = vector.broadcast %lt3A_115 : i32 to vector<16xi32>
      %lt3A_117 = arith.cmpi slt, %get3A_114, %lt3A_116 : vector<16xi32>
      %sub3A_118 = arith.constant 65536 : i32
      %sub3A_119 = vector.broadcast %sub3A_118 : i32 to vector<16xi32>
      %sub3A_120 = arith.subi %get3A_114, %sub3A_119 : vector<16xi32>
      %select_n3A_121 = arith.select %lt3A_117, %get3A_114, %sub3A_120 : vector<16xi1>, vector<16xi32>
      %gather3A_122 = tpu.vector_load_idx %arg5[%select_n3A_121] : memref<65536xi32, #tpu.memory_space<vmem>>[vector<16xi32>], vector<16xi32>,
      %shift_left3A_123 = arith.constant 16 : i32
      %shift_left3A_124 = vector.broadcast %shift_left3A_123 : i32 to vector<16xi32>
      %shift_left3A_125 = arith.shli %gather3A_122, %shift_left3A_124 : vector<16xi32>
      %select_n3A_126 = arith.select %lt3A_117, %shift_left3A_125, %gather3A_122 : vector<16xi1>, vector<16xi32>
      %and3A_127 = arith.constant -65536 : i32
      %and3A_128 = vector.broadcast %and3A_127 : i32 to vector<16xi32>
      %and3A_129 = arith.andi %select_n3A_126, %and3A_128 : vector<16xi32>
      %bitcast3A_130 = vector.bitcast %and3A_129 : vector<16xi32> to vector<16xf32>
      %add3A_131 = arith.addf %add3A_109, %bitcast3A_130 : vector<16xf32>
      %scan3A_132 = arith.constant 2 : i32
      %scan3A_133 = arith.addi %scan3A_96, %scan3A_132 : i32
      %get3A_134 = arith.index_cast %scan3A_133 : i32 to index
      %get3A_135 = arith.constant 48 : index
      %get3A_136 = tpu.vector_load %arg6[%get3A_134, %get3A_135] {strides = array<i32>} : memref<200x128xi32, #tpu.memory_space<vmem>>, vector<16xi32>,
      %lt3A_137 = arith.constant 65536 : i32
      %lt3A_138 = vector.broadcast %lt3A_137 : i32 to vector<16xi32>
      %lt3A_139 = arith.cmpi slt, %get3A_136, %lt3A_138 : vector<16xi32>
      %sub3A_140 = arith.constant 65536 : i32
      %sub3A_141 = vector.broadcast %sub3A_140 : i32 to vector<16xi32>
      %sub3A_142 = arith.subi %get3A_136, %sub3A_141 : vector<16xi32>
      %select_n3A_143 = arith.select %lt3A_139, %get3A_136, %sub3A_142 : vector<16xi1>, vector<16xi32>
      %gather3A_144 = tpu.vector_load_idx %arg5[%select_n3A_143] : memref<65536xi32, #tpu.memory_space<vmem>>[vector<16xi32>], vector<16xi32>,
      %shift_left3A_145 = arith.constant 16 : i32
      %shift_left3A_146 = vector.broadcast %shift_left3A_145 : i32 to vector<16xi32>
      %shift_left3A_147 = arith.shli %gather3A_144, %shift_left3A_146 : vector<16xi32>
      %select_n3A_148 = arith.select %lt3A_139, %shift_left3A_147, %gather3A_144 : vector<16xi1>, vector<16xi32>
      %and3A_149 = arith.constant -65536 : i32
      %and3A_150 = vector.broadcast %and3A_149 : i32 to vector<16xi32>
      %and3A_151 = arith.andi %select_n3A_148, %and3A_150 : vector<16xi32>
      %bitcast3A_152 = vector.bitcast %and3A_151 : vector<16xi32> to vector<16xf32>
      %add3A_153 = arith.addf %add3A_131, %bitcast3A_152 : vector<16xf32>
      %scan3A_154 = arith.constant 3 : i32
      %scan3A_155 = arith.addi %scan3A_96, %scan3A_154 : i32
      %get3A_156 = arith.index_cast %scan3A_155 : i32 to index
      %get3A_157 = arith.constant 48 : index
      %get3A_158 = tpu.vector_load %arg6[%get3A_156, %get3A_157] {strides = array<i32>} : memref<200x128xi32, #tpu.memory_space<vmem>>, vector<16xi32>,
      %lt3A_159 = arith.constant 65536 : i32
      %lt3A_160 = vector.broadcast %lt3A_159 : i32 to vector<16xi32>
      %lt3A_161 = arith.cmpi slt, %get3A_158, %lt3A_160 : vector<16xi32>
      %sub3A_162 = arith.constant 65536 : i32
      %sub3A_163 = vector.broadcast %sub3A_162 : i32 to vector<16xi32>
      %sub3A_164 = arith.subi %get3A_158, %sub3A_163 : vector<16xi32>
      %select_n3A_165 = arith.select %lt3A_161, %get3A_158, %sub3A_164 : vector<16xi1>, vector<16xi32>
      %gather3A_166 = tpu.vector_load_idx %arg5[%select_n3A_165] : memref<65536xi32, #tpu.memory_space<vmem>>[vector<16xi32>], vector<16xi32>,
      %shift_left3A_167 = arith.constant 16 : i32
      %shift_left3A_168 = vector.broadcast %shift_left3A_167 : i32 to vector<16xi32>
      %shift_left3A_169 = arith.shli %gather3A_166, %shift_left3A_168 : vector<16xi32>
      %select_n3A_170 = arith.select %lt3A_161, %shift_left3A_169, %gather3A_166 : vector<16xi1>, vector<16xi32>
      %and3A_171 = arith.constant -65536 : i32
      %and3A_172 = vector.broadcast %and3A_171 : i32 to vector<16xi32>
      %and3A_173 = arith.andi %select_n3A_170, %and3A_172 : vector<16xi32>
      %bitcast3A_174 = vector.bitcast %and3A_173 : vector<16xi32> to vector<16xf32>
      %add3A_175 = arith.addf %add3A_153, %bitcast3A_174 : vector<16xf32>
      %scan3A_176 = arith.constant 4 : i32
      %scan3A_177 = arith.addi %scan3A_96, %scan3A_176 : i32
      %get3A_178 = arith.index_cast %scan3A_177 : i32 to index
      %get3A_179 = arith.constant 48 : index
      %get3A_180 = tpu.vector_load %arg6[%get3A_178, %get3A_179] {strides = array<i32>} : memref<200x128xi32, #tpu.memory_space<vmem>>, vector<16xi32>,
      %lt3A_181 = arith.constant 65536 : i32
      %lt3A_182 = vector.broadcast %lt3A_181 : i32 to vector<16xi32>
      %lt3A_183 = arith.cmpi slt, %get3A_180, %lt3A_182 : vector<16xi32>
      %sub3A_184 = arith.constant 65536 : i32
      %sub3A_185 = vector.broadcast %sub3A_184 : i32 to vector<16xi32>
      %sub3A_186 = arith.subi %get3A_180, %sub3A_185 : vector<16xi32>
      %select_n3A_187 = arith.select %lt3A_183, %get3A_180, %sub3A_186 : vector<16xi1>, vector<16xi32>
      %gather3A_188 = tpu.vector_load_idx %arg5[%select_n3A_187] : memref<65536xi32, #tpu.memory_space<vmem>>[vector<16xi32>], vector<16xi32>,
      %shift_left3A_189 = arith.constant 16 : i32
      %shift_left3A_190 = vector.broadcast %shift_left3A_189 : i32 to vector<16xi32>
      %shift_left3A_191 = arith.shli %gather3A_188, %shift_left3A_190 : vector<16xi32>
      %select_n3A_192 = arith.select %lt3A_183, %shift_left3A_191, %gather3A_188 : vector<16xi1>, vector<16xi32>
      %and3A_193 = arith.constant -65536 : i32
      %and3A_194 = vector.broadcast %and3A_193 : i32 to vector<16xi32>
      %and3A_195 = arith.andi %select_n3A_192, %and3A_194 : vector<16xi32>
      %bitcast3A_196 = vector.bitcast %and3A_195 : vector<16xi32> to vector<16xf32>
      %add3A_197 = arith.addf %add3A_175, %bitcast3A_196 : vector<16xf32>
      %scan3A_198 = arith.constant 5 : i32
      %scan3A_199 = arith.addi %scan3A_96, %scan3A_198 : i32
      %get3A_200 = arith.index_cast %scan3A_199 : i32 to index
      %get3A_201 = arith.constant 48 : index
      %get3A_202 = tpu.vector_load %arg6[%get3A_200, %get3A_201] {strides = array<i32>} : memref<200x128xi32, #tpu.memory_space<vmem>>, vector<16xi32>,
      %lt3A_203 = arith.constant 65536 : i32
      %lt3A_204 = vector.broadcast %lt3A_203 : i32 to vector<16xi32>
      %lt3A_205 = arith.cmpi slt, %get3A_202, %lt3A_204 : vector<16xi32>
      %sub3A_206 = arith.constant 65536 : i32
      %sub3A_207 = vector.broadcast %sub3A_206 : i32 to vector<16xi32>
      %sub3A_208 = arith.subi %get3A_202, %sub3A_207 : vector<16xi32>
      %select_n3A_209 = arith.select %lt3A_205, %get3A_202, %sub3A_208 : vector<16xi1>, vector<16xi32>
      %gather3A_210 = tpu.vector_load_idx %arg5[%select_n3A_209] : memref<65536xi32, #tpu.memory_space<vmem>>[vector<16xi32>], vector<16xi32>,
      %shift_left3A_211 = arith.constant 16 : i32
      %shift_left3A_212 = vector.broadcast %shift_left3A_211 : i32 to vector<16xi32>
      %shift_left3A_213 = arith.shli %gather3A_210, %shift_left3A_212 : vector<16xi32>
      %select_n3A_214 = arith.select %lt3A_205, %shift_left3A_213, %gather3A_210 : vector<16xi1>, vector<16xi32>
      %and3A_215 = arith.constant -65536 : i32
      %and3A_216 = vector.broadcast %and3A_215 : i32 to vector<16xi32>
      %and3A_217 = arith.andi %select_n3A_214, %and3A_216 : vector<16xi32>
      %bitcast3A_218 = vector.bitcast %and3A_217 : vector<16xi32> to vector<16xf32>
      %add3A_219 = arith.addf %add3A_197, %bitcast3A_218 : vector<16xf32>
      %scan3A_220 = arith.constant 6 : i32
      %scan3A_221 = arith.addi %scan3A_96, %scan3A_220 : i32
      %get3A_222 = arith.index_cast %scan3A_221 : i32 to index
      %get3A_223 = arith.constant 48 : index
      %get3A_224 = tpu.vector_load %arg6[%get3A_222, %get3A_223] {strides = array<i32>} : memref<200x128xi32, #tpu.memory_space<vmem>>, vector<16xi32>,
      %lt3A_225 = arith.constant 65536 : i32
      %lt3A_226 = vector.broadcast %lt3A_225 : i32 to vector<16xi32>
      %lt3A_227 = arith.cmpi slt, %get3A_224, %lt3A_226 : vector<16xi32>
      %sub3A_228 = arith.constant 65536 : i32
      %sub3A_229 = vector.broadcast %sub3A_228 : i32 to vector<16xi32>
      %sub3A_230 = arith.subi %get3A_224, %sub3A_229 : vector<16xi32>
      %select_n3A_231 = arith.select %lt3A_227, %get3A_224, %sub3A_230 : vector<16xi1>, vector<16xi32>
      %gather3A_232 = tpu.vector_load_idx %arg5[%select_n3A_231] : memref<65536xi32, #tpu.memory_space<vmem>>[vector<16xi32>], vector<16xi32>,
      %shift_left3A_233 = arith.constant 16 : i32
      %shift_left3A_234 = vector.broadcast %shift_left3A_233 : i32 to vector<16xi32>
      %shift_left3A_235 = arith.shli %gather3A_232, %shift_left3A_234 : vector<16xi32>
      %select_n3A_236 = arith.select %lt3A_227, %shift_left3A_235, %gather3A_232 : vector<16xi1>, vector<16xi32>
      %and3A_237 = arith.constant -65536 : i32
      %and3A_238 = vector.broadcast %and3A_237 : i32 to vector<16xi32>
      %and3A_239 = arith.andi %select_n3A_236, %and3A_238 : vector<16xi32>
      %bitcast3A_240 = vector.bitcast %and3A_239 : vector<16xi32> to vector<16xf32>
      %add3A_241 = arith.addf %add3A_219, %bitcast3A_240 : vector<16xf32>
      %scan3A_242 = arith.constant 7 : i32
      %scan3A_243 = arith.addi %scan3A_96, %scan3A_242 : i32
      %get3A_244 = arith.index_cast %scan3A_243 : i32 to index
      %get3A_245 = arith.constant 48 : index
      %get3A_246 = tpu.vector_load %arg6[%get3A_244, %get3A_245] {strides = array<i32>} : memref<200x128xi32, #tpu.memory_space<vmem>>, vector<16xi32>,
      %lt3A_247 = arith.constant 65536 : i32
      %lt3A_248 = vector.broadcast %lt3A_247 : i32 to vector<16xi32>
      %lt3A_249 = arith.cmpi slt, %get3A_246, %lt3A_248 : vector<16xi32>
      %sub3A_250 = arith.constant 65536 : i32
      %sub3A_251 = vector.broadcast %sub3A_250 : i32 to vector<16xi32>
      %sub3A_252 = arith.subi %get3A_246, %sub3A_251 : vector<16xi32>
      %select_n3A_253 = arith.select %lt3A_249, %get3A_246, %sub3A_252 : vector<16xi1>, vector<16xi32>
      %gather3A_254 = tpu.vector_load_idx %arg5[%select_n3A_253] : memref<65536xi32, #tpu.memory_space<vmem>>[vector<16xi32>], vector<16xi32>,
      %shift_left3A_255 = arith.constant 16 : i32
      %shift_left3A_256 = vector.broadcast %shift_left3A_255 : i32 to vector<16xi32>
      %shift_left3A_257 = arith.shli %gather3A_254, %shift_left3A_256 : vector<16xi32>
      %select_n3A_258 = arith.select %lt3A_249, %shift_left3A_257, %gather3A_254 : vector<16xi1>, vector<16xi32>
      %and3A_259 = arith.constant -65536 : i32
      %and3A_260 = vector.broadcast %and3A_259 : i32 to vector<16xi32>
      %and3A_261 = arith.andi %select_n3A_258, %and3A_260 : vector<16xi32>
      %bitcast3A_262 = vector.bitcast %and3A_261 : vector<16xi32> to vector<16xf32>
      %add3A_263 = arith.addf %add3A_241, %bitcast3A_262 : vector<16xf32>
      scf.yield %add3A_263 : vector<16xf32>
    }
    %scan3A_51 = arith.constant 200 : i32
    %swap3A_52 = arith.constant 48 : index
    %swap3A_53 = tpu.vector_load %arg7[%swap3A_52] {strides = array<i32>} : memref<128xf32, #tpu.memory_space<vmem>>, vector<16xf32>,
    tpu.vector_store %arg7[%swap3A_52], %scan3A_50 {strides = array<i32>} : memref<128xf32, #tpu.memory_space<vmem>>, vector<16xf32>,
    %broadcast_in_dim3A_54 = arith.constant 0.000000e+00 : f32
    %broadcast_in_dim3A_55 = vector.broadcast %broadcast_in_dim3A_54 : f32 to vector<16xf32>
    %scan3A_56 = arith.constant 0 : i32
    %scan3A_57 = arith.constant 200 : i32
    %scan3A_58 = arith.addi %scan3A_56, %scan3A_57 : i32
    %scan3A_59 = arith.constant 8 : i32
    %scan3A_60 = scf.for %scan3A_96 = %scan3A_56 to %scan3A_58 step %scan3A_59 iter_args(%scan3A_97 = %broadcast_in_dim3A_55) -> (vector<16xf32>)  : i32 {
      %get3A = arith.index_cast %scan3A_96 : i32 to index
      %get3A_98 = arith.constant 64 : index
      %get3A_99 = tpu.vector_load %arg6[%get3A, %get3A_98] {strides = array<i32>} : memref<200x128xi32, #tpu.memory_space<vmem>>, vector<16xi32>,
      %lt3A = arith.constant 65536 : i32
      %lt3A_100 = vector.broadcast %lt3A : i32 to vector<16xi32>
      %lt3A_101 = arith.cmpi slt, %get3A_99, %lt3A_100 : vector<16xi32>
      %sub3A = arith.constant 65536 : i32
      %sub3A_102 = vector.broadcast %sub3A : i32 to vector<16xi32>
      %sub3A_103 = arith.subi %get3A_99, %sub3A_102 : vector<16xi32>
      %select_n3A = arith.select %lt3A_101, %get3A_99, %sub3A_103 : vector<16xi1>, vector<16xi32>
      %gather3A = tpu.vector_load_idx %arg5[%select_n3A] : memref<65536xi32, #tpu.memory_space<vmem>>[vector<16xi32>], vector<16xi32>,
      %shift_left3A = arith.constant 16 : i32
      %shift_left3A_104 = vector.broadcast %shift_left3A : i32 to vector<16xi32>
      %shift_left3A_105 = arith.shli %gather3A, %shift_left3A_104 : vector<16xi32>
      %select_n3A_106 = arith.select %lt3A_101, %shift_left3A_105, %gather3A : vector<16xi1>, vector<16xi32>
      %and3A = arith.constant -65536 : i32
      %and3A_107 = vector.broadcast %and3A : i32 to vector<16xi32>
      %and3A_108 = arith.andi %select_n3A_106, %and3A_107 : vector<16xi32>
      %bitcast3A = vector.bitcast %and3A_108 : vector<16xi32> to vector<16xf32>
      %add3A_109 = arith.addf %scan3A_97, %bitcast3A : vector<16xf32>
      %scan3A_110 = arith.constant 1 : i32
      %scan3A_111 = arith.addi %scan3A_96, %scan3A_110 : i32
      %get3A_112 = arith.index_cast %scan3A_111 : i32 to index
      %get3A_113 = arith.constant 64 : index
      %get3A_114 = tpu.vector_load %arg6[%get3A_112, %get3A_113] {strides = array<i32>} : memref<200x128xi32, #tpu.memory_space<vmem>>, vector<16xi32>,
      %lt3A_115 = arith.constant 65536 : i32
      %lt3A_116 = vector.broadcast %lt3A_115 : i32 to vector<16xi32>
      %lt3A_117 = arith.cmpi slt, %get3A_114, %lt3A_116 : vector<16xi32>
      %sub3A_118 = arith.constant 65536 : i32
      %sub3A_119 = vector.broadcast %sub3A_118 : i32 to vector<16xi32>
      %sub3A_120 = arith.subi %get3A_114, %sub3A_119 : vector<16xi32>
      %select_n3A_121 = arith.select %lt3A_117, %get3A_114, %sub3A_120 : vector<16xi1>, vector<16xi32>
      %gather3A_122 = tpu.vector_load_idx %arg5[%select_n3A_121] : memref<65536xi32, #tpu.memory_space<vmem>>[vector<16xi32>], vector<16xi32>,
      %shift_left3A_123 = arith.constant 16 : i32
      %shift_left3A_124 = vector.broadcast %shift_left3A_123 : i32 to vector<16xi32>
      %shift_left3A_125 = arith.shli %gather3A_122, %shift_left3A_124 : vector<16xi32>
      %select_n3A_126 = arith.select %lt3A_117, %shift_left3A_125, %gather3A_122 : vector<16xi1>, vector<16xi32>
      %and3A_127 = arith.constant -65536 : i32
      %and3A_128 = vector.broadcast %and3A_127 : i32 to vector<16xi32>
      %and3A_129 = arith.andi %select_n3A_126, %and3A_128 : vector<16xi32>
      %bitcast3A_130 = vector.bitcast %and3A_129 : vector<16xi32> to vector<16xf32>
      %add3A_131 = arith.addf %add3A_109, %bitcast3A_130 : vector<16xf32>
      %scan3A_132 = arith.constant 2 : i32
      %scan3A_133 = arith.addi %scan3A_96, %scan3A_132 : i32
      %get3A_134 = arith.index_cast %scan3A_133 : i32 to index
      %get3A_135 = arith.constant 64 : index
      %get3A_136 = tpu.vector_load %arg6[%get3A_134, %get3A_135] {strides = array<i32>} : memref<200x128xi32, #tpu.memory_space<vmem>>, vector<16xi32>,
      %lt3A_137 = arith.constant 65536 : i32
      %lt3A_138 = vector.broadcast %lt3A_137 : i32 to vector<16xi32>
      %lt3A_139 = arith.cmpi slt, %get3A_136, %lt3A_138 : vector<16xi32>
      %sub3A_140 = arith.constant 65536 : i32
      %sub3A_141 = vector.broadcast %sub3A_140 : i32 to vector<16xi32>
      %sub3A_142 = arith.subi %get3A_136, %sub3A_141 : vector<16xi32>
      %select_n3A_143 = arith.select %lt3A_139, %get3A_136, %sub3A_142 : vector<16xi1>, vector<16xi32>
      %gather3A_144 = tpu.vector_load_idx %arg5[%select_n3A_143] : memref<65536xi32, #tpu.memory_space<vmem>>[vector<16xi32>], vector<16xi32>,
      %shift_left3A_145 = arith.constant 16 : i32
      %shift_left3A_146 = vector.broadcast %shift_left3A_145 : i32 to vector<16xi32>
      %shift_left3A_147 = arith.shli %gather3A_144, %shift_left3A_146 : vector<16xi32>
      %select_n3A_148 = arith.select %lt3A_139, %shift_left3A_147, %gather3A_144 : vector<16xi1>, vector<16xi32>
      %and3A_149 = arith.constant -65536 : i32
      %and3A_150 = vector.broadcast %and3A_149 : i32 to vector<16xi32>
      %and3A_151 = arith.andi %select_n3A_148, %and3A_150 : vector<16xi32>
      %bitcast3A_152 = vector.bitcast %and3A_151 : vector<16xi32> to vector<16xf32>
      %add3A_153 = arith.addf %add3A_131, %bitcast3A_152 : vector<16xf32>
      %scan3A_154 = arith.constant 3 : i32
      %scan3A_155 = arith.addi %scan3A_96, %scan3A_154 : i32
      %get3A_156 = arith.index_cast %scan3A_155 : i32 to index
      %get3A_157 = arith.constant 64 : index
      %get3A_158 = tpu.vector_load %arg6[%get3A_156, %get3A_157] {strides = array<i32>} : memref<200x128xi32, #tpu.memory_space<vmem>>, vector<16xi32>,
      %lt3A_159 = arith.constant 65536 : i32
      %lt3A_160 = vector.broadcast %lt3A_159 : i32 to vector<16xi32>
      %lt3A_161 = arith.cmpi slt, %get3A_158, %lt3A_160 : vector<16xi32>
      %sub3A_162 = arith.constant 65536 : i32
      %sub3A_163 = vector.broadcast %sub3A_162 : i32 to vector<16xi32>
      %sub3A_164 = arith.subi %get3A_158, %sub3A_163 : vector<16xi32>
      %select_n3A_165 = arith.select %lt3A_161, %get3A_158, %sub3A_164 : vector<16xi1>, vector<16xi32>
      %gather3A_166 = tpu.vector_load_idx %arg5[%select_n3A_165] : memref<65536xi32, #tpu.memory_space<vmem>>[vector<16xi32>], vector<16xi32>,
      %shift_left3A_167 = arith.constant 16 : i32
      %shift_left3A_168 = vector.broadcast %shift_left3A_167 : i32 to vector<16xi32>
      %shift_left3A_169 = arith.shli %gather3A_166, %shift_left3A_168 : vector<16xi32>
      %select_n3A_170 = arith.select %lt3A_161, %shift_left3A_169, %gather3A_166 : vector<16xi1>, vector<16xi32>
      %and3A_171 = arith.constant -65536 : i32
      %and3A_172 = vector.broadcast %and3A_171 : i32 to vector<16xi32>
      %and3A_173 = arith.andi %select_n3A_170, %and3A_172 : vector<16xi32>
      %bitcast3A_174 = vector.bitcast %and3A_173 : vector<16xi32> to vector<16xf32>
      %add3A_175 = arith.addf %add3A_153, %bitcast3A_174 : vector<16xf32>
      %scan3A_176 = arith.constant 4 : i32
      %scan3A_177 = arith.addi %scan3A_96, %scan3A_176 : i32
      %get3A_178 = arith.index_cast %scan3A_177 : i32 to index
      %get3A_179 = arith.constant 64 : index
      %get3A_180 = tpu.vector_load %arg6[%get3A_178, %get3A_179] {strides = array<i32>} : memref<200x128xi32, #tpu.memory_space<vmem>>, vector<16xi32>,
      %lt3A_181 = arith.constant 65536 : i32
      %lt3A_182 = vector.broadcast %lt3A_181 : i32 to vector<16xi32>
      %lt3A_183 = arith.cmpi slt, %get3A_180, %lt3A_182 : vector<16xi32>
      %sub3A_184 = arith.constant 65536 : i32
      %sub3A_185 = vector.broadcast %sub3A_184 : i32 to vector<16xi32>
      %sub3A_186 = arith.subi %get3A_180, %sub3A_185 : vector<16xi32>
      %select_n3A_187 = arith.select %lt3A_183, %get3A_180, %sub3A_186 : vector<16xi1>, vector<16xi32>
      %gather3A_188 = tpu.vector_load_idx %arg5[%select_n3A_187] : memref<65536xi32, #tpu.memory_space<vmem>>[vector<16xi32>], vector<16xi32>,
      %shift_left3A_189 = arith.constant 16 : i32
      %shift_left3A_190 = vector.broadcast %shift_left3A_189 : i32 to vector<16xi32>
      %shift_left3A_191 = arith.shli %gather3A_188, %shift_left3A_190 : vector<16xi32>
      %select_n3A_192 = arith.select %lt3A_183, %shift_left3A_191, %gather3A_188 : vector<16xi1>, vector<16xi32>
      %and3A_193 = arith.constant -65536 : i32
      %and3A_194 = vector.broadcast %and3A_193 : i32 to vector<16xi32>
      %and3A_195 = arith.andi %select_n3A_192, %and3A_194 : vector<16xi32>
      %bitcast3A_196 = vector.bitcast %and3A_195 : vector<16xi32> to vector<16xf32>
      %add3A_197 = arith.addf %add3A_175, %bitcast3A_196 : vector<16xf32>
      %scan3A_198 = arith.constant 5 : i32
      %scan3A_199 = arith.addi %scan3A_96, %scan3A_198 : i32
      %get3A_200 = arith.index_cast %scan3A_199 : i32 to index
      %get3A_201 = arith.constant 64 : index
      %get3A_202 = tpu.vector_load %arg6[%get3A_200, %get3A_201] {strides = array<i32>} : memref<200x128xi32, #tpu.memory_space<vmem>>, vector<16xi32>,
      %lt3A_203 = arith.constant 65536 : i32
      %lt3A_204 = vector.broadcast %lt3A_203 : i32 to vector<16xi32>
      %lt3A_205 = arith.cmpi slt, %get3A_202, %lt3A_204 : vector<16xi32>
      %sub3A_206 = arith.constant 65536 : i32
      %sub3A_207 = vector.broadcast %sub3A_206 : i32 to vector<16xi32>
      %sub3A_208 = arith.subi %get3A_202, %sub3A_207 : vector<16xi32>
      %select_n3A_209 = arith.select %lt3A_205, %get3A_202, %sub3A_208 : vector<16xi1>, vector<16xi32>
      %gather3A_210 = tpu.vector_load_idx %arg5[%select_n3A_209] : memref<65536xi32, #tpu.memory_space<vmem>>[vector<16xi32>], vector<16xi32>,
      %shift_left3A_211 = arith.constant 16 : i32
      %shift_left3A_212 = vector.broadcast %shift_left3A_211 : i32 to vector<16xi32>
      %shift_left3A_213 = arith.shli %gather3A_210, %shift_left3A_212 : vector<16xi32>
      %select_n3A_214 = arith.select %lt3A_205, %shift_left3A_213, %gather3A_210 : vector<16xi1>, vector<16xi32>
      %and3A_215 = arith.constant -65536 : i32
      %and3A_216 = vector.broadcast %and3A_215 : i32 to vector<16xi32>
      %and3A_217 = arith.andi %select_n3A_214, %and3A_216 : vector<16xi32>
      %bitcast3A_218 = vector.bitcast %and3A_217 : vector<16xi32> to vector<16xf32>
      %add3A_219 = arith.addf %add3A_197, %bitcast3A_218 : vector<16xf32>
      %scan3A_220 = arith.constant 6 : i32
      %scan3A_221 = arith.addi %scan3A_96, %scan3A_220 : i32
      %get3A_222 = arith.index_cast %scan3A_221 : i32 to index
      %get3A_223 = arith.constant 64 : index
      %get3A_224 = tpu.vector_load %arg6[%get3A_222, %get3A_223] {strides = array<i32>} : memref<200x128xi32, #tpu.memory_space<vmem>>, vector<16xi32>,
      %lt3A_225 = arith.constant 65536 : i32
      %lt3A_226 = vector.broadcast %lt3A_225 : i32 to vector<16xi32>
      %lt3A_227 = arith.cmpi slt, %get3A_224, %lt3A_226 : vector<16xi32>
      %sub3A_228 = arith.constant 65536 : i32
      %sub3A_229 = vector.broadcast %sub3A_228 : i32 to vector<16xi32>
      %sub3A_230 = arith.subi %get3A_224, %sub3A_229 : vector<16xi32>
      %select_n3A_231 = arith.select %lt3A_227, %get3A_224, %sub3A_230 : vector<16xi1>, vector<16xi32>
      %gather3A_232 = tpu.vector_load_idx %arg5[%select_n3A_231] : memref<65536xi32, #tpu.memory_space<vmem>>[vector<16xi32>], vector<16xi32>,
      %shift_left3A_233 = arith.constant 16 : i32
      %shift_left3A_234 = vector.broadcast %shift_left3A_233 : i32 to vector<16xi32>
      %shift_left3A_235 = arith.shli %gather3A_232, %shift_left3A_234 : vector<16xi32>
      %select_n3A_236 = arith.select %lt3A_227, %shift_left3A_235, %gather3A_232 : vector<16xi1>, vector<16xi32>
      %and3A_237 = arith.constant -65536 : i32
      %and3A_238 = vector.broadcast %and3A_237 : i32 to vector<16xi32>
      %and3A_239 = arith.andi %select_n3A_236, %and3A_238 : vector<16xi32>
      %bitcast3A_240 = vector.bitcast %and3A_239 : vector<16xi32> to vector<16xf32>
      %add3A_241 = arith.addf %add3A_219, %bitcast3A_240 : vector<16xf32>
      %scan3A_242 = arith.constant 7 : i32
      %scan3A_243 = arith.addi %scan3A_96, %scan3A_242 : i32
      %get3A_244 = arith.index_cast %scan3A_243 : i32 to index
      %get3A_245 = arith.constant 64 : index
      %get3A_246 = tpu.vector_load %arg6[%get3A_244, %get3A_245] {strides = array<i32>} : memref<200x128xi32, #tpu.memory_space<vmem>>, vector<16xi32>,
      %lt3A_247 = arith.constant 65536 : i32
      %lt3A_248 = vector.broadcast %lt3A_247 : i32 to vector<16xi32>
      %lt3A_249 = arith.cmpi slt, %get3A_246, %lt3A_248 : vector<16xi32>
      %sub3A_250 = arith.constant 65536 : i32
      %sub3A_251 = vector.broadcast %sub3A_250 : i32 to vector<16xi32>
      %sub3A_252 = arith.subi %get3A_246, %sub3A_251 : vector<16xi32>
      %select_n3A_253 = arith.select %lt3A_249, %get3A_246, %sub3A_252 : vector<16xi1>, vector<16xi32>
      %gather3A_254 = tpu.vector_load_idx %arg5[%select_n3A_253] : memref<65536xi32, #tpu.memory_space<vmem>>[vector<16xi32>], vector<16xi32>,
      %shift_left3A_255 = arith.constant 16 : i32
      %shift_left3A_256 = vector.broadcast %shift_left3A_255 : i32 to vector<16xi32>
      %shift_left3A_257 = arith.shli %gather3A_254, %shift_left3A_256 : vector<16xi32>
      %select_n3A_258 = arith.select %lt3A_249, %shift_left3A_257, %gather3A_254 : vector<16xi1>, vector<16xi32>
      %and3A_259 = arith.constant -65536 : i32
      %and3A_260 = vector.broadcast %and3A_259 : i32 to vector<16xi32>
      %and3A_261 = arith.andi %select_n3A_258, %and3A_260 : vector<16xi32>
      %bitcast3A_262 = vector.bitcast %and3A_261 : vector<16xi32> to vector<16xf32>
      %add3A_263 = arith.addf %add3A_241, %bitcast3A_262 : vector<16xf32>
      scf.yield %add3A_263 : vector<16xf32>
    }
    %scan3A_61 = arith.constant 200 : i32
    %swap3A_62 = arith.constant 64 : index
    %swap3A_63 = tpu.vector_load %arg7[%swap3A_62] {strides = array<i32>} : memref<128xf32, #tpu.memory_space<vmem>>, vector<16xf32>,
    tpu.vector_store %arg7[%swap3A_62], %scan3A_60 {strides = array<i32>} : memref<128xf32, #tpu.memory_space<vmem>>, vector<16xf32>,
    %broadcast_in_dim3A_64 = arith.constant 0.000000e+00 : f32
    %broadcast_in_dim3A_65 = vector.broadcast %broadcast_in_dim3A_64 : f32 to vector<16xf32>
    %scan3A_66 = arith.constant 0 : i32
    %scan3A_67 = arith.constant 200 : i32
    %scan3A_68 = arith.addi %scan3A_66, %scan3A_67 : i32
    %scan3A_69 = arith.constant 8 : i32
    %scan3A_70 = scf.for %scan3A_96 = %scan3A_66 to %scan3A_68 step %scan3A_69 iter_args(%scan3A_97 = %broadcast_in_dim3A_65) -> (vector<16xf32>)  : i32 {
      %get3A = arith.index_cast %scan3A_96 : i32 to index
      %get3A_98 = arith.constant 80 : index
      %get3A_99 = tpu.vector_load %arg6[%get3A, %get3A_98] {strides = array<i32>} : memref<200x128xi32, #tpu.memory_space<vmem>>, vector<16xi32>,
      %lt3A = arith.constant 65536 : i32
      %lt3A_100 = vector.broadcast %lt3A : i32 to vector<16xi32>
      %lt3A_101 = arith.cmpi slt, %get3A_99, %lt3A_100 : vector<16xi32>
      %sub3A = arith.constant 65536 : i32
      %sub3A_102 = vector.broadcast %sub3A : i32 to vector<16xi32>
      %sub3A_103 = arith.subi %get3A_99, %sub3A_102 : vector<16xi32>
      %select_n3A = arith.select %lt3A_101, %get3A_99, %sub3A_103 : vector<16xi1>, vector<16xi32>
      %gather3A = tpu.vector_load_idx %arg5[%select_n3A] : memref<65536xi32, #tpu.memory_space<vmem>>[vector<16xi32>], vector<16xi32>,
      %shift_left3A = arith.constant 16 : i32
      %shift_left3A_104 = vector.broadcast %shift_left3A : i32 to vector<16xi32>
      %shift_left3A_105 = arith.shli %gather3A, %shift_left3A_104 : vector<16xi32>
      %select_n3A_106 = arith.select %lt3A_101, %shift_left3A_105, %gather3A : vector<16xi1>, vector<16xi32>
      %and3A = arith.constant -65536 : i32
      %and3A_107 = vector.broadcast %and3A : i32 to vector<16xi32>
      %and3A_108 = arith.andi %select_n3A_106, %and3A_107 : vector<16xi32>
      %bitcast3A = vector.bitcast %and3A_108 : vector<16xi32> to vector<16xf32>
      %add3A_109 = arith.addf %scan3A_97, %bitcast3A : vector<16xf32>
      %scan3A_110 = arith.constant 1 : i32
      %scan3A_111 = arith.addi %scan3A_96, %scan3A_110 : i32
      %get3A_112 = arith.index_cast %scan3A_111 : i32 to index
      %get3A_113 = arith.constant 80 : index
      %get3A_114 = tpu.vector_load %arg6[%get3A_112, %get3A_113] {strides = array<i32>} : memref<200x128xi32, #tpu.memory_space<vmem>>, vector<16xi32>,
      %lt3A_115 = arith.constant 65536 : i32
      %lt3A_116 = vector.broadcast %lt3A_115 : i32 to vector<16xi32>
      %lt3A_117 = arith.cmpi slt, %get3A_114, %lt3A_116 : vector<16xi32>
      %sub3A_118 = arith.constant 65536 : i32
      %sub3A_119 = vector.broadcast %sub3A_118 : i32 to vector<16xi32>
      %sub3A_120 = arith.subi %get3A_114, %sub3A_119 : vector<16xi32>
      %select_n3A_121 = arith.select %lt3A_117, %get3A_114, %sub3A_120 : vector<16xi1>, vector<16xi32>
      %gather3A_122 = tpu.vector_load_idx %arg5[%select_n3A_121] : memref<65536xi32, #tpu.memory_space<vmem>>[vector<16xi32>], vector<16xi32>,
      %shift_left3A_123 = arith.constant 16 : i32
      %shift_left3A_124 = vector.broadcast %shift_left3A_123 : i32 to vector<16xi32>
      %shift_left3A_125 = arith.shli %gather3A_122, %shift_left3A_124 : vector<16xi32>
      %select_n3A_126 = arith.select %lt3A_117, %shift_left3A_125, %gather3A_122 : vector<16xi1>, vector<16xi32>
      %and3A_127 = arith.constant -65536 : i32
      %and3A_128 = vector.broadcast %and3A_127 : i32 to vector<16xi32>
      %and3A_129 = arith.andi %select_n3A_126, %and3A_128 : vector<16xi32>
      %bitcast3A_130 = vector.bitcast %and3A_129 : vector<16xi32> to vector<16xf32>
      %add3A_131 = arith.addf %add3A_109, %bitcast3A_130 : vector<16xf32>
      %scan3A_132 = arith.constant 2 : i32
      %scan3A_133 = arith.addi %scan3A_96, %scan3A_132 : i32
      %get3A_134 = arith.index_cast %scan3A_133 : i32 to index
      %get3A_135 = arith.constant 80 : index
      %get3A_136 = tpu.vector_load %arg6[%get3A_134, %get3A_135] {strides = array<i32>} : memref<200x128xi32, #tpu.memory_space<vmem>>, vector<16xi32>,
      %lt3A_137 = arith.constant 65536 : i32
      %lt3A_138 = vector.broadcast %lt3A_137 : i32 to vector<16xi32>
      %lt3A_139 = arith.cmpi slt, %get3A_136, %lt3A_138 : vector<16xi32>
      %sub3A_140 = arith.constant 65536 : i32
      %sub3A_141 = vector.broadcast %sub3A_140 : i32 to vector<16xi32>
      %sub3A_142 = arith.subi %get3A_136, %sub3A_141 : vector<16xi32>
      %select_n3A_143 = arith.select %lt3A_139, %get3A_136, %sub3A_142 : vector<16xi1>, vector<16xi32>
      %gather3A_144 = tpu.vector_load_idx %arg5[%select_n3A_143] : memref<65536xi32, #tpu.memory_space<vmem>>[vector<16xi32>], vector<16xi32>,
      %shift_left3A_145 = arith.constant 16 : i32
      %shift_left3A_146 = vector.broadcast %shift_left3A_145 : i32 to vector<16xi32>
      %shift_left3A_147 = arith.shli %gather3A_144, %shift_left3A_146 : vector<16xi32>
      %select_n3A_148 = arith.select %lt3A_139, %shift_left3A_147, %gather3A_144 : vector<16xi1>, vector<16xi32>
      %and3A_149 = arith.constant -65536 : i32
      %and3A_150 = vector.broadcast %and3A_149 : i32 to vector<16xi32>
      %and3A_151 = arith.andi %select_n3A_148, %and3A_150 : vector<16xi32>
      %bitcast3A_152 = vector.bitcast %and3A_151 : vector<16xi32> to vector<16xf32>
      %add3A_153 = arith.addf %add3A_131, %bitcast3A_152 : vector<16xf32>
      %scan3A_154 = arith.constant 3 : i32
      %scan3A_155 = arith.addi %scan3A_96, %scan3A_154 : i32
      %get3A_156 = arith.index_cast %scan3A_155 : i32 to index
      %get3A_157 = arith.constant 80 : index
      %get3A_158 = tpu.vector_load %arg6[%get3A_156, %get3A_157] {strides = array<i32>} : memref<200x128xi32, #tpu.memory_space<vmem>>, vector<16xi32>,
      %lt3A_159 = arith.constant 65536 : i32
      %lt3A_160 = vector.broadcast %lt3A_159 : i32 to vector<16xi32>
      %lt3A_161 = arith.cmpi slt, %get3A_158, %lt3A_160 : vector<16xi32>
      %sub3A_162 = arith.constant 65536 : i32
      %sub3A_163 = vector.broadcast %sub3A_162 : i32 to vector<16xi32>
      %sub3A_164 = arith.subi %get3A_158, %sub3A_163 : vector<16xi32>
      %select_n3A_165 = arith.select %lt3A_161, %get3A_158, %sub3A_164 : vector<16xi1>, vector<16xi32>
      %gather3A_166 = tpu.vector_load_idx %arg5[%select_n3A_165] : memref<65536xi32, #tpu.memory_space<vmem>>[vector<16xi32>], vector<16xi32>,
      %shift_left3A_167 = arith.constant 16 : i32
      %shift_left3A_168 = vector.broadcast %shift_left3A_167 : i32 to vector<16xi32>
      %shift_left3A_169 = arith.shli %gather3A_166, %shift_left3A_168 : vector<16xi32>
      %select_n3A_170 = arith.select %lt3A_161, %shift_left3A_169, %gather3A_166 : vector<16xi1>, vector<16xi32>
      %and3A_171 = arith.constant -65536 : i32
      %and3A_172 = vector.broadcast %and3A_171 : i32 to vector<16xi32>
      %and3A_173 = arith.andi %select_n3A_170, %and3A_172 : vector<16xi32>
      %bitcast3A_174 = vector.bitcast %and3A_173 : vector<16xi32> to vector<16xf32>
      %add3A_175 = arith.addf %add3A_153, %bitcast3A_174 : vector<16xf32>
      %scan3A_176 = arith.constant 4 : i32
      %scan3A_177 = arith.addi %scan3A_96, %scan3A_176 : i32
      %get3A_178 = arith.index_cast %scan3A_177 : i32 to index
      %get3A_179 = arith.constant 80 : index
      %get3A_180 = tpu.vector_load %arg6[%get3A_178, %get3A_179] {strides = array<i32>} : memref<200x128xi32, #tpu.memory_space<vmem>>, vector<16xi32>,
      %lt3A_181 = arith.constant 65536 : i32
      %lt3A_182 = vector.broadcast %lt3A_181 : i32 to vector<16xi32>
      %lt3A_183 = arith.cmpi slt, %get3A_180, %lt3A_182 : vector<16xi32>
      %sub3A_184 = arith.constant 65536 : i32
      %sub3A_185 = vector.broadcast %sub3A_184 : i32 to vector<16xi32>
      %sub3A_186 = arith.subi %get3A_180, %sub3A_185 : vector<16xi32>
      %select_n3A_187 = arith.select %lt3A_183, %get3A_180, %sub3A_186 : vector<16xi1>, vector<16xi32>
      %gather3A_188 = tpu.vector_load_idx %arg5[%select_n3A_187] : memref<65536xi32, #tpu.memory_space<vmem>>[vector<16xi32>], vector<16xi32>,
      %shift_left3A_189 = arith.constant 16 : i32
      %shift_left3A_190 = vector.broadcast %shift_left3A_189 : i32 to vector<16xi32>
      %shift_left3A_191 = arith.shli %gather3A_188, %shift_left3A_190 : vector<16xi32>
      %select_n3A_192 = arith.select %lt3A_183, %shift_left3A_191, %gather3A_188 : vector<16xi1>, vector<16xi32>
      %and3A_193 = arith.constant -65536 : i32
      %and3A_194 = vector.broadcast %and3A_193 : i32 to vector<16xi32>
      %and3A_195 = arith.andi %select_n3A_192, %and3A_194 : vector<16xi32>
      %bitcast3A_196 = vector.bitcast %and3A_195 : vector<16xi32> to vector<16xf32>
      %add3A_197 = arith.addf %add3A_175, %bitcast3A_196 : vector<16xf32>
      %scan3A_198 = arith.constant 5 : i32
      %scan3A_199 = arith.addi %scan3A_96, %scan3A_198 : i32
      %get3A_200 = arith.index_cast %scan3A_199 : i32 to index
      %get3A_201 = arith.constant 80 : index
      %get3A_202 = tpu.vector_load %arg6[%get3A_200, %get3A_201] {strides = array<i32>} : memref<200x128xi32, #tpu.memory_space<vmem>>, vector<16xi32>,
      %lt3A_203 = arith.constant 65536 : i32
      %lt3A_204 = vector.broadcast %lt3A_203 : i32 to vector<16xi32>
      %lt3A_205 = arith.cmpi slt, %get3A_202, %lt3A_204 : vector<16xi32>
      %sub3A_206 = arith.constant 65536 : i32
      %sub3A_207 = vector.broadcast %sub3A_206 : i32 to vector<16xi32>
      %sub3A_208 = arith.subi %get3A_202, %sub3A_207 : vector<16xi32>
      %select_n3A_209 = arith.select %lt3A_205, %get3A_202, %sub3A_208 : vector<16xi1>, vector<16xi32>
      %gather3A_210 = tpu.vector_load_idx %arg5[%select_n3A_209] : memref<65536xi32, #tpu.memory_space<vmem>>[vector<16xi32>], vector<16xi32>,
      %shift_left3A_211 = arith.constant 16 : i32
      %shift_left3A_212 = vector.broadcast %shift_left3A_211 : i32 to vector<16xi32>
      %shift_left3A_213 = arith.shli %gather3A_210, %shift_left3A_212 : vector<16xi32>
      %select_n3A_214 = arith.select %lt3A_205, %shift_left3A_213, %gather3A_210 : vector<16xi1>, vector<16xi32>
      %and3A_215 = arith.constant -65536 : i32
      %and3A_216 = vector.broadcast %and3A_215 : i32 to vector<16xi32>
      %and3A_217 = arith.andi %select_n3A_214, %and3A_216 : vector<16xi32>
      %bitcast3A_218 = vector.bitcast %and3A_217 : vector<16xi32> to vector<16xf32>
      %add3A_219 = arith.addf %add3A_197, %bitcast3A_218 : vector<16xf32>
      %scan3A_220 = arith.constant 6 : i32
      %scan3A_221 = arith.addi %scan3A_96, %scan3A_220 : i32
      %get3A_222 = arith.index_cast %scan3A_221 : i32 to index
      %get3A_223 = arith.constant 80 : index
      %get3A_224 = tpu.vector_load %arg6[%get3A_222, %get3A_223] {strides = array<i32>} : memref<200x128xi32, #tpu.memory_space<vmem>>, vector<16xi32>,
      %lt3A_225 = arith.constant 65536 : i32
      %lt3A_226 = vector.broadcast %lt3A_225 : i32 to vector<16xi32>
      %lt3A_227 = arith.cmpi slt, %get3A_224, %lt3A_226 : vector<16xi32>
      %sub3A_228 = arith.constant 65536 : i32
      %sub3A_229 = vector.broadcast %sub3A_228 : i32 to vector<16xi32>
      %sub3A_230 = arith.subi %get3A_224, %sub3A_229 : vector<16xi32>
      %select_n3A_231 = arith.select %lt3A_227, %get3A_224, %sub3A_230 : vector<16xi1>, vector<16xi32>
      %gather3A_232 = tpu.vector_load_idx %arg5[%select_n3A_231] : memref<65536xi32, #tpu.memory_space<vmem>>[vector<16xi32>], vector<16xi32>,
      %shift_left3A_233 = arith.constant 16 : i32
      %shift_left3A_234 = vector.broadcast %shift_left3A_233 : i32 to vector<16xi32>
      %shift_left3A_235 = arith.shli %gather3A_232, %shift_left3A_234 : vector<16xi32>
      %select_n3A_236 = arith.select %lt3A_227, %shift_left3A_235, %gather3A_232 : vector<16xi1>, vector<16xi32>
      %and3A_237 = arith.constant -65536 : i32
      %and3A_238 = vector.broadcast %and3A_237 : i32 to vector<16xi32>
      %and3A_239 = arith.andi %select_n3A_236, %and3A_238 : vector<16xi32>
      %bitcast3A_240 = vector.bitcast %and3A_239 : vector<16xi32> to vector<16xf32>
      %add3A_241 = arith.addf %add3A_219, %bitcast3A_240 : vector<16xf32>
      %scan3A_242 = arith.constant 7 : i32
      %scan3A_243 = arith.addi %scan3A_96, %scan3A_242 : i32
      %get3A_244 = arith.index_cast %scan3A_243 : i32 to index
      %get3A_245 = arith.constant 80 : index
      %get3A_246 = tpu.vector_load %arg6[%get3A_244, %get3A_245] {strides = array<i32>} : memref<200x128xi32, #tpu.memory_space<vmem>>, vector<16xi32>,
      %lt3A_247 = arith.constant 65536 : i32
      %lt3A_248 = vector.broadcast %lt3A_247 : i32 to vector<16xi32>
      %lt3A_249 = arith.cmpi slt, %get3A_246, %lt3A_248 : vector<16xi32>
      %sub3A_250 = arith.constant 65536 : i32
      %sub3A_251 = vector.broadcast %sub3A_250 : i32 to vector<16xi32>
      %sub3A_252 = arith.subi %get3A_246, %sub3A_251 : vector<16xi32>
      %select_n3A_253 = arith.select %lt3A_249, %get3A_246, %sub3A_252 : vector<16xi1>, vector<16xi32>
      %gather3A_254 = tpu.vector_load_idx %arg5[%select_n3A_253] : memref<65536xi32, #tpu.memory_space<vmem>>[vector<16xi32>], vector<16xi32>,
      %shift_left3A_255 = arith.constant 16 : i32
      %shift_left3A_256 = vector.broadcast %shift_left3A_255 : i32 to vector<16xi32>
      %shift_left3A_257 = arith.shli %gather3A_254, %shift_left3A_256 : vector<16xi32>
      %select_n3A_258 = arith.select %lt3A_249, %shift_left3A_257, %gather3A_254 : vector<16xi1>, vector<16xi32>
      %and3A_259 = arith.constant -65536 : i32
      %and3A_260 = vector.broadcast %and3A_259 : i32 to vector<16xi32>
      %and3A_261 = arith.andi %select_n3A_258, %and3A_260 : vector<16xi32>
      %bitcast3A_262 = vector.bitcast %and3A_261 : vector<16xi32> to vector<16xf32>
      %add3A_263 = arith.addf %add3A_241, %bitcast3A_262 : vector<16xf32>
      scf.yield %add3A_263 : vector<16xf32>
    }
    %scan3A_71 = arith.constant 200 : i32
    %swap3A_72 = arith.constant 80 : index
    %swap3A_73 = tpu.vector_load %arg7[%swap3A_72] {strides = array<i32>} : memref<128xf32, #tpu.memory_space<vmem>>, vector<16xf32>,
    tpu.vector_store %arg7[%swap3A_72], %scan3A_70 {strides = array<i32>} : memref<128xf32, #tpu.memory_space<vmem>>, vector<16xf32>,
    %broadcast_in_dim3A_74 = arith.constant 0.000000e+00 : f32
    %broadcast_in_dim3A_75 = vector.broadcast %broadcast_in_dim3A_74 : f32 to vector<16xf32>
    %scan3A_76 = arith.constant 0 : i32
    %scan3A_77 = arith.constant 200 : i32
    %scan3A_78 = arith.addi %scan3A_76, %scan3A_77 : i32
    %scan3A_79 = arith.constant 8 : i32
    %scan3A_80 = scf.for %scan3A_96 = %scan3A_76 to %scan3A_78 step %scan3A_79 iter_args(%scan3A_97 = %broadcast_in_dim3A_75) -> (vector<16xf32>)  : i32 {
      %get3A = arith.index_cast %scan3A_96 : i32 to index
      %get3A_98 = arith.constant 96 : index
      %get3A_99 = tpu.vector_load %arg6[%get3A, %get3A_98] {strides = array<i32>} : memref<200x128xi32, #tpu.memory_space<vmem>>, vector<16xi32>,
      %lt3A = arith.constant 65536 : i32
      %lt3A_100 = vector.broadcast %lt3A : i32 to vector<16xi32>
      %lt3A_101 = arith.cmpi slt, %get3A_99, %lt3A_100 : vector<16xi32>
      %sub3A = arith.constant 65536 : i32
      %sub3A_102 = vector.broadcast %sub3A : i32 to vector<16xi32>
      %sub3A_103 = arith.subi %get3A_99, %sub3A_102 : vector<16xi32>
      %select_n3A = arith.select %lt3A_101, %get3A_99, %sub3A_103 : vector<16xi1>, vector<16xi32>
      %gather3A = tpu.vector_load_idx %arg5[%select_n3A] : memref<65536xi32, #tpu.memory_space<vmem>>[vector<16xi32>], vector<16xi32>,
      %shift_left3A = arith.constant 16 : i32
      %shift_left3A_104 = vector.broadcast %shift_left3A : i32 to vector<16xi32>
      %shift_left3A_105 = arith.shli %gather3A, %shift_left3A_104 : vector<16xi32>
      %select_n3A_106 = arith.select %lt3A_101, %shift_left3A_105, %gather3A : vector<16xi1>, vector<16xi32>
      %and3A = arith.constant -65536 : i32
      %and3A_107 = vector.broadcast %and3A : i32 to vector<16xi32>
      %and3A_108 = arith.andi %select_n3A_106, %and3A_107 : vector<16xi32>
      %bitcast3A = vector.bitcast %and3A_108 : vector<16xi32> to vector<16xf32>
      %add3A_109 = arith.addf %scan3A_97, %bitcast3A : vector<16xf32>
      %scan3A_110 = arith.constant 1 : i32
      %scan3A_111 = arith.addi %scan3A_96, %scan3A_110 : i32
      %get3A_112 = arith.index_cast %scan3A_111 : i32 to index
      %get3A_113 = arith.constant 96 : index
      %get3A_114 = tpu.vector_load %arg6[%get3A_112, %get3A_113] {strides = array<i32>} : memref<200x128xi32, #tpu.memory_space<vmem>>, vector<16xi32>,
      %lt3A_115 = arith.constant 65536 : i32
      %lt3A_116 = vector.broadcast %lt3A_115 : i32 to vector<16xi32>
      %lt3A_117 = arith.cmpi slt, %get3A_114, %lt3A_116 : vector<16xi32>
      %sub3A_118 = arith.constant 65536 : i32
      %sub3A_119 = vector.broadcast %sub3A_118 : i32 to vector<16xi32>
      %sub3A_120 = arith.subi %get3A_114, %sub3A_119 : vector<16xi32>
      %select_n3A_121 = arith.select %lt3A_117, %get3A_114, %sub3A_120 : vector<16xi1>, vector<16xi32>
      %gather3A_122 = tpu.vector_load_idx %arg5[%select_n3A_121] : memref<65536xi32, #tpu.memory_space<vmem>>[vector<16xi32>], vector<16xi32>,
      %shift_left3A_123 = arith.constant 16 : i32
      %shift_left3A_124 = vector.broadcast %shift_left3A_123 : i32 to vector<16xi32>
      %shift_left3A_125 = arith.shli %gather3A_122, %shift_left3A_124 : vector<16xi32>
      %select_n3A_126 = arith.select %lt3A_117, %shift_left3A_125, %gather3A_122 : vector<16xi1>, vector<16xi32>
      %and3A_127 = arith.constant -65536 : i32
      %and3A_128 = vector.broadcast %and3A_127 : i32 to vector<16xi32>
      %and3A_129 = arith.andi %select_n3A_126, %and3A_128 : vector<16xi32>
      %bitcast3A_130 = vector.bitcast %and3A_129 : vector<16xi32> to vector<16xf32>
      %add3A_131 = arith.addf %add3A_109, %bitcast3A_130 : vector<16xf32>
      %scan3A_132 = arith.constant 2 : i32
      %scan3A_133 = arith.addi %scan3A_96, %scan3A_132 : i32
      %get3A_134 = arith.index_cast %scan3A_133 : i32 to index
      %get3A_135 = arith.constant 96 : index
      %get3A_136 = tpu.vector_load %arg6[%get3A_134, %get3A_135] {strides = array<i32>} : memref<200x128xi32, #tpu.memory_space<vmem>>, vector<16xi32>,
      %lt3A_137 = arith.constant 65536 : i32
      %lt3A_138 = vector.broadcast %lt3A_137 : i32 to vector<16xi32>
      %lt3A_139 = arith.cmpi slt, %get3A_136, %lt3A_138 : vector<16xi32>
      %sub3A_140 = arith.constant 65536 : i32
      %sub3A_141 = vector.broadcast %sub3A_140 : i32 to vector<16xi32>
      %sub3A_142 = arith.subi %get3A_136, %sub3A_141 : vector<16xi32>
      %select_n3A_143 = arith.select %lt3A_139, %get3A_136, %sub3A_142 : vector<16xi1>, vector<16xi32>
      %gather3A_144 = tpu.vector_load_idx %arg5[%select_n3A_143] : memref<65536xi32, #tpu.memory_space<vmem>>[vector<16xi32>], vector<16xi32>,
      %shift_left3A_145 = arith.constant 16 : i32
      %shift_left3A_146 = vector.broadcast %shift_left3A_145 : i32 to vector<16xi32>
      %shift_left3A_147 = arith.shli %gather3A_144, %shift_left3A_146 : vector<16xi32>
      %select_n3A_148 = arith.select %lt3A_139, %shift_left3A_147, %gather3A_144 : vector<16xi1>, vector<16xi32>
      %and3A_149 = arith.constant -65536 : i32
      %and3A_150 = vector.broadcast %and3A_149 : i32 to vector<16xi32>
      %and3A_151 = arith.andi %select_n3A_148, %and3A_150 : vector<16xi32>
      %bitcast3A_152 = vector.bitcast %and3A_151 : vector<16xi32> to vector<16xf32>
      %add3A_153 = arith.addf %add3A_131, %bitcast3A_152 : vector<16xf32>
      %scan3A_154 = arith.constant 3 : i32
      %scan3A_155 = arith.addi %scan3A_96, %scan3A_154 : i32
      %get3A_156 = arith.index_cast %scan3A_155 : i32 to index
      %get3A_157 = arith.constant 96 : index
      %get3A_158 = tpu.vector_load %arg6[%get3A_156, %get3A_157] {strides = array<i32>} : memref<200x128xi32, #tpu.memory_space<vmem>>, vector<16xi32>,
      %lt3A_159 = arith.constant 65536 : i32
      %lt3A_160 = vector.broadcast %lt3A_159 : i32 to vector<16xi32>
      %lt3A_161 = arith.cmpi slt, %get3A_158, %lt3A_160 : vector<16xi32>
      %sub3A_162 = arith.constant 65536 : i32
      %sub3A_163 = vector.broadcast %sub3A_162 : i32 to vector<16xi32>
      %sub3A_164 = arith.subi %get3A_158, %sub3A_163 : vector<16xi32>
      %select_n3A_165 = arith.select %lt3A_161, %get3A_158, %sub3A_164 : vector<16xi1>, vector<16xi32>
      %gather3A_166 = tpu.vector_load_idx %arg5[%select_n3A_165] : memref<65536xi32, #tpu.memory_space<vmem>>[vector<16xi32>], vector<16xi32>,
      %shift_left3A_167 = arith.constant 16 : i32
      %shift_left3A_168 = vector.broadcast %shift_left3A_167 : i32 to vector<16xi32>
      %shift_left3A_169 = arith.shli %gather3A_166, %shift_left3A_168 : vector<16xi32>
      %select_n3A_170 = arith.select %lt3A_161, %shift_left3A_169, %gather3A_166 : vector<16xi1>, vector<16xi32>
      %and3A_171 = arith.constant -65536 : i32
      %and3A_172 = vector.broadcast %and3A_171 : i32 to vector<16xi32>
      %and3A_173 = arith.andi %select_n3A_170, %and3A_172 : vector<16xi32>
      %bitcast3A_174 = vector.bitcast %and3A_173 : vector<16xi32> to vector<16xf32>
      %add3A_175 = arith.addf %add3A_153, %bitcast3A_174 : vector<16xf32>
      %scan3A_176 = arith.constant 4 : i32
      %scan3A_177 = arith.addi %scan3A_96, %scan3A_176 : i32
      %get3A_178 = arith.index_cast %scan3A_177 : i32 to index
      %get3A_179 = arith.constant 96 : index
      %get3A_180 = tpu.vector_load %arg6[%get3A_178, %get3A_179] {strides = array<i32>} : memref<200x128xi32, #tpu.memory_space<vmem>>, vector<16xi32>,
      %lt3A_181 = arith.constant 65536 : i32
      %lt3A_182 = vector.broadcast %lt3A_181 : i32 to vector<16xi32>
      %lt3A_183 = arith.cmpi slt, %get3A_180, %lt3A_182 : vector<16xi32>
      %sub3A_184 = arith.constant 65536 : i32
      %sub3A_185 = vector.broadcast %sub3A_184 : i32 to vector<16xi32>
      %sub3A_186 = arith.subi %get3A_180, %sub3A_185 : vector<16xi32>
      %select_n3A_187 = arith.select %lt3A_183, %get3A_180, %sub3A_186 : vector<16xi1>, vector<16xi32>
      %gather3A_188 = tpu.vector_load_idx %arg5[%select_n3A_187] : memref<65536xi32, #tpu.memory_space<vmem>>[vector<16xi32>], vector<16xi32>,
      %shift_left3A_189 = arith.constant 16 : i32
      %shift_left3A_190 = vector.broadcast %shift_left3A_189 : i32 to vector<16xi32>
      %shift_left3A_191 = arith.shli %gather3A_188, %shift_left3A_190 : vector<16xi32>
      %select_n3A_192 = arith.select %lt3A_183, %shift_left3A_191, %gather3A_188 : vector<16xi1>, vector<16xi32>
      %and3A_193 = arith.constant -65536 : i32
      %and3A_194 = vector.broadcast %and3A_193 : i32 to vector<16xi32>
      %and3A_195 = arith.andi %select_n3A_192, %and3A_194 : vector<16xi32>
      %bitcast3A_196 = vector.bitcast %and3A_195 : vector<16xi32> to vector<16xf32>
      %add3A_197 = arith.addf %add3A_175, %bitcast3A_196 : vector<16xf32>
      %scan3A_198 = arith.constant 5 : i32
      %scan3A_199 = arith.addi %scan3A_96, %scan3A_198 : i32
      %get3A_200 = arith.index_cast %scan3A_199 : i32 to index
      %get3A_201 = arith.constant 96 : index
      %get3A_202 = tpu.vector_load %arg6[%get3A_200, %get3A_201] {strides = array<i32>} : memref<200x128xi32, #tpu.memory_space<vmem>>, vector<16xi32>,
      %lt3A_203 = arith.constant 65536 : i32
      %lt3A_204 = vector.broadcast %lt3A_203 : i32 to vector<16xi32>
      %lt3A_205 = arith.cmpi slt, %get3A_202, %lt3A_204 : vector<16xi32>
      %sub3A_206 = arith.constant 65536 : i32
      %sub3A_207 = vector.broadcast %sub3A_206 : i32 to vector<16xi32>
      %sub3A_208 = arith.subi %get3A_202, %sub3A_207 : vector<16xi32>
      %select_n3A_209 = arith.select %lt3A_205, %get3A_202, %sub3A_208 : vector<16xi1>, vector<16xi32>
      %gather3A_210 = tpu.vector_load_idx %arg5[%select_n3A_209] : memref<65536xi32, #tpu.memory_space<vmem>>[vector<16xi32>], vector<16xi32>,
      %shift_left3A_211 = arith.constant 16 : i32
      %shift_left3A_212 = vector.broadcast %shift_left3A_211 : i32 to vector<16xi32>
      %shift_left3A_213 = arith.shli %gather3A_210, %shift_left3A_212 : vector<16xi32>
      %select_n3A_214 = arith.select %lt3A_205, %shift_left3A_213, %gather3A_210 : vector<16xi1>, vector<16xi32>
      %and3A_215 = arith.constant -65536 : i32
      %and3A_216 = vector.broadcast %and3A_215 : i32 to vector<16xi32>
      %and3A_217 = arith.andi %select_n3A_214, %and3A_216 : vector<16xi32>
      %bitcast3A_218 = vector.bitcast %and3A_217 : vector<16xi32> to vector<16xf32>
      %add3A_219 = arith.addf %add3A_197, %bitcast3A_218 : vector<16xf32>
      %scan3A_220 = arith.constant 6 : i32
      %scan3A_221 = arith.addi %scan3A_96, %scan3A_220 : i32
      %get3A_222 = arith.index_cast %scan3A_221 : i32 to index
      %get3A_223 = arith.constant 96 : index
      %get3A_224 = tpu.vector_load %arg6[%get3A_222, %get3A_223] {strides = array<i32>} : memref<200x128xi32, #tpu.memory_space<vmem>>, vector<16xi32>,
      %lt3A_225 = arith.constant 65536 : i32
      %lt3A_226 = vector.broadcast %lt3A_225 : i32 to vector<16xi32>
      %lt3A_227 = arith.cmpi slt, %get3A_224, %lt3A_226 : vector<16xi32>
      %sub3A_228 = arith.constant 65536 : i32
      %sub3A_229 = vector.broadcast %sub3A_228 : i32 to vector<16xi32>
      %sub3A_230 = arith.subi %get3A_224, %sub3A_229 : vector<16xi32>
      %select_n3A_231 = arith.select %lt3A_227, %get3A_224, %sub3A_230 : vector<16xi1>, vector<16xi32>
      %gather3A_232 = tpu.vector_load_idx %arg5[%select_n3A_231] : memref<65536xi32, #tpu.memory_space<vmem>>[vector<16xi32>], vector<16xi32>,
      %shift_left3A_233 = arith.constant 16 : i32
      %shift_left3A_234 = vector.broadcast %shift_left3A_233 : i32 to vector<16xi32>
      %shift_left3A_235 = arith.shli %gather3A_232, %shift_left3A_234 : vector<16xi32>
      %select_n3A_236 = arith.select %lt3A_227, %shift_left3A_235, %gather3A_232 : vector<16xi1>, vector<16xi32>
      %and3A_237 = arith.constant -65536 : i32
      %and3A_238 = vector.broadcast %and3A_237 : i32 to vector<16xi32>
      %and3A_239 = arith.andi %select_n3A_236, %and3A_238 : vector<16xi32>
      %bitcast3A_240 = vector.bitcast %and3A_239 : vector<16xi32> to vector<16xf32>
      %add3A_241 = arith.addf %add3A_219, %bitcast3A_240 : vector<16xf32>
      %scan3A_242 = arith.constant 7 : i32
      %scan3A_243 = arith.addi %scan3A_96, %scan3A_242 : i32
      %get3A_244 = arith.index_cast %scan3A_243 : i32 to index
      %get3A_245 = arith.constant 96 : index
      %get3A_246 = tpu.vector_load %arg6[%get3A_244, %get3A_245] {strides = array<i32>} : memref<200x128xi32, #tpu.memory_space<vmem>>, vector<16xi32>,
      %lt3A_247 = arith.constant 65536 : i32
      %lt3A_248 = vector.broadcast %lt3A_247 : i32 to vector<16xi32>
      %lt3A_249 = arith.cmpi slt, %get3A_246, %lt3A_248 : vector<16xi32>
      %sub3A_250 = arith.constant 65536 : i32
      %sub3A_251 = vector.broadcast %sub3A_250 : i32 to vector<16xi32>
      %sub3A_252 = arith.subi %get3A_246, %sub3A_251 : vector<16xi32>
      %select_n3A_253 = arith.select %lt3A_249, %get3A_246, %sub3A_252 : vector<16xi1>, vector<16xi32>
      %gather3A_254 = tpu.vector_load_idx %arg5[%select_n3A_253] : memref<65536xi32, #tpu.memory_space<vmem>>[vector<16xi32>], vector<16xi32>,
      %shift_left3A_255 = arith.constant 16 : i32
      %shift_left3A_256 = vector.broadcast %shift_left3A_255 : i32 to vector<16xi32>
      %shift_left3A_257 = arith.shli %gather3A_254, %shift_left3A_256 : vector<16xi32>
      %select_n3A_258 = arith.select %lt3A_249, %shift_left3A_257, %gather3A_254 : vector<16xi1>, vector<16xi32>
      %and3A_259 = arith.constant -65536 : i32
      %and3A_260 = vector.broadcast %and3A_259 : i32 to vector<16xi32>
      %and3A_261 = arith.andi %select_n3A_258, %and3A_260 : vector<16xi32>
      %bitcast3A_262 = vector.bitcast %and3A_261 : vector<16xi32> to vector<16xf32>
      %add3A_263 = arith.addf %add3A_241, %bitcast3A_262 : vector<16xf32>
      scf.yield %add3A_263 : vector<16xf32>
    }
    %scan3A_81 = arith.constant 200 : i32
    %swap3A_82 = arith.constant 96 : index
    %swap3A_83 = tpu.vector_load %arg7[%swap3A_82] {strides = array<i32>} : memref<128xf32, #tpu.memory_space<vmem>>, vector<16xf32>,
    tpu.vector_store %arg7[%swap3A_82], %scan3A_80 {strides = array<i32>} : memref<128xf32, #tpu.memory_space<vmem>>, vector<16xf32>,
    %broadcast_in_dim3A_84 = arith.constant 0.000000e+00 : f32
    %broadcast_in_dim3A_85 = vector.broadcast %broadcast_in_dim3A_84 : f32 to vector<16xf32>
    %scan3A_86 = arith.constant 0 : i32
    %scan3A_87 = arith.constant 200 : i32
    %scan3A_88 = arith.addi %scan3A_86, %scan3A_87 : i32
    %scan3A_89 = arith.constant 8 : i32
    %scan3A_90 = scf.for %scan3A_96 = %scan3A_86 to %scan3A_88 step %scan3A_89 iter_args(%scan3A_97 = %broadcast_in_dim3A_85) -> (vector<16xf32>)  : i32 {
      %get3A = arith.index_cast %scan3A_96 : i32 to index
      %get3A_98 = arith.constant 112 : index
      %get3A_99 = tpu.vector_load %arg6[%get3A, %get3A_98] {strides = array<i32>} : memref<200x128xi32, #tpu.memory_space<vmem>>, vector<16xi32>,
      %lt3A = arith.constant 65536 : i32
      %lt3A_100 = vector.broadcast %lt3A : i32 to vector<16xi32>
      %lt3A_101 = arith.cmpi slt, %get3A_99, %lt3A_100 : vector<16xi32>
      %sub3A = arith.constant 65536 : i32
      %sub3A_102 = vector.broadcast %sub3A : i32 to vector<16xi32>
      %sub3A_103 = arith.subi %get3A_99, %sub3A_102 : vector<16xi32>
      %select_n3A = arith.select %lt3A_101, %get3A_99, %sub3A_103 : vector<16xi1>, vector<16xi32>
      %gather3A = tpu.vector_load_idx %arg5[%select_n3A] : memref<65536xi32, #tpu.memory_space<vmem>>[vector<16xi32>], vector<16xi32>,
      %shift_left3A = arith.constant 16 : i32
      %shift_left3A_104 = vector.broadcast %shift_left3A : i32 to vector<16xi32>
      %shift_left3A_105 = arith.shli %gather3A, %shift_left3A_104 : vector<16xi32>
      %select_n3A_106 = arith.select %lt3A_101, %shift_left3A_105, %gather3A : vector<16xi1>, vector<16xi32>
      %and3A = arith.constant -65536 : i32
      %and3A_107 = vector.broadcast %and3A : i32 to vector<16xi32>
      %and3A_108 = arith.andi %select_n3A_106, %and3A_107 : vector<16xi32>
      %bitcast3A = vector.bitcast %and3A_108 : vector<16xi32> to vector<16xf32>
      %add3A_109 = arith.addf %scan3A_97, %bitcast3A : vector<16xf32>
      %scan3A_110 = arith.constant 1 : i32
      %scan3A_111 = arith.addi %scan3A_96, %scan3A_110 : i32
      %get3A_112 = arith.index_cast %scan3A_111 : i32 to index
      %get3A_113 = arith.constant 112 : index
      %get3A_114 = tpu.vector_load %arg6[%get3A_112, %get3A_113] {strides = array<i32>} : memref<200x128xi32, #tpu.memory_space<vmem>>, vector<16xi32>,
      %lt3A_115 = arith.constant 65536 : i32
      %lt3A_116 = vector.broadcast %lt3A_115 : i32 to vector<16xi32>
      %lt3A_117 = arith.cmpi slt, %get3A_114, %lt3A_116 : vector<16xi32>
      %sub3A_118 = arith.constant 65536 : i32
      %sub3A_119 = vector.broadcast %sub3A_118 : i32 to vector<16xi32>
      %sub3A_120 = arith.subi %get3A_114, %sub3A_119 : vector<16xi32>
      %select_n3A_121 = arith.select %lt3A_117, %get3A_114, %sub3A_120 : vector<16xi1>, vector<16xi32>
      %gather3A_122 = tpu.vector_load_idx %arg5[%select_n3A_121] : memref<65536xi32, #tpu.memory_space<vmem>>[vector<16xi32>], vector<16xi32>,
      %shift_left3A_123 = arith.constant 16 : i32
      %shift_left3A_124 = vector.broadcast %shift_left3A_123 : i32 to vector<16xi32>
      %shift_left3A_125 = arith.shli %gather3A_122, %shift_left3A_124 : vector<16xi32>
      %select_n3A_126 = arith.select %lt3A_117, %shift_left3A_125, %gather3A_122 : vector<16xi1>, vector<16xi32>
      %and3A_127 = arith.constant -65536 : i32
      %and3A_128 = vector.broadcast %and3A_127 : i32 to vector<16xi32>
      %and3A_129 = arith.andi %select_n3A_126, %and3A_128 : vector<16xi32>
      %bitcast3A_130 = vector.bitcast %and3A_129 : vector<16xi32> to vector<16xf32>
      %add3A_131 = arith.addf %add3A_109, %bitcast3A_130 : vector<16xf32>
      %scan3A_132 = arith.constant 2 : i32
      %scan3A_133 = arith.addi %scan3A_96, %scan3A_132 : i32
      %get3A_134 = arith.index_cast %scan3A_133 : i32 to index
      %get3A_135 = arith.constant 112 : index
      %get3A_136 = tpu.vector_load %arg6[%get3A_134, %get3A_135] {strides = array<i32>} : memref<200x128xi32, #tpu.memory_space<vmem>>, vector<16xi32>,
      %lt3A_137 = arith.constant 65536 : i32
      %lt3A_138 = vector.broadcast %lt3A_137 : i32 to vector<16xi32>
      %lt3A_139 = arith.cmpi slt, %get3A_136, %lt3A_138 : vector<16xi32>
      %sub3A_140 = arith.constant 65536 : i32
      %sub3A_141 = vector.broadcast %sub3A_140 : i32 to vector<16xi32>
      %sub3A_142 = arith.subi %get3A_136, %sub3A_141 : vector<16xi32>
      %select_n3A_143 = arith.select %lt3A_139, %get3A_136, %sub3A_142 : vector<16xi1>, vector<16xi32>
      %gather3A_144 = tpu.vector_load_idx %arg5[%select_n3A_143] : memref<65536xi32, #tpu.memory_space<vmem>>[vector<16xi32>], vector<16xi32>,
      %shift_left3A_145 = arith.constant 16 : i32
      %shift_left3A_146 = vector.broadcast %shift_left3A_145 : i32 to vector<16xi32>
      %shift_left3A_147 = arith.shli %gather3A_144, %shift_left3A_146 : vector<16xi32>
      %select_n3A_148 = arith.select %lt3A_139, %shift_left3A_147, %gather3A_144 : vector<16xi1>, vector<16xi32>
      %and3A_149 = arith.constant -65536 : i32
      %and3A_150 = vector.broadcast %and3A_149 : i32 to vector<16xi32>
      %and3A_151 = arith.andi %select_n3A_148, %and3A_150 : vector<16xi32>
      %bitcast3A_152 = vector.bitcast %and3A_151 : vector<16xi32> to vector<16xf32>
      %add3A_153 = arith.addf %add3A_131, %bitcast3A_152 : vector<16xf32>
      %scan3A_154 = arith.constant 3 : i32
      %scan3A_155 = arith.addi %scan3A_96, %scan3A_154 : i32
      %get3A_156 = arith.index_cast %scan3A_155 : i32 to index
      %get3A_157 = arith.constant 112 : index
      %get3A_158 = tpu.vector_load %arg6[%get3A_156, %get3A_157] {strides = array<i32>} : memref<200x128xi32, #tpu.memory_space<vmem>>, vector<16xi32>,
      %lt3A_159 = arith.constant 65536 : i32
      %lt3A_160 = vector.broadcast %lt3A_159 : i32 to vector<16xi32>
      %lt3A_161 = arith.cmpi slt, %get3A_158, %lt3A_160 : vector<16xi32>
      %sub3A_162 = arith.constant 65536 : i32
      %sub3A_163 = vector.broadcast %sub3A_162 : i32 to vector<16xi32>
      %sub3A_164 = arith.subi %get3A_158, %sub3A_163 : vector<16xi32>
      %select_n3A_165 = arith.select %lt3A_161, %get3A_158, %sub3A_164 : vector<16xi1>, vector<16xi32>
      %gather3A_166 = tpu.vector_load_idx %arg5[%select_n3A_165] : memref<65536xi32, #tpu.memory_space<vmem>>[vector<16xi32>], vector<16xi32>,
      %shift_left3A_167 = arith.constant 16 : i32
      %shift_left3A_168 = vector.broadcast %shift_left3A_167 : i32 to vector<16xi32>
      %shift_left3A_169 = arith.shli %gather3A_166, %shift_left3A_168 : vector<16xi32>
      %select_n3A_170 = arith.select %lt3A_161, %shift_left3A_169, %gather3A_166 : vector<16xi1>, vector<16xi32>
      %and3A_171 = arith.constant -65536 : i32
      %and3A_172 = vector.broadcast %and3A_171 : i32 to vector<16xi32>
      %and3A_173 = arith.andi %select_n3A_170, %and3A_172 : vector<16xi32>
      %bitcast3A_174 = vector.bitcast %and3A_173 : vector<16xi32> to vector<16xf32>
      %add3A_175 = arith.addf %add3A_153, %bitcast3A_174 : vector<16xf32>
      %scan3A_176 = arith.constant 4 : i32
      %scan3A_177 = arith.addi %scan3A_96, %scan3A_176 : i32
      %get3A_178 = arith.index_cast %scan3A_177 : i32 to index
      %get3A_179 = arith.constant 112 : index
      %get3A_180 = tpu.vector_load %arg6[%get3A_178, %get3A_179] {strides = array<i32>} : memref<200x128xi32, #tpu.memory_space<vmem>>, vector<16xi32>,
      %lt3A_181 = arith.constant 65536 : i32
      %lt3A_182 = vector.broadcast %lt3A_181 : i32 to vector<16xi32>
      %lt3A_183 = arith.cmpi slt, %get3A_180, %lt3A_182 : vector<16xi32>
      %sub3A_184 = arith.constant 65536 : i32
      %sub3A_185 = vector.broadcast %sub3A_184 : i32 to vector<16xi32>
      %sub3A_186 = arith.subi %get3A_180, %sub3A_185 : vector<16xi32>
      %select_n3A_187 = arith.select %lt3A_183, %get3A_180, %sub3A_186 : vector<16xi1>, vector<16xi32>
      %gather3A_188 = tpu.vector_load_idx %arg5[%select_n3A_187] : memref<65536xi32, #tpu.memory_space<vmem>>[vector<16xi32>], vector<16xi32>,
      %shift_left3A_189 = arith.constant 16 : i32
      %shift_left3A_190 = vector.broadcast %shift_left3A_189 : i32 to vector<16xi32>
      %shift_left3A_191 = arith.shli %gather3A_188, %shift_left3A_190 : vector<16xi32>
      %select_n3A_192 = arith.select %lt3A_183, %shift_left3A_191, %gather3A_188 : vector<16xi1>, vector<16xi32>
      %and3A_193 = arith.constant -65536 : i32
      %and3A_194 = vector.broadcast %and3A_193 : i32 to vector<16xi32>
      %and3A_195 = arith.andi %select_n3A_192, %and3A_194 : vector<16xi32>
      %bitcast3A_196 = vector.bitcast %and3A_195 : vector<16xi32> to vector<16xf32>
      %add3A_197 = arith.addf %add3A_175, %bitcast3A_196 : vector<16xf32>
      %scan3A_198 = arith.constant 5 : i32
      %scan3A_199 = arith.addi %scan3A_96, %scan3A_198 : i32
      %get3A_200 = arith.index_cast %scan3A_199 : i32 to index
      %get3A_201 = arith.constant 112 : index
      %get3A_202 = tpu.vector_load %arg6[%get3A_200, %get3A_201] {strides = array<i32>} : memref<200x128xi32, #tpu.memory_space<vmem>>, vector<16xi32>,
      %lt3A_203 = arith.constant 65536 : i32
      %lt3A_204 = vector.broadcast %lt3A_203 : i32 to vector<16xi32>
      %lt3A_205 = arith.cmpi slt, %get3A_202, %lt3A_204 : vector<16xi32>
      %sub3A_206 = arith.constant 65536 : i32
      %sub3A_207 = vector.broadcast %sub3A_206 : i32 to vector<16xi32>
      %sub3A_208 = arith.subi %get3A_202, %sub3A_207 : vector<16xi32>
      %select_n3A_209 = arith.select %lt3A_205, %get3A_202, %sub3A_208 : vector<16xi1>, vector<16xi32>
      %gather3A_210 = tpu.vector_load_idx %arg5[%select_n3A_209] : memref<65536xi32, #tpu.memory_space<vmem>>[vector<16xi32>], vector<16xi32>,
      %shift_left3A_211 = arith.constant 16 : i32
      %shift_left3A_212 = vector.broadcast %shift_left3A_211 : i32 to vector<16xi32>
      %shift_left3A_213 = arith.shli %gather3A_210, %shift_left3A_212 : vector<16xi32>
      %select_n3A_214 = arith.select %lt3A_205, %shift_left3A_213, %gather3A_210 : vector<16xi1>, vector<16xi32>
      %and3A_215 = arith.constant -65536 : i32
      %and3A_216 = vector.broadcast %and3A_215 : i32 to vector<16xi32>
      %and3A_217 = arith.andi %select_n3A_214, %and3A_216 : vector<16xi32>
      %bitcast3A_218 = vector.bitcast %and3A_217 : vector<16xi32> to vector<16xf32>
      %add3A_219 = arith.addf %add3A_197, %bitcast3A_218 : vector<16xf32>
      %scan3A_220 = arith.constant 6 : i32
      %scan3A_221 = arith.addi %scan3A_96, %scan3A_220 : i32
      %get3A_222 = arith.index_cast %scan3A_221 : i32 to index
      %get3A_223 = arith.constant 112 : index
      %get3A_224 = tpu.vector_load %arg6[%get3A_222, %get3A_223] {strides = array<i32>} : memref<200x128xi32, #tpu.memory_space<vmem>>, vector<16xi32>,
      %lt3A_225 = arith.constant 65536 : i32
      %lt3A_226 = vector.broadcast %lt3A_225 : i32 to vector<16xi32>
      %lt3A_227 = arith.cmpi slt, %get3A_224, %lt3A_226 : vector<16xi32>
      %sub3A_228 = arith.constant 65536 : i32
      %sub3A_229 = vector.broadcast %sub3A_228 : i32 to vector<16xi32>
      %sub3A_230 = arith.subi %get3A_224, %sub3A_229 : vector<16xi32>
      %select_n3A_231 = arith.select %lt3A_227, %get3A_224, %sub3A_230 : vector<16xi1>, vector<16xi32>
      %gather3A_232 = tpu.vector_load_idx %arg5[%select_n3A_231] : memref<65536xi32, #tpu.memory_space<vmem>>[vector<16xi32>], vector<16xi32>,
      %shift_left3A_233 = arith.constant 16 : i32
      %shift_left3A_234 = vector.broadcast %shift_left3A_233 : i32 to vector<16xi32>
      %shift_left3A_235 = arith.shli %gather3A_232, %shift_left3A_234 : vector<16xi32>
      %select_n3A_236 = arith.select %lt3A_227, %shift_left3A_235, %gather3A_232 : vector<16xi1>, vector<16xi32>
      %and3A_237 = arith.constant -65536 : i32
      %and3A_238 = vector.broadcast %and3A_237 : i32 to vector<16xi32>
      %and3A_239 = arith.andi %select_n3A_236, %and3A_238 : vector<16xi32>
      %bitcast3A_240 = vector.bitcast %and3A_239 : vector<16xi32> to vector<16xf32>
      %add3A_241 = arith.addf %add3A_219, %bitcast3A_240 : vector<16xf32>
      %scan3A_242 = arith.constant 7 : i32
      %scan3A_243 = arith.addi %scan3A_96, %scan3A_242 : i32
      %get3A_244 = arith.index_cast %scan3A_243 : i32 to index
      %get3A_245 = arith.constant 112 : index
      %get3A_246 = tpu.vector_load %arg6[%get3A_244, %get3A_245] {strides = array<i32>} : memref<200x128xi32, #tpu.memory_space<vmem>>, vector<16xi32>,
      %lt3A_247 = arith.constant 65536 : i32
      %lt3A_248 = vector.broadcast %lt3A_247 : i32 to vector<16xi32>
      %lt3A_249 = arith.cmpi slt, %get3A_246, %lt3A_248 : vector<16xi32>
      %sub3A_250 = arith.constant 65536 : i32
      %sub3A_251 = vector.broadcast %sub3A_250 : i32 to vector<16xi32>
      %sub3A_252 = arith.subi %get3A_246, %sub3A_251 : vector<16xi32>
      %select_n3A_253 = arith.select %lt3A_249, %get3A_246, %sub3A_252 : vector<16xi1>, vector<16xi32>
      %gather3A_254 = tpu.vector_load_idx %arg5[%select_n3A_253] : memref<65536xi32, #tpu.memory_space<vmem>>[vector<16xi32>], vector<16xi32>,
      %shift_left3A_255 = arith.constant 16 : i32
      %shift_left3A_256 = vector.broadcast %shift_left3A_255 : i32 to vector<16xi32>
      %shift_left3A_257 = arith.shli %gather3A_254, %shift_left3A_256 : vector<16xi32>
      %select_n3A_258 = arith.select %lt3A_249, %shift_left3A_257, %gather3A_254 : vector<16xi1>, vector<16xi32>
      %and3A_259 = arith.constant -65536 : i32
      %and3A_260 = vector.broadcast %and3A_259 : i32 to vector<16xi32>
      %and3A_261 = arith.andi %select_n3A_258, %and3A_260 : vector<16xi32>
      %bitcast3A_262 = vector.bitcast %and3A_261 : vector<16xi32> to vector<16xf32>
      %add3A_263 = arith.addf %add3A_241, %bitcast3A_262 : vector<16xf32>
      scf.yield %add3A_263 : vector<16xf32>
    }
    %scan3A_91 = arith.constant 200 : i32
    %swap3A_92 = arith.constant 112 : index
    %swap3A_93 = tpu.vector_load %arg7[%swap3A_92] {strides = array<i32>} : memref<128xf32, #tpu.memory_space<vmem>>, vector<16xf32>,
    tpu.vector_store %arg7[%swap3A_92], %scan3A_90 {strides = array<i32>} : memref<128xf32, #tpu.memory_space<vmem>>, vector<16xf32>,
    %mul3A_94 = arith.constant 128 : i32
    %mul3A_95 = arith.muli %add3A, %mul3A_94 : i32
    "tpu.region"() ({
      %run_scoped3A = tpu.sem_alloc : memref<!tpu.dma_semaphore, #tpu.memory_space<semaphore_mem>>
      %dma_start3A_96 = tpu.memref_slice %arg4[%mul3A_95] : memref<4096xf32, #tpu.memory_space<hbm>> -> memref<128xf32, #tpu.memory_space<hbm>>
      %dma_start3A_97 = tpu.memref_slice %arg4[%mul3A_95] : memref<4096xf32, #tpu.memory_space<hbm>> -> memref<128xf32, #tpu.memory_space<hbm>>
      tpu.enqueue_dma source(%arg7 : memref<128xf32, #tpu.memory_space<vmem>>) target(%dma_start3A_97 : memref<128xf32, #tpu.memory_space<hbm>>) target_semaphore(%run_scoped3A : memref<!tpu.dma_semaphore, #tpu.memory_space<semaphore_mem>>)
      %dma_wait3A_98 = tpu.memref_slice %arg4[%mul3A_95] : memref<4096xf32, #tpu.memory_space<hbm>> -> memref<128xf32, #tpu.memory_space<hbm>>
      %dma_wait3A_99 = tpu.memref_slice %arg4[%mul3A_95] : memref<4096xf32, #tpu.memory_space<hbm>> -> memref<128xf32, #tpu.memory_space<hbm>>
      tpu.wait_dma2 semaphore(%run_scoped3A : memref<!tpu.dma_semaphore, #tpu.memory_space<semaphore_mem>>) src(%arg7 : memref<128xf32, #tpu.memory_space<vmem>>) dst(%dma_wait3A_99 : memref<128xf32, #tpu.memory_space<hbm>>)
      tpu.yield
    }) : () -> ()
    return
  }
}

module attributes {stable_mosaic.version = 14 : i64} {
  func.func @_proj_body(%arg0: i32, %arg1: memref<16x32768xf32, #tpu.memory_space<vmem>>, %arg2: memref<16x32768xf32, #tpu.memory_space<vmem>>, %arg3: memref<8x16xf32, #tpu.memory_space<vmem>>, %arg4: memref<1x1xf32, #tpu.memory_space<smem>>, %arg5: memref<256x128xi32, #tpu.memory_space<vmem>>) attributes {dimension_semantics = [#tpu.dimension_semantics<arbitrary>], iteration_bounds = array<i64: 2>, scalar_prefetch = 0 : i64, scratch_operands = 0 : i64, tpu.core_type = #tpu.core_type<tc>, window_params = [{transform_indices = @transform_0, window_bounds = array<i64: 16, 32768>}, {transform_indices = @transform_1, window_bounds = array<i64: 16, 32768>}, {pipeline_mode = #tpu.pipeline_mode<synchronous>, transform_indices = @transform_2, window_bounds = array<i64: 8, 16>}, {transform_indices = @transform_3, window_bounds = array<i64: 1, 1>}, {transform_indices = @transform_4, window_bounds = array<i64: 256, 128>}]} {
    %get3A = arith.constant 0 : index
    %get3A_0 = arith.constant 0 : index
    %get3A_1 = vector.load %arg3[%get3A, %get3A_0] : memref<8x16xf32, #tpu.memory_space<vmem>>, vector<8x16xf32>
    %get3A_2 = arith.constant 0 : index
    %get3A_3 = arith.constant 0 : index
    %get3A_4 = memref.load %arg4[%get3A_2, %get3A_3] : memref<1x1xf32, #tpu.memory_space<smem>>
    %get3A_5 = arith.constant 0 : index
    %get3A_6 = arith.constant 0 : index
    %get3A_7 = vector.load %arg1[%get3A_5, %get3A_6] : memref<16x32768xf32, #tpu.memory_space<vmem>>, vector<16x32768xf32>
    %dot_general3A = arith.constant dense<0.000000e+00> : vector<8x32768xf32>
    %dot_general3A_8 = tpu.matmul %get3A_1, %get3A_7, %dot_general3A {dimension_numbers = #tpu.dot_dimension_numbers<[1], [0], [0], [1], [0, 0, 1, 1], [], []>, transpose_lhs_hint = false} : vector<8x16xf32>, vector<16x32768xf32>, vector<8x32768xf32> -> vector<8x32768xf32>
    %add3A = vector.broadcast %get3A_4 : f32 to vector<8x32768xf32>
    %add3A_9 = arith.addf %dot_general3A_8, %add3A : vector<8x32768xf32>
    %get3A_10 = arith.constant 0 : index
    %get3A_11 = arith.constant 0 : index
    %get3A_12 = vector.load %arg2[%get3A_10, %get3A_11] : memref<16x32768xf32, #tpu.memory_space<vmem>>, vector<16x32768xf32>
    %dot_general3A_13 = arith.constant dense<0.000000e+00> : vector<8x32768xf32>
    %dot_general3A_14 = tpu.matmul %get3A_1, %get3A_12, %dot_general3A_13 {dimension_numbers = #tpu.dot_dimension_numbers<[1], [0], [0], [1], [0, 0, 1, 1], [], []>, transpose_lhs_hint = false} : vector<8x16xf32>, vector<16x32768xf32>, vector<8x32768xf32> -> vector<8x32768xf32>
    %add3A_15 = vector.broadcast %get3A_4 : f32 to vector<8x32768xf32>
    %add3A_16 = arith.addf %dot_general3A_14, %add3A_15 : vector<8x32768xf32>
    %bitcast_convert_type3A = tpu.bitcast %add3A_9 : vector<8x32768xf32> -> vector<8x32768xi32>
    %shift_right_logical3A = arith.constant 16 : i32
    %shift_right_logical3A_17 = vector.broadcast %shift_right_logical3A : i32 to vector<8x32768xi32>
    %shift_right_logical3A_18 = arith.shrui %bitcast_convert_type3A, %shift_right_logical3A_17 : vector<8x32768xi32>
    %and3A = arith.constant 1 : i32
    %and3A_19 = vector.broadcast %and3A : i32 to vector<8x32768xi32>
    %and3A_20 = arith.andi %shift_right_logical3A_18, %and3A_19 : vector<8x32768xi32>
    %add3A_21 = arith.constant 32767 : i32
    %add3A_22 = vector.broadcast %add3A_21 : i32 to vector<8x32768xi32>
    %add3A_23 = arith.addi %bitcast_convert_type3A, %add3A_22 : vector<8x32768xi32>
    %add3A_24 = arith.addi %add3A_23, %and3A_20 : vector<8x32768xi32>
    %shift_right_logical3A_25 = arith.constant 16 : i32
    %shift_right_logical3A_26 = vector.broadcast %shift_right_logical3A_25 : i32 to vector<8x32768xi32>
    %shift_right_logical3A_27 = arith.shrui %add3A_24, %shift_right_logical3A_26 : vector<8x32768xi32>
    %bitcast_convert_type3A_28 = tpu.bitcast %add3A_16 : vector<8x32768xf32> -> vector<8x32768xi32>
    %shift_right_logical3A_29 = arith.constant 16 : i32
    %shift_right_logical3A_30 = vector.broadcast %shift_right_logical3A_29 : i32 to vector<8x32768xi32>
    %shift_right_logical3A_31 = arith.shrui %bitcast_convert_type3A_28, %shift_right_logical3A_30 : vector<8x32768xi32>
    %and3A_32 = arith.constant 1 : i32
    %and3A_33 = vector.broadcast %and3A_32 : i32 to vector<8x32768xi32>
    %and3A_34 = arith.andi %shift_right_logical3A_31, %and3A_33 : vector<8x32768xi32>
    %add3A_35 = arith.constant 32767 : i32
    %add3A_36 = vector.broadcast %add3A_35 : i32 to vector<8x32768xi32>
    %add3A_37 = arith.addi %bitcast_convert_type3A_28, %add3A_36 : vector<8x32768xi32>
    %add3A_38 = arith.addi %add3A_37, %and3A_34 : vector<8x32768xi32>
    %shift_right_logical3A_39 = arith.constant 16 : i32
    %shift_right_logical3A_40 = vector.broadcast %shift_right_logical3A_39 : i32 to vector<8x32768xi32>
    %shift_right_logical3A_41 = arith.shrui %add3A_38, %shift_right_logical3A_40 : vector<8x32768xi32>
    %shift_left3A = arith.constant 16 : i32
    %shift_left3A_42 = vector.broadcast %shift_left3A : i32 to vector<8x32768xi32>
    %shift_left3A_43 = arith.shli %shift_right_logical3A_41, %shift_left3A_42 : vector<8x32768xi32>
    %or3A = arith.ori %shift_right_logical3A_27, %shift_left3A_43 : vector<8x32768xi32>
    %bitcast_convert_type3A_44 = tpu.bitcast %or3A : vector<8x32768xi32> -> vector<8x32768xi32>
    %slice3A = vector.extract_strided_slice %bitcast_convert_type3A_44 {offsets = [0, 0], sizes = [1, 32768], strides = [1, 1]} : vector<8x32768xi32> to vector<1x32768xi32>
    %reshape3A = vector.shape_cast %slice3A : vector<1x32768xi32> to vector<256x128xi32>
    %swap3A = arith.constant 0 : index
    %swap3A_45 = arith.constant 0 : index
    %swap3A_46 = vector.load %arg5[%swap3A, %swap3A_45] : memref<256x128xi32, #tpu.memory_space<vmem>>, vector<256x128xi32>
    tpu.vector_store %arg5[%swap3A, %swap3A_45], %reshape3A {strides = array<i32>} : memref<256x128xi32, #tpu.memory_space<vmem>>, vector<256x128xi32>,
    return
  }
  func.func @transform_0(%arg0: i32) -> (i32, i32) {
    %c0_i32 = arith.constant 0 : i32
    %c0_i32_0 = arith.constant 0 : i32
    return %c0_i32, %arg0 : i32, i32
  }
  func.func @transform_1(%arg0: i32) -> (i32, i32) {
    %add3A = arith.constant 2 : i32
    %add3A_0 = arith.addi %arg0, %add3A : i32
    %min3A = arith.constant 3 : i32
    %min3A_1 = arith.minsi %add3A_0, %min3A : i32
    %c0_i32 = arith.constant 0 : i32
    %c0_i32_2 = arith.constant 0 : i32
    return %c0_i32, %min3A_1 : i32, i32
  }
  func.func @transform_2(%arg0: i32) -> (i32, i32) {
    %c0_i32 = arith.constant 0 : i32
    %c0_i32_0 = arith.constant 0 : i32
    %c0_i32_1 = arith.constant 0 : i32
    return %c0_i32, %c0_i32_0 : i32, i32
  }
  func.func @transform_3(%arg0: i32) -> (i32, i32) {
    %c0_i32 = arith.constant 0 : i32
    %c0_i32_0 = arith.constant 0 : i32
    %c0_i32_1 = arith.constant 0 : i32
    return %c0_i32, %c0_i32_0 : i32, i32
  }
  func.func @transform_4(%arg0: i32) -> (i32, i32) {
    %c0_i32 = arith.constant 0 : i32
    %c0_i32_0 = arith.constant 0 : i32
    return %arg0, %c0_i32 : i32, i32
  }
}

</mosaic_0001>

<sc_bundles>
// kernel: kernel.4.cloned.1.call-start
scs
__scs_entry_jumppad:
0x0: {  	(pc) =	sbr.rel $0x88, $3  }
0x1: {  	(tag) =	ssettag $0x0;
	lr =	simm.s32 $0x1  }
0x2: {  	[smem:$0x3F9D] =	sst lr;
	_ =	strace $0xD0000000  }
0x3: {  	_ = 	snop  }
0x4: {  	_ = 	snop  }
0x5: {  	_ = 	snop  }
0x6: {  	_ = 	snop  }
0x7: {  	_ = 	snop  }
__scs_overlays_trampoline_lowered:
0x8: {  	[smem:$0x3FAC] =	sst s0  }
0x9: {  	[smem:$0x3FAD] =	sst s1  }
0xa: {  	[smem:$0x3FAE] =	sst s2  }
0xb: {  	[smem:$0x3FAF] =	sst s3  }
0xc: {  	[smem:$0x3FB0] =	sst s4  }
0xd: {  	[smem:$0x3FB1] =	sst s5  }
0xe: {  	[smem:$0x3FB2] =	sst s6  }
0xf: {  	[smem:$0x3FB3] =	sst s7  }
0x10: {  	[smem:$0x3FB4] =	sst s8  }
0x11: {  	[smem:$0x3FB5] =	sst s9;
	s0 =	simm.s32 @!p0 $0x0  }
0x12: {  	s1 =	sld [smem:$0x3F9B];
	s0 =	simm.s32 @p0 $0x1  }
0x13: {  	[smem:$0x3FB6] =	sst s0;
	s0 =	simm.s32 @!p1 $0x0  }
0x14: {  	s2 =	sld [smem:$0x3F9A];
	s0 =	simm.s32 @p1 $0x1  }
0x15: {  	[smem:$0x3FB7] =	sst s0;
	s0 =	simm.s32 @!p2 $0x0  }
0x16: {  	s3 =	sld [smem:$0x3FDB];
	s0 =	simm.s32 @p2 $0x1  }
0x17: {  	s4 =	simm.s32 $0x1BF5;
	[smem:$0x3FB9] =	sst s0  }
0x18: {  	s0 =	sld [smem:$0x3F9C];
	_ =	swait.ge [sflag:s4], $0x0  }
0x19: {  	s7 =	sld [smem:$0x3F9D]  }
0x1a: {  	s8 =	sadd.s32 $0xFFFFE003, lr  }
0x1b: {  	s9 =	sadd.s32 $0xFFFFFEF7, lr;
	s5 =	simm.s32 $0xFFFFFFFF;
	p2 =	slt.u32 s8, $0xFFFFF086  }
0x1c: {  	p1 =	slt.u32 s9, $0xF7A;
	s5 =	simm.s32 @!p2 $0x0  }
0x1d: {  	s5 =	simm.s32 @p1 $0x1;
	p0 =	seq.s32 s7, s2  }
0x1e: {  	s7 =	smul.u32 @!p0 $0xF7A, s2;
	p2 =	seq.s32 @!p0 s5, $0x0  }
0x1f: {  	s9 =	smul.u32 $0xF7A, s1;
	s8 =	simm.s32 @!p0 $0x1BF5;
	p2 =	por !p2, p0  }
0x20: {  	[sflag:s8] =	ssyncset.s32 @!p0 $0xFFFFF086;
	s6 =	sadd.s32 @!p0 s3, s7;
	s7 =	simm.s32 @!p0 $0x108  }
0x21: {  	s3 =	sadd.s32 s3, s9;
	s6 =	sadd.s32 @!p0 $0x88, s6;
	s7 =	simm.s32 @p2 $0x1082  }
0x22: {  	[simem:s7], [sflag:s8] =	dma.local @!p0 [hbm:s6], $0xF7A  }
0x23: {  	s9 =	sor.u32 $0xD0000000, s2;
	s6 =	simm.s32 $0x108;
	_ =	swait.ge @!p0 [sflag:s8], $0x0  }
0x24: {  	s3 =	sadd.s32 $0x88, s3;
	s6 =	simm.s32 @!p1 $0x1082;
	[sflag:s4] =	ssyncset.s32 $0xFFFFF086  }
0x25: {  	[simem:s6], [sflag:s4] =	dma.local [hbm:s3], $0xF7A  }
0x26: {  	[smem:$0x3F9D] =	sst s1;
	(tag) =	ssettag s2;
	_ =	strace s9  }
0x27: {  	s1 =	sld [smem:$0x3FAD]  }
0x28: {  	s2 =	sld [smem:$0x3FAE]  }
0x29: {  	s4 =	sld [smem:$0x3FB0]  }
0x2a: {  	p0 =	seq.s32 s5, $0x0;
	s5 =	sld [smem:$0x3FB1]  }
0x2b: {  	s6 =	sld [smem:$0x3FB2]  }
0x2c: {  	s7 =	sld [smem:$0x3FB3]  }
0x2d: {  	s3 =	simm.s32 $0x108;
	s8 =	sld [smem:$0x3FB4]  }
0x2e: {  	s3 =	simm.s32 @!p0 $0x1082;
	s9 =	sld [smem:$0x3FB5]  }
0x2f: {  	lr =	sadd.s32 s0, s3;
	s0 =	sld [smem:$0x3FAC]  }
0x30: {  	s3 =	sld [smem:$0x3FAF]  }
0x31: {  	[smem:$0x3FB8] =	sst s10  }
0x32: {  	s10 =	sld [smem:$0x3FB6];
	_ =	sdelay $0x3  }
0x33: {  	p0 =	seq.s32 s10, $0x1;
	s10 =	sld [smem:$0x3FB8];
	_ =	sdelay $0x3  }
0x34: {  	[smem:$0x3FB8] =	sst s10  }
0x35: {  	s10 =	sld [smem:$0x3FB7];
	_ =	sdelay $0x3  }
0x36: {  	p1 =	seq.s32 s10, $0x1;
	s10 =	sld [smem:$0x3FB8];
	_ =	sdelay $0x3  }
0x37: {  	[smem:$0x3FB8] =	sst s10  }
0x38: {  	s10 =	sld [smem:$0x3FB9]  }
0x39: {  	_ = 	snop;
	(pc) =	sbr.ind lr, $3  }
0x3a: {  	_ = 	snop  }
0x3b: {  	_ = 	snop  }
0x3c: {  	p2 =	seq.s32 s10, $0x1;
	s10 =	sld [smem:$0x3FB8]  }
0x3d: {  	_ =	shalt  }
0x3e: {  	_ =	shalt  }
0x3f: {  	_ =	shalt  }
0x40: {  	_ =	shalt  }
0x41: {  	_ =	shalt  }
0x42: {  	_ =	shalt  }
0x43: {  	_ =	shalt  }
0x44: {  	_ =	shalt  }
0x45: {  	_ =	shalt  }
0x46: {  	_ =	shalt  }
0x47: {  	_ =	shalt  }
0x48: {  	_ =	shalt  }
0x49: {  	_ =	shalt  }
0x4a: {  	_ =	shalt  }
0x4b: {  	_ =	shalt  }
0x4c: {  	_ =	shalt  }
0x4d: {  	_ =	shalt  }
0x4e: {  	_ =	shalt  }
0x4f: {  	_ =	shalt  }
0x50: {  	_ =	shalt  }
0x51: {  	_ =	shalt  }
0x52: {  	_ =	shalt  }
0x53: {  	_ =	shalt  }
0x54: {  	_ =	shalt  }
0x55: {  	_ =	shalt  }
0x56: {  	_ =	shalt  }
0x57: {  	_ =	shalt  }
0x58: {  	_ =	shalt  }
0x59: {  	_ =	shalt  }
0x5a: {  	_ =	shalt  }
0x5b: {  	_ =	shalt  }
0x5c: {  	_ =	shalt  }
0x5d: {  	_ =	shalt  }
0x5e: {  	_ =	shalt  }
0x5f: {  	_ =	shalt  }
0x60: {  	_ =	shalt  }
0x61: {  	_ =	shalt  }
0x62: {  	_ =	shalt  }
0x63: {  	_ =	shalt  }
0x64: {  	_ =	shalt  }
0x65: {  	_ =	shalt  }
0x66: {  	_ =	shalt  }
0x67: {  	_ =	shalt  }
0x68: {  	_ =	shalt  }
0x69: {  	_ =	shalt  }
0x6a: {  	_ =	shalt  }
0x6b: {  	_ =	shalt  }
0x6c: {  	_ =	shalt  }
0x6d: {  	_ =	shalt  }
0x6e: {  	_ =	shalt  }
0x6f: {  	_ =	shalt  }
0x70: {  	_ =	shalt  }
0x71: {  	_ =	shalt  }
0x72: {  	_ =	shalt  }
0x73: {  	_ =	shalt  }
0x74: {  	_ =	shalt  }
0x75: {  	_ =	shalt  }
0x76: {  	_ =	shalt  }
0x77: {  	_ =	shalt  }
0x78: {  	_ =	shalt  }
0x79: {  	_ =	shalt  }
0x7a: {  	_ =	shalt  }
0x7b: {  	_ =	shalt  }
0x7c: {  	_ =	shalt  }
0x7d: {  	_ =	shalt  }
0x7e: {  	_ =	shalt  }
0x7f: {  	_ =	shalt  }
0x80: {  	_ =	shalt  }
0x81: {  	_ =	shalt  }
0x82: {  	_ =	shalt  }
0x83: {  	_ =	shalt  }
0x84: {  	_ =	shalt  }
0x85: {  	_ =	shalt  }
0x86: {  	_ =	shalt  }
0x87: {  	_ =	shalt  }
.Lfunc_end0:
.L_simem_size_0:
called_computation_lowered:
.L_overlay_start_0:
0x88: {  	s2 =	sld [smem:$0x3FD9]  }
0x89: {  	s3 =	sld [smem:$0x3FFE];
	_ =	sdelay $0x1  }
0x8a: {  	s1 =	srdreg.scid  }
0x8b: {  	s0 =	sand.u32 $0x1, s1  }
0x8c: {  	s17 =	sshll.u32 s0, $0xA;
	s2 =	sadd.s32 s3, s2  }
0x8d: {  	s2 =	sadd.s32 s2, s17  }
0x8e: {  	[smem:$0x3FC4] =	sst s2  }
0x8f: {  	_ = 	snop  }
0x90: {  	s2 =	sld [smem:$0x3FC9]  }
0x91: {  	s18 =	sld [smem:$0x3FD0];
	(tm) =	ssettm $0x1  }
0x92: {  	s4 =	sld [smem:$0x3FFB];
	_ =	sdelay $0x3  }
0x93: {  	_ =	strace s4  }
0x94: {  	s4 =	sld [smem:$0x3FFC];
	_ =	sdelay $0x3  }
0x95: {  	_ =	strace s4  }
0x96: {  	s4 =	sld [smem:$0x3FFD];
	_ =	sdelay $0x3  }
0x97: {  	_ =	strace s4  }
0x98: {  	_ =	strace $0x8FFFFFFF  }
0x99: {  	s19 =	sld [smem:$0x3FDB];
	_ =	sdelay $0x1  }
0x9a: {  	s5 =	simm.s32 $_scs_section_size  }
0x9b: {  	s6 =	simm.s32 $_size__tile_overlayer_lowered;
	s7 =	simm.s32 $_tile_overlayer_lowered  }
0x9c: {  	s22 =	simm.s32 $0x1BFF;
	s21 =	sshll.u32 s7, $0x1;
	s4 =	sadd.s32 s5, s19  }
0x9d: {  	s8 =	simm.s32 $0x0;
	s20 =	sshll.u32 s6, $0x1;
	s6 =	sadd.s32 s21, s4  }
0x9e: {  	[timem:s8], [sflag:s22] =	dma.local [hbm:s6], s20  }
0x9f: {  	_ =	swait.ge [sflag:s22], s20  }
0xa0: {  	s5 =	ssub.s32 $0x0, s20;
	[sflag:s22] =	ssyncset.done $0x0  }
0xa1: {  	[sflag:s22] =	ssyncadd.s32 s5;
	_ =	sdelay $0x1  }
0xa2: {  	s23 =	simm.s32 $0x1B8B  }
0xa3: {  	_ =	swait.ge [sflag:s23], $0x1  }
0xa4: {  	[sflag:s23] =	ssyncset.done $0x0  }
0xa5: {  	s25 =	simm.s32 $0x1B8E;
	s24 =	sld [smem:$0x3FFE];
	[sflag:s23] =	ssyncadd.s32 $0xFFFFFFFF  }
0xa6: {  	s26 =	simm.s32 $execute0_lowered;
	[smem:$0x3FD2] =	sst s25  }
0xa7: {  	s6 =	sshll.u32 s26, $0x1;
	_ =	strace $0x80000046;
	[dreg:$0x1] =	wrdreg $0xFFFFFFFF  }
0xa8: {  	s28 =	simm.s32 $_size_execute0_lowered;
	s4 =	sadd.s32 s4, s6;
	[dreg:$0x0] =	wrdreg $0x0  }
0xa9: {  	s6 =	sshll.u32 s28, $0x1;
	[dreg:$0x2] =	wrdreg s4  }
0xaa: {  	[dreg:$0x3] =	wrdreg s6  }
0xab: {  	[dreg:$0x4] =	wrdreg $0xC0  }
0xac: {  	_ =	task [dreg:s8], $0x5FFFF  }
0xad: {  	[dreg:$0x1] =	wrdreg $0xFFFFFFFF  }
0xae: {  	[dreg:$0x0] =	wrdreg $0x60  }
0xaf: {  	[dreg:$0x2] =	wrdreg s24  }
0xb0: {  	[dreg:$0x3] =	wrdreg s2  }
0xb1: {  	[dreg:$0x4] =	wrdreg s18  }
0xb2: {  	[dreg:$0x5] =	wrdreg $0x9  }
0xb3: {  	_ =	task.clear_ibuf [dreg:s8], $0x6FFFF;
	_ =	strace $0x90000046  }
0xb4: {  	s29 =	simm.s32 $0x9;
	_ =	strace $0x80000048  }
0xb5: {  	_ =	swait.ge [sflag:s29], $0x1  }
0xb6: {  	[sflag:s29] =	ssyncadd.s32 $0xFFFFFFFF  }
0xb7: {  	_ =	strace $0x90000048  }
0xb8: {  	_ =	sfence  }
0xb9: {  	s30 =	sld [smem:$0x0];
	_ =	sdelay $0x2  }
0xba: {  	s31 =	sshll.u32 s1, $0xD;
	s1 =	sshrl.u32 s1, $0x2  }
0xbb: {  	s3 =	sand.u32 $0x4000, s31;
	s1 =	sadd.s32 s1, s30  }
0xbc: {  	s0 =	sor.u32 s3, s0;
	s1 =	sshll.u32 s1, $0x11  }
0xbd: {  	s0 =	sor.u32 s1, s0  }
0xbe: {  	s0 =	sadd.s32 $0x8F2B, s0  }
0xbf: {  	[sflag:s0] =	ssyncadd.remote.s32 $0x1  }
0xc0: {  	_ =	sfence.sel $0xFFFF  }
0xc1: {  	[dreg:$0x0] =	wrdreg $0xFFFFFFFF;
	(pc) =	sbr.abs _section_cstart, $3  }
0xc2: {  	[dreg:$0x1] =	wrdreg $0xFFFFFFFF  }
0xc3: {  	_ =	task.clear_ibuf [dreg:s8], $0x2FFFF;
	_ =	strace $0x9FFFFFFF  }
0xc4: {  	(tm) =	ssettm $0x7FFFFFFF  }
0xc5: {  	_ =	shalt  }
tec
execute0_lowered:
.L_overlay_start_1:
0x0: {  	(tag) =	ssettag $0x1  }
0x1: {  	s3 =	rddreg [dreg:$0x0]  }
0x2: {  	s4 =	rddreg [dreg:$0x1]  }
0x3: {  	s5 =	rddreg [dreg:$0x2]  }
0x4: {  	s0 =	rddreg [dreg:$0x3];
	s2 =	simm.s32 $0x0  }
0x5: {  	s6 =	srdreg.scid;
	s1 =	stileid.u32;
	s10 =	simm.s32 $0x2  }
0x6: {  	s11 =	simm.s32 $0x1;
	s12 =	simm.s32 $0x16400;
	s13 =	simm.s32 $0x3  }
0x7: {  	s14 =	simm.s32 $0x0;
	[smem:$0x7FF] =	sst s2;
	s6 =	sand.u32 $0x1, s6  }
0x8: {  	s7 =	sshll.u32 s1, $0x1;
	s3 =	sadd.s32 $0x600, s3;
	s8 =	ssub.s32 $0x2, s6  }
0x9: {  	_ =	strace $0x80000047;
	s6 =	sor.u32 s6, s7;
	s31 =	sshrl.u32 s8, $0x1  }
0xa: {  	s9 =	sshll.u32 s6, $0x7;
	s6 =	sshll.u32 s6, $0x4;
	s7 =	ssub.s32 s8, s31  }
0xb: {  	s4 =	sadd.s32 s4, s9;
	s5 =	sadd.s32 s5, s6;
	s8 =	simm.s32 $0x8000  }
0xc: {  	s9 =	simm.s32 $0x10000;
	s6 =	smax.u32 s7, $0x1;
	s7 =	simm.s32 $0x400  }
.LBB2_1:
0xd: {  	[tilespmem:s2], [sflag:$0x1] =	stream.linear.gather [hbm4b:s3+s2], $0x10000, $0x38;
	[tilespmem:$0x16480] =	vst v63  }
0xe: {  	_ = 	snop  }
0xf: {  	[tilespmem:s9], [sflag:$0x2] =	stream.strided.gather [hbm4b:s4+s7], $0x6400, s8, s7, $0x38;
	[tilespmem:$0x16480] =	vst v63  }
0x10: {  	_ =	swait.ge [sflag:s10], $0x6400  }
0x11: {  	[sflag:s10] =	ssyncset.done $0x0  }
0x12: {  	[sflag:s10] =	ssyncadd.s32 $0xFFFF9C00  }
0x13: {  	_ =	swait.ge [sflag:s11], $0x10000  }
0x14: {  	[sflag:s11] =	ssyncset.done $0x0  }
0x15: {  	s15 =	simm.s32 $0x10200;
	[sflag:s11] =	ssyncadd.s32 $0xFFFF0000  }
0x16: {  	v0 =	vld [tilespmem:s15+$0xFFFFFE00]  }
0x17: {  	v1 =	vld [tilespmem:s15+$0xFFFFFE80]  }
0x18: {  	v3 =	vld [tilespmem:s15+$0xFFFFFF80];
	_ =	sdelay $0x1  }
0x19: {  	v2 =	vld [tilespmem:s15+$0xFFFFFF00]  }
0x1a: {  	vm0 =	vlt.s32 v0, $0x10000;
	v4 =	vadd.s32 $0xFFFF0000, v0  }
0x1b: {  	v6 =	vld [tilespmem:s15+$0x0];
	v4 =	vsel vm0, v0, v4  }
0x1c: {  	vm3 =	vlt.s32 v1, $0x10000;
	vm2 =	vlt.s32 v3, $0x10000;
	v0 =	vadd.s32 $0xFFFF0000, v1  }
0x1d: {  	v8 =	vld [tilespmem:s15+$0x80];
	v10 =	vadd.s32 $0xFFFF0000, v3;
	vm8 =	vmmov vm2;
	v1 =	vsel vm3, v1, v0  }
0x1e: {  	v7 =	vld [tilespmem:s15+$0x100];
	vm1 =	vlt.s32 v2, $0x10000;
	v0 =	vadd.s32 $0xFFFF0000, v2;
	v3 =	vsel vm8, v3, v10  }
0x1f: {  	v5 =	vld [tilespmem:s15+$0x180];
	v2 =	vsel vm1, v2, v0  }
0x20: {  	s16 =	simm.s32 $0x10600;
	vm7 =	vlt.s32 v6, $0x10000;
	v11 =	vadd.s32 $0xFFFF0000, v6;
	v4 =	vld.idx.msk [tilespmem:v4+s2+$0x0], $0xffff  }
0x21: {  	v6 =	vsel vm7, v6, v11;
	v11 =	vld [tilespmem:s16+$0xFFFFFE80]  }
0x22: {  	v9 =	vimm.f32 $0.0e+00;
	vm6 =	vlt.s32 v8, $0x10000;
	v12 =	vadd.s32 $0xFFFF0000, v8;
	v1 =	vld.idx.msk [tilespmem:v1+s2+$0x0], $0xffff  }
0x23: {  	vm4 =	vlt.s32 v7, $0x10000;
	v8 =	vsel vm6, v8, v12;
	v12 =	vadd.s32 $0xFFFF0000, v7;
	v3 =	vld.idx.msk [tilespmem:v3+s2+$0x0], $0xffff  }
0x24: {  	v13 =	vadd.s32 $0xFFFF0000, v5;
	vm9 =	vmmov vm1;
	v7 =	vsel vm4, v7, v12;
	v2 =	vld.idx.msk [tilespmem:v2+s2+$0x0], $0xffff  }
0x25: {  	vm1 =	vlt.s32 v5, $0x10000;
	v15 =	vshll.u32 v4, $0x10;
	v4 =	vand.u32 $0xFFFF0000, v4  }
0x26: {  	v14 =	vld [tilespmem:s16+$0xFFFFFE00];
	v5 =	vsel vm1, v5, v13;
	v13 =	vadd.s32 $0xFFFF0000, v11;
	v4 =	vsel vm0, v15, v4  }
0x27: {  	v6 =	vld.idx.msk [tilespmem:v6+s2+$0x0], $0xffff;
	v4 =	vadd.f32 v4, v9;
	v9 =	vshll.u32 v1, $0x10;
	v1 =	vand.u32 $0xFFFF0000, v1  }
0x28: {  	v10 =	vld [tilespmem:s16+$0xFFFFFF00];
	v12 =	vshll.u32 v3, $0x10;
	v3 =	vand.u32 $0xFFFF0000, v3;
	v1 =	vsel vm3, v9, v1  }
0x29: {  	v0 =	vld [tilespmem:s16+$0xFFFFFF80];
	v1 =	vadd.f32 v1, v4;
	v4 =	vshll.u32 v2, $0x10;
	v2 =	vand.u32 $0xFFFF0000, v2  }
0x2a: {  	v8 =	vld.idx.msk [tilespmem:v8+s2+$0x0], $0xffff;
	vm0 =	vlt.s32 v11, $0x10000;
	v3 =	vsel vm8, v12, v3;
	v2 =	vsel vm9, v4, v2  }
0x2b: {  	v7 =	vld.idx.msk [tilespmem:v7+s2+$0x0], $0xffff;
	vm3 =	vlt.s32 v14, $0x10000;
	v9 =	vadd.s32 $0xFFFF0000, v14;
	v2 =	vadd.f32 v2, v1  }
0x2c: {  	v12 =	vshll.u32 v6, $0x10;
	v6 =	vand.u32 $0xFFFF0000, v6;
	v4 =	vsel vm3, v14, v9;
	v9 =	vld.idx.msk [tilespmem:v5+s2+$0x0], $0xffff  }
0x2d: {  	v5 =	vsel vm0, v11, v13;
	v11 =	vsel vm7, v12, v6;
	v6 =	vld [tilespmem:s16+$0x0];
	v3 =	vadd.f32 v3, v2  }
0x2e: {  	vm2 =	vlt.s32 v10, $0x10000;
	vm5 =	vlt.s32 v0, $0x10000;
	v13 =	vadd.s32 $0xFFFF0000, v10;
	v1 =	vld [tilespmem:s16+$0x180]  }
0x2f: {  	v12 =	vshll.u32 v8, $0x10;
	v14 =	vand.u32 $0xFFFF0000, v8;
	v2 =	vld [tilespmem:s16+$0x100];
	v11 =	vadd.f32 v11, v3  }
0x30: {  	s15 =	simm.s32 $0x8;
	v8 =	vsel vm2, v10, v13;
	v10 =	vadd.s32 $0xFFFF0000, v0;
	v12 =	vsel vm6, v12, v14;
	v3 =	vld [tilespmem:s16+$0x80];
	s16 =	simm.s32 $0x10A00  }
.LBB2_2:
0x31: {  	v11 =	vadd.f32 v12, v11;
	v12 =	vshll.u32 v7, $0x10  }
0x32: {  	v13 =	vld [tilespmem:s16+$0xFFFFFF80];
	v7 =	vand.u32 $0xFFFF0000, v7;
	vm6 =	vmmov vm5;
	vm9 =	vmmov vm2  }
0x33: {  	v4 =	vld.idx.msk [tilespmem:v4+s2+$0x0], $0xffff;
	v10 =	vsel vm6, v0, v10;
	v0 =	vsel vm4, v12, v7  }
0x34: {  	v7 =	vshll.u32 v9, $0x10;
	v9 =	vand.u32 $0xFFFF0000, v9;
	v12 =	vld [tilespmem:s16+$0xFFFFFF00];
	v15 =	vadd.f32 v0, v11  }
0x35: {  	v7 =	vsel vm1, v7, v9;
	v5 =	vld.idx.msk [tilespmem:v5+s2+$0x0], $0xffff;
	vm8 =	vlt.s32 v6, $0x10000;
	v11 =	vadd.s32 $0xFFFF0000, v6  }
0x36: {  	vm1 =	vlt.s32 v1, $0x10000;
	v14 =	vld [tilespmem:s16+$0xFFFFFE80];
	v6 =	vsel vm8, v6, v11;
	v7 =	vadd.f32 v7, v15  }
0x37: {  	vm7 =	vlt.s32 v3, $0x10000;
	v9 =	vadd.s32 $0xFFFF0000, v3;
	v11 =	vadd.s32 $0xFFFF0000, v1;
	v8 =	vld.idx.msk [tilespmem:v8+s2+$0x0], $0xffff;
	v0 =	vmovc v13  }
0x38: {  	vm4 =	vlt.s32 v2, $0x10000;
	v3 =	vsel vm7, v3, v9;
	v9 =	vadd.s32 $0xFFFF0000, v2;
	v13 =	vld [tilespmem:s16+$0xFFFFFE00]  }
0x39: {  	vm5 =	vlt.s32 v0, $0x10000;
	v15 =	vshll.u32 v4, $0x10;
	v4 =	vand.u32 $0xFFFF0000, v4;
	v10 =	vld.idx.msk [tilespmem:v10+s2+$0x0], $0xffff  }
0x3a: {  	v2 =	vsel vm4, v2, v9;
	vm2 =	vlt.s32 v12, $0x10000;
	v4 =	vsel vm3, v15, v4  }
0x3b: {  	s15 =	sadd.s32 $0x8, s15;
	v4 =	vadd.f32 v4, v7;
	v7 =	vshll.u32 v5, $0x10;
	v5 =	vand.u32 $0xFFFF0000, v5;
	v6 =	vld.idx.msk [tilespmem:v6+s2+$0x0], $0xffff  }
0x3c: {  	p0 =	slt.u32 s15, $0xC0;
	v9 =	vsel vm1, v1, v11;
	v5 =	vsel vm0, v7, v5;
	vm0 =	vlt.s32 v14, $0x10000  }
0x3d: {  	v1 =	vadd.f32 v5, v4;
	v4 =	vshll.u32 v8, $0x10;
	v5 =	vand.u32 $0xFFFF0000, v8;
	v3 =	vld.idx.msk [tilespmem:v3+s2+$0x0], $0xffff  }
0x3e: {  	vm3 =	vlt.s32 v13, $0x10000;
	v8 =	vadd.s32 $0xFFFF0000, v13;
	v4 =	vsel vm9, v4, v5  }
0x3f: {  	v5 =	vadd.f32 v4, v1;
	v11 =	vshll.u32 v10, $0x10;
	v10 =	vand.u32 $0xFFFF0000, v10;
	v7 =	vld.idx.msk [tilespmem:v2+s2+$0x0], $0xffff  }
.Ltmp0:
0x40: {  	v4 =	vsel vm3, v13, v8;
	v2 =	vadd.s32 $0xFFFF0000, v14;
	v8 =	vsel vm6, v11, v10;
	v1 =	vld [tilespmem:s16+$0x180];
	(pc) =	sbr.rel @p0 .LBB2_2-.Ltmp0, $4  }
0x41: {  	v8 =	vadd.f32 v8, v5;
	v10 =	vshll.u32 v6, $0x10;
	v6 =	vand.u32 $0xFFFF0000, v6;
	v9 =	vld.idx.msk [tilespmem:v9+s2+$0x0], $0xffff  }
0x42: {  	v13 =	vadd.s32 $0xFFFF0000, v12;
	v5 =	vsel vm0, v14, v2;
	v10 =	vsel vm8, v10, v6;
	v2 =	vld [tilespmem:s16+$0x100]  }
0x43: {  	v11 =	vadd.f32 v10, v8;
	v14 =	vshll.u32 v3, $0x10;
	v15 =	vand.u32 $0xFFFF0000, v3;
	v6 =	vld [tilespmem:s16+$0x0]  }
0x44: {  	v8 =	vsel vm2, v12, v13;
	v10 =	vadd.s32 $0xFFFF0000, v0;
	v12 =	vsel vm7, v14, v15;
	v3 =	vld [tilespmem:s16+$0x80];
	s16 =	sadd.s32 $0x400, s16  }
0x45: {  	_ =	sdelay $0x1  }
0x46: {  	v11 =	vadd.f32 v12, v11;
	vm5 =	vmmov vm5  }
0x47: {  	v12 =	vshll.u32 v7, $0x10;
	v7 =	vand.u32 $0xFFFF0000, v7;
	v0 =	vsel vm5, v0, v10  }
0x48: {  	v4 =	vld.idx.msk [tilespmem:v4+s2+$0x0], $0xffff;
	v7 =	vsel vm4, v12, v7;
	v10 =	vshll.u32 v9, $0x10;
	v9 =	vand.u32 $0xFFFF0000, v9  }
0x49: {  	v7 =	vadd.f32 v7, v11;
	v9 =	vsel vm1, v10, v9  }
0x4a: {  	v5 =	vld.idx.msk [tilespmem:v5+s2+$0x0], $0xffff;
	vm1 =	vlt.s32 v1, $0x10000;
	vm4 =	vlt.s32 v6, $0x10000;
	v12 =	vadd.s32 $0xFFFF0000, v6  }
0x4b: {  	vm7 =	vlt.s32 v2, $0x10000;
	v6 =	vsel vm4, v6, v12;
	vm6 =	vlt.s32 v3, $0x10000  }
0x4c: {  	v8 =	vld.idx.msk [tilespmem:v8+s2+$0x0], $0xffff;
	v10 =	vadd.s32 $0xFFFF0000, v3;
	v7 =	vadd.f32 v9, v7;
	v9 =	vadd.s32 $0xFFFF0000, v2  }
0x4d: {  	v3 =	vsel vm6, v3, v10;
	v10 =	vshll.u32 v4, $0x10;
	v4 =	vand.u32 $0xFFFF0000, v4  }
0x4e: {  	v11 =	vadd.s32 $0xFFFF0000, v1;
	v2 =	vsel vm7, v2, v9;
	v0 =	vld.idx.msk [tilespmem:v0+s2+$0x0], $0xffff;
	v4 =	vsel vm3, v10, v4  }
0x4f: {  	v4 =	vadd.f32 v4, v7;
	v7 =	vshll.u32 v5, $0x10;
	v5 =	vand.u32 $0xFFFF0000, v5  }
0x50: {  	vm2 =	vmmov vm2;
	v1 =	vsel vm1, v1, v11;
	v5 =	vsel vm0, v7, v5;
	v6 =	vld.idx.msk [tilespmem:v6+s2+$0x0], $0xffff  }
0x51: {  	v7 =	vand.u32 $0xFFFF0000, v8;
	v4 =	vadd.f32 v5, v4;
	v5 =	vshll.u32 v8, $0x10  }
0x52: {  	v3 =	vld.idx.msk [tilespmem:v3+s2+$0x0], $0xffff;
	v5 =	vsel vm2, v5, v7  }
0x53: {  	v4 =	vadd.f32 v5, v4;
	v5 =	vshll.u32 v0, $0x10;
	v0 =	vand.u32 $0xFFFF0000, v0  }
0x54: {  	v2 =	vld.idx.msk [tilespmem:v2+s2+$0x0], $0xffff;
	v0 =	vsel vm5, v5, v0  }
0x55: {  	v0 =	vadd.f32 v0, v4;
	v4 =	vshll.u32 v6, $0x10;
	v5 =	vand.u32 $0xFFFF0000, v6  }
0x56: {  	v1 =	vld.idx.msk [tilespmem:v1+s2+$0x0], $0xffff;
	v4 =	vsel vm4, v4, v5  }
0x57: {  	v0 =	vadd.f32 v4, v0;
	v4 =	vshll.u32 v3, $0x10;
	v3 =	vand.u32 $0xFFFF0000, v3  }
0x58: {  	v3 =	vsel vm6, v4, v3  }
0x59: {  	v0 =	vadd.f32 v3, v0;
	v3 =	vshll.u32 v2, $0x10;
	v2 =	vand.u32 $0xFFFF0000, v2  }
0x5a: {  	v2 =	vsel vm7, v3, v2  }
0x5b: {  	v0 =	vadd.f32 v2, v0;
	v2 =	vshll.u32 v1, $0x10;
	v1 =	vand.u32 $0xFFFF0000, v1  }
0x5c: {  	v1 =	vsel vm1, v2, v1  }
0x5d: {  	v0 =	vadd.f32 v1, v0;
	_ =	sdelay $0x1  }
0x5e: {  	s15 =	simm.s32 $0x10210;
	[tilespmem:$0x16400] =	vst v0  }
0x5f: {  	v0 =	vld [tilespmem:s15+$0xFFFFFE00]  }
0x60: {  	v1 =	vld [tilespmem:s15+$0xFFFFFE80]  }
0x61: {  	v3 =	vld [tilespmem:s15+$0xFFFFFF80];
	_ =	sdelay $0x1  }
0x62: {  	v2 =	vld [tilespmem:s15+$0xFFFFFF00]  }
0x63: {  	vm0 =	vlt.s32 v0, $0x10000;
	v4 =	vadd.s32 $0xFFFF0000, v0  }
0x64: {  	v6 =	vld [tilespmem:s15+$0x0];
	v4 =	vsel vm0, v0, v4  }
0x65: {  	vm3 =	vlt.s32 v1, $0x10000;
	vm2 =	vlt.s32 v3, $0x10000;
	v0 =	vadd.s32 $0xFFFF0000, v1  }
0x66: {  	v8 =	vld [tilespmem:s15+$0x80];
	v10 =	vadd.s32 $0xFFFF0000, v3;
	vm8 =	vmmov vm2;
	v1 =	vsel vm3, v1, v0  }
0x67: {  	v7 =	vld [tilespmem:s15+$0x100];
	vm1 =	vlt.s32 v2, $0x10000;
	v0 =	vadd.s32 $0xFFFF0000, v2;
	v3 =	vsel vm8, v3, v10  }
0x68: {  	v5 =	vld [tilespmem:s15+$0x180];
	v2 =	vsel vm1, v2, v0  }
0x69: {  	s16 =	simm.s32 $0x10610;
	vm7 =	vlt.s32 v6, $0x10000;
	v11 =	vadd.s32 $0xFFFF0000, v6;
	v4 =	vld.idx.msk [tilespmem:v4+s2+$0x0], $0xffff  }
0x6a: {  	v6 =	vsel vm7, v6, v11;
	v11 =	vld [tilespmem:s16+$0xFFFFFE80]  }
0x6b: {  	v9 =	vimm.f32 $0.0e+00;
	vm6 =	vlt.s32 v8, $0x10000;
	v12 =	vadd.s32 $0xFFFF0000, v8;
	v1 =	vld.idx.msk [tilespmem:v1+s2+$0x0], $0xffff  }
0x6c: {  	vm4 =	vlt.s32 v7, $0x10000;
	v8 =	vsel vm6, v8, v12;
	v12 =	vadd.s32 $0xFFFF0000, v7;
	v3 =	vld.idx.msk [tilespmem:v3+s2+$0x0], $0xffff  }
0x6d: {  	v13 =	vadd.s32 $0xFFFF0000, v5;
	vm9 =	vmmov vm1;
	v7 =	vsel vm4, v7, v12;
	v2 =	vld.idx.msk [tilespmem:v2+s2+$0x0], $0xffff  }
0x6e: {  	vm1 =	vlt.s32 v5, $0x10000;
	v15 =	vshll.u32 v4, $0x10;
	v4 =	vand.u32 $0xFFFF0000, v4  }
0x6f: {  	v14 =	vld [tilespmem:s16+$0xFFFFFE00];
	v5 =	vsel vm1, v5, v13;
	v13 =	vadd.s32 $0xFFFF0000, v11;
	v4 =	vsel vm0, v15, v4  }
0x70: {  	v6 =	vld.idx.msk [tilespmem:v6+s2+$0x0], $0xffff;
	v4 =	vadd.f32 v4, v9;
	v9 =	vshll.u32 v1, $0x10;
	v1 =	vand.u32 $0xFFFF0000, v1  }
0x71: {  	v10 =	vld [tilespmem:s16+$0xFFFFFF00];
	v12 =	vshll.u32 v3, $0x10;
	v3 =	vand.u32 $0xFFFF0000, v3;
	v1 =	vsel vm3, v9, v1  }
0x72: {  	v0 =	vld [tilespmem:s16+$0xFFFFFF80];
	v1 =	vadd.f32 v1, v4;
	v4 =	vshll.u32 v2, $0x10;
	v2 =	vand.u32 $0xFFFF0000, v2  }
0x73: {  	v8 =	vld.idx.msk [tilespmem:v8+s2+$0x0], $0xffff;
	vm0 =	vlt.s32 v11, $0x10000;
	v3 =	vsel vm8, v12, v3;
	v2 =	vsel vm9, v4, v2  }
0x74: {  	v7 =	vld.idx.msk [tilespmem:v7+s2+$0x0], $0xffff;
	vm3 =	vlt.s32 v14, $0x10000;
	v9 =	vadd.s32 $0xFFFF0000, v14;
	v2 =	vadd.f32 v2, v1  }
0x75: {  	v12 =	vshll.u32 v6, $0x10;
	v6 =	vand.u32 $0xFFFF0000, v6;
	v4 =	vsel vm3, v14, v9;
	v9 =	vld.idx.msk [tilespmem:v5+s2+$0x0], $0xffff  }
0x76: {  	v5 =	vsel vm0, v11, v13;
	v11 =	vsel vm7, v12, v6;
	v6 =	vld [tilespmem:s16+$0x0];
	v3 =	vadd.f32 v3, v2  }
0x77: {  	vm2 =	vlt.s32 v10, $0x10000;
	vm5 =	vlt.s32 v0, $0x10000;
	v13 =	vadd.s32 $0xFFFF0000, v10;
	v1 =	vld [tilespmem:s16+$0x180]  }
0x78: {  	v12 =	vshll.u32 v8, $0x10;
	v14 =	vand.u32 $0xFFFF0000, v8;
	v2 =	vld [tilespmem:s16+$0x100];
	v11 =	vadd.f32 v11, v3  }
0x79: {  	s15 =	simm.s32 $0x8;
	v8 =	vsel vm2, v10, v13;
	v10 =	vadd.s32 $0xFFFF0000, v0;
	v12 =	vsel vm6, v12, v14;
	v3 =	vld [tilespmem:s16+$0x80];
	s16 =	simm.s32 $0x10A10  }
.LBB2_4:
0x7a: {  	v11 =	vadd.f32 v12, v11;
	v12 =	vshll.u32 v7, $0x10  }
0x7b: {  	v13 =	vld [tilespmem:s16+$0xFFFFFF80];
	v7 =	vand.u32 $0xFFFF0000, v7;
	vm6 =	vmmov vm5;
	vm9 =	vmmov vm2  }
0x7c: {  	v4 =	vld.idx.msk [tilespmem:v4+s2+$0x0], $0xffff;
	v10 =	vsel vm6, v0, v10;
	v0 =	vsel vm4, v12, v7  }
0x7d: {  	v7 =	vshll.u32 v9, $0x10;
	v9 =	vand.u32 $0xFFFF0000, v9;
	v12 =	vld [tilespmem:s16+$0xFFFFFF00];
	v15 =	vadd.f32 v0, v11  }
0x7e: {  	v7 =	vsel vm1, v7, v9;
	v5 =	vld.idx.msk [tilespmem:v5+s2+$0x0], $0xffff;
	vm8 =	vlt.s32 v6, $0x10000;
	v11 =	vadd.s32 $0xFFFF0000, v6  }
0x7f: {  	vm1 =	vlt.s32 v1, $0x10000;
	v14 =	vld [tilespmem:s16+$0xFFFFFE80];
	v6 =	vsel vm8, v6, v11;
	v7 =	vadd.f32 v7, v15  }
0x80: {  	vm7 =	vlt.s32 v3, $0x10000;
	v9 =	vadd.s32 $0xFFFF0000, v3;
	v11 =	vadd.s32 $0xFFFF0000, v1;
	v8 =	vld.idx.msk [tilespmem:v8+s2+$0x0], $0xffff;
	v0 =	vmovc v13  }
0x81: {  	vm4 =	vlt.s32 v2, $0x10000;
	v3 =	vsel vm7, v3, v9;
	v9 =	vadd.s32 $0xFFFF0000, v2;
	v13 =	vld [tilespmem:s16+$0xFFFFFE00]  }
0x82: {  	vm5 =	vlt.s32 v0, $0x10000;
	v15 =	vshll.u32 v4, $0x10;
	v4 =	vand.u32 $0xFFFF0000, v4;
	v10 =	vld.idx.msk [tilespmem:v10+s2+$0x0], $0xffff  }
0x83: {  	v2 =	vsel vm4, v2, v9;
	vm2 =	vlt.s32 v12, $0x10000;
	v4 =	vsel vm3, v15, v4  }
0x84: {  	s15 =	sadd.s32 $0x8, s15;
	v4 =	vadd.f32 v4, v7;
	v7 =	vshll.u32 v5, $0x10;
	v5 =	vand.u32 $0xFFFF0000, v5;
	v6 =	vld.idx.msk [tilespmem:v6+s2+$0x0], $0xffff  }
0x85: {  	p0 =	slt.u32 s15, $0xC0;
	v9 =	vsel vm1, v1, v11;
	v5 =	vsel vm0, v7, v5;
	vm0 =	vlt.s32 v14, $0x10000  }
0x86: {  	v1 =	vadd.f32 v5, v4;
	v4 =	vshll.u32 v8, $0x10;
	v5 =	vand.u32 $0xFFFF0000, v8;
	v3 =	vld.idx.msk [tilespmem:v3+s2+$0x0], $0xffff  }
0x87: {  	vm3 =	vlt.s32 v13, $0x10000;
	v8 =	vadd.s32 $0xFFFF0000, v13;
	v4 =	vsel vm9, v4, v5  }
0x88: {  	v5 =	vadd.f32 v4, v1;
	v11 =	vshll.u32 v10, $0x10;
	v10 =	vand.u32 $0xFFFF0000, v10;
	v7 =	vld.idx.msk [tilespmem:v2+s2+$0x0], $0xffff  }
.Ltmp1:
0x89: {  	v4 =	vsel vm3, v13, v8;
	v2 =	vadd.s32 $0xFFFF0000, v14;
	v8 =	vsel vm6, v11, v10;
	v1 =	vld [tilespmem:s16+$0x180];
	(pc) =	sbr.rel @p0 .LBB2_4-.Ltmp1, $4  }
0x8a: {  	v8 =	vadd.f32 v8, v5;
	v10 =	vshll.u32 v6, $0x10;
	v6 =	vand.u32 $0xFFFF0000, v6;
	v9 =	vld.idx.msk [tilespmem:v9+s2+$0x0], $0xffff  }
0x8b: {  	v13 =	vadd.s32 $0xFFFF0000, v12;
	v5 =	vsel vm0, v14, v2;
	v10 =	vsel vm8, v10, v6;
	v2 =	vld [tilespmem:s16+$0x100]  }
0x8c: {  	v11 =	vadd.f32 v10, v8;
	v14 =	vshll.u32 v3, $0x10;
	v15 =	vand.u32 $0xFFFF0000, v3;
	v6 =	vld [tilespmem:s16+$0x0]  }
0x8d: {  	v8 =	vsel vm2, v12, v13;
	v10 =	vadd.s32 $0xFFFF0000, v0;
	v12 =	vsel vm7, v14, v15;
	v3 =	vld [tilespmem:s16+$0x80];
	s16 =	sadd.s32 $0x400, s16  }
0x8e: {  	_ =	sdelay $0x1  }
0x8f: {  	v11 =	vadd.f32 v12, v11;
	vm5 =	vmmov vm5  }
0x90: {  	v12 =	vshll.u32 v7, $0x10;
	v7 =	vand.u32 $0xFFFF0000, v7;
	v0 =	vsel vm5, v0, v10  }
0x91: {  	v4 =	vld.idx.msk [tilespmem:v4+s2+$0x0], $0xffff;
	v7 =	vsel vm4, v12, v7;
	v10 =	vshll.u32 v9, $0x10;
	v9 =	vand.u32 $0xFFFF0000, v9  }
0x92: {  	v7 =	vadd.f32 v7, v11;
	v9 =	vsel vm1, v10, v9  }
0x93: {  	v5 =	vld.idx.msk [tilespmem:v5+s2+$0x0], $0xffff;
	vm1 =	vlt.s32 v1, $0x10000;
	vm4 =	vlt.s32 v6, $0x10000;
	v12 =	vadd.s32 $0xFFFF0000, v6  }
0x94: {  	vm7 =	vlt.s32 v2, $0x10000;
	v6 =	vsel vm4, v6, v12;
	vm6 =	vlt.s32 v3, $0x10000  }
0x95: {  	v8 =	vld.idx.msk [tilespmem:v8+s2+$0x0], $0xffff;
	v10 =	vadd.s32 $0xFFFF0000, v3;
	v7 =	vadd.f32 v9, v7;
	v9 =	vadd.s32 $0xFFFF0000, v2  }
0x96: {  	v3 =	vsel vm6, v3, v10;
	v10 =	vshll.u32 v4, $0x10;
	v4 =	vand.u32 $0xFFFF0000, v4  }
0x97: {  	v11 =	vadd.s32 $0xFFFF0000, v1;
	v2 =	vsel vm7, v2, v9;
	v0 =	vld.idx.msk [tilespmem:v0+s2+$0x0], $0xffff;
	v4 =	vsel vm3, v10, v4  }
0x98: {  	v4 =	vadd.f32 v4, v7;
	v7 =	vshll.u32 v5, $0x10;
	v5 =	vand.u32 $0xFFFF0000, v5  }
0x99: {  	vm2 =	vmmov vm2;
	v1 =	vsel vm1, v1, v11;
	v5 =	vsel vm0, v7, v5;
	v6 =	vld.idx.msk [tilespmem:v6+s2+$0x0], $0xffff  }
0x9a: {  	v7 =	vand.u32 $0xFFFF0000, v8;
	v4 =	vadd.f32 v5, v4;
	v5 =	vshll.u32 v8, $0x10  }
0x9b: {  	v3 =	vld.idx.msk [tilespmem:v3+s2+$0x0], $0xffff;
	v5 =	vsel vm2, v5, v7  }
0x9c: {  	v4 =	vadd.f32 v5, v4;
	v5 =	vshll.u32 v0, $0x10;
	v0 =	vand.u32 $0xFFFF0000, v0  }
0x9d: {  	v2 =	vld.idx.msk [tilespmem:v2+s2+$0x0], $0xffff;
	v0 =	vsel vm5, v5, v0  }
0x9e: {  	v0 =	vadd.f32 v0, v4;
	v4 =	vshll.u32 v6, $0x10;
	v5 =	vand.u32 $0xFFFF0000, v6  }
0x9f: {  	v1 =	vld.idx.msk [tilespmem:v1+s2+$0x0], $0xffff;
	v4 =	vsel vm4, v4, v5  }
0xa0: {  	v0 =	vadd.f32 v4, v0;
	v4 =	vshll.u32 v3, $0x10;
	v3 =	vand.u32 $0xFFFF0000, v3  }
0xa1: {  	v3 =	vsel vm6, v4, v3  }
0xa2: {  	v0 =	vadd.f32 v3, v0;
	v3 =	vshll.u32 v2, $0x10;
	v2 =	vand.u32 $0xFFFF0000, v2  }
0xa3: {  	v2 =	vsel vm7, v3, v2  }
0xa4: {  	v0 =	vadd.f32 v2, v0;
	v2 =	vshll.u32 v1, $0x10;
	v1 =	vand.u32 $0xFFFF0000, v1  }
0xa5: {  	v1 =	vsel vm1, v2, v1  }
0xa6: {  	v0 =	vadd.f32 v1, v0;
	_ =	sdelay $0x1  }
0xa7: {  	s15 =	simm.s32 $0x10220;
	[tilespmem:$0x16410] =	vst v0  }
0xa8: {  	v0 =	vld [tilespmem:s15+$0xFFFFFE00]  }
0xa9: {  	v1 =	vld [tilespmem:s15+$0xFFFFFE80]  }
0xaa: {  	v3 =	vld [tilespmem:s15+$0xFFFFFF80];
	_ =	sdelay $0x1  }
0xab: {  	v2 =	vld [tilespmem:s15+$0xFFFFFF00]  }
0xac: {  	vm0 =	vlt.s32 v0, $0x10000;
	v4 =	vadd.s32 $0xFFFF0000, v0  }
0xad: {  	v6 =	vld [tilespmem:s15+$0x0];
	v4 =	vsel vm0, v0, v4  }
0xae: {  	vm3 =	vlt.s32 v1, $0x10000;
	vm2 =	vlt.s32 v3, $0x10000;
	v0 =	vadd.s32 $0xFFFF0000, v1  }
0xaf: {  	v8 =	vld [tilespmem:s15+$0x80];
	v10 =	vadd.s32 $0xFFFF0000, v3;
	vm8 =	vmmov vm2;
	v1 =	vsel vm3, v1, v0  }
0xb0: {  	v7 =	vld [tilespmem:s15+$0x100];
	vm1 =	vlt.s32 v2, $0x10000;
	v0 =	vadd.s32 $0xFFFF0000, v2;
	v3 =	vsel vm8, v3, v10  }
0xb1: {  	v5 =	vld [tilespmem:s15+$0x180];
	v2 =	vsel vm1, v2, v0  }
0xb2: {  	s16 =	simm.s32 $0x10620;
	vm7 =	vlt.s32 v6, $0x10000;
	v11 =	vadd.s32 $0xFFFF0000, v6;
	v4 =	vld.idx.msk [tilespmem:v4+s2+$0x0], $0xffff  }
0xb3: {  	v6 =	vsel vm7, v6, v11;
	v11 =	vld [tilespmem:s16+$0xFFFFFE80]  }
0xb4: {  	v9 =	vimm.f32 $0.0e+00;
	vm6 =	vlt.s32 v8, $0x10000;
	v12 =	vadd.s32 $0xFFFF0000, v8;
	v1 =	vld.idx.msk [tilespmem:v1+s2+$0x0], $0xffff  }
0xb5: {  	vm4 =	vlt.s32 v7, $0x10000;
	v8 =	vsel vm6, v8, v12;
	v12 =	vadd.s32 $0xFFFF0000, v7;
	v3 =	vld.idx.msk [tilespmem:v3+s2+$0x0], $0xffff  }
0xb6: {  	v13 =	vadd.s32 $0xFFFF0000, v5;
	vm9 =	vmmov vm1;
	v7 =	vsel vm4, v7, v12;
	v2 =	vld.idx.msk [tilespmem:v2+s2+$0x0], $0xffff  }
0xb7: {  	vm1 =	vlt.s32 v5, $0x10000;
	v15 =	vshll.u32 v4, $0x10;
	v4 =	vand.u32 $0xFFFF0000, v4  }
0xb8: {  	v14 =	vld [tilespmem:s16+$0xFFFFFE00];
	v5 =	vsel vm1, v5, v13;
	v13 =	vadd.s32 $0xFFFF0000, v11;
	v4 =	vsel vm0, v15, v4  }
0xb9: {  	v6 =	vld.idx.msk [tilespmem:v6+s2+$0x0], $0xffff;
	v4 =	vadd.f32 v4, v9;
	v9 =	vshll.u32 v1, $0x10;
	v1 =	vand.u32 $0xFFFF0000, v1  }
0xba: {  	v10 =	vld [tilespmem:s16+$0xFFFFFF00];
	v12 =	vshll.u32 v3, $0x10;
	v3 =	vand.u32 $0xFFFF0000, v3;
	v1 =	vsel vm3, v9, v1  }
0xbb: {  	v0 =	vld [tilespmem:s16+$0xFFFFFF80];
	v1 =	vadd.f32 v1, v4;
	v4 =	vshll.u32 v2, $0x10;
	v2 =	vand.u32 $0xFFFF0000, v2  }
0xbc: {  	v8 =	vld.idx.msk [tilespmem:v8+s2+$0x0], $0xffff;
	vm0 =	vlt.s32 v11, $0x10000;
	v3 =	vsel vm8, v12, v3;
	v2 =	vsel vm9, v4, v2  }
0xbd: {  	v7 =	vld.idx.msk [tilespmem:v7+s2+$0x0], $0xffff;
	vm3 =	vlt.s32 v14, $0x10000;
	v9 =	vadd.s32 $0xFFFF0000, v14;
	v2 =	vadd.f32 v2, v1  }
0xbe: {  	v12 =	vshll.u32 v6, $0x10;
	v6 =	vand.u32 $0xFFFF0000, v6;
	v4 =	vsel vm3, v14, v9;
	v9 =	vld.idx.msk [tilespmem:v5+s2+$0x0], $0xffff  }
0xbf: {  	v5 =	vsel vm0, v11, v13;
	v11 =	vsel vm7, v12, v6;
	v6 =	vld [tilespmem:s16+$0x0];
	v3 =	vadd.f32 v3, v2  }
0xc0: {  	vm2 =	vlt.s32 v10, $0x10000;
	vm5 =	vlt.s32 v0, $0x10000;
	v13 =	vadd.s32 $0xFFFF0000, v10;
	v1 =	vld [tilespmem:s16+$0x180]  }
0xc1: {  	v12 =	vshll.u32 v8, $0x10;
	v14 =	vand.u32 $0xFFFF0000, v8;
	v2 =	vld [tilespmem:s16+$0x100];
	v11 =	vadd.f32 v11, v3  }
0xc2: {  	s15 =	simm.s32 $0x8;
	v8 =	vsel vm2, v10, v13;
	v10 =	vadd.s32 $0xFFFF0000, v0;
	v12 =	vsel vm6, v12, v14;
	v3 =	vld [tilespmem:s16+$0x80];
	s16 =	simm.s32 $0x10A20  }
.LBB2_6:
0xc3: {  	v11 =	vadd.f32 v12, v11;
	v12 =	vshll.u32 v7, $0x10  }
0xc4: {  	v13 =	vld [tilespmem:s16+$0xFFFFFF80];
	v7 =	vand.u32 $0xFFFF0000, v7;
	vm6 =	vmmov vm5;
	vm9 =	vmmov vm2  }
0xc5: {  	v4 =	vld.idx.msk [tilespmem:v4+s2+$0x0], $0xffff;
	v10 =	vsel vm6, v0, v10;
	v0 =	vsel vm4, v12, v7  }
0xc6: {  	v7 =	vshll.u32 v9, $0x10;
	v9 =	vand.u32 $0xFFFF0000, v9;
	v12 =	vld [tilespmem:s16+$0xFFFFFF00];
	v15 =	vadd.f32 v0, v11  }
0xc7: {  	v7 =	vsel vm1, v7, v9;
	v5 =	vld.idx.msk [tilespmem:v5+s2+$0x0], $0xffff;
	vm8 =	vlt.s32 v6, $0x10000;
	v11 =	vadd.s32 $0xFFFF0000, v6  }
0xc8: {  	vm1 =	vlt.s32 v1, $0x10000;
	v14 =	vld [tilespmem:s16+$0xFFFFFE80];
	v6 =	vsel vm8, v6, v11;
	v7 =	vadd.f32 v7, v15  }
0xc9: {  	vm7 =	vlt.s32 v3, $0x10000;
	v9 =	vadd.s32 $0xFFFF0000, v3;
	v11 =	vadd.s32 $0xFFFF0000, v1;
	v8 =	vld.idx.msk [tilespmem:v8+s2+$0x0], $0xffff;
	v0 =	vmovc v13  }
0xca: {  	vm4 =	vlt.s32 v2, $0x10000;
	v3 =	vsel vm7, v3, v9;
	v9 =	vadd.s32 $0xFFFF0000, v2;
	v13 =	vld [tilespmem:s16+$0xFFFFFE00]  }
0xcb: {  	vm5 =	vlt.s32 v0, $0x10000;
	v15 =	vshll.u32 v4, $0x10;
	v4 =	vand.u32 $0xFFFF0000, v4;
	v10 =	vld.idx.msk [tilespmem:v10+s2+$0x0], $0xffff  }
0xcc: {  	v2 =	vsel vm4, v2, v9;
	vm2 =	vlt.s32 v12, $0x10000;
	v4 =	vsel vm3, v15, v4  }
0xcd: {  	s15 =	sadd.s32 $0x8, s15;
	v4 =	vadd.f32 v4, v7;
	v7 =	vshll.u32 v5, $0x10;
	v5 =	vand.u32 $0xFFFF0000, v5;
	v6 =	vld.idx.msk [tilespmem:v6+s2+$0x0], $0xffff  }
0xce: {  	p0 =	slt.u32 s15, $0xC0;
	v9 =	vsel vm1, v1, v11;
	v5 =	vsel vm0, v7, v5;
	vm0 =	vlt.s32 v14, $0x10000  }
0xcf: {  	v1 =	vadd.f32 v5, v4;
	v4 =	vshll.u32 v8, $0x10;
	v5 =	vand.u32 $0xFFFF0000, v8;
	v3 =	vld.idx.msk [tilespmem:v3+s2+$0x0], $0xffff  }
0xd0: {  	vm3 =	vlt.s32 v13, $0x10000;
	v8 =	vadd.s32 $0xFFFF0000, v13;
	v4 =	vsel vm9, v4, v5  }
0xd1: {  	v5 =	vadd.f32 v4, v1;
	v11 =	vshll.u32 v10, $0x10;
	v10 =	vand.u32 $0xFFFF0000, v10;
	v7 =	vld.idx.msk [tilespmem:v2+s2+$0x0], $0xffff  }
.Ltmp2:
0xd2: {  	v4 =	vsel vm3, v13, v8;
	v2 =	vadd.s32 $0xFFFF0000, v14;
	v8 =	vsel vm6, v11, v10;
	v1 =	vld [tilespmem:s16+$0x180];
	(pc) =	sbr.rel @p0 .LBB2_6-.Ltmp2, $4  }
0xd3: {  	v8 =	vadd.f32 v8, v5;
	v10 =	vshll.u32 v6, $0x10;
	v6 =	vand.u32 $0xFFFF0000, v6;
	v9 =	vld.idx.msk [tilespmem:v9+s2+$0x0], $0xffff  }
0xd4: {  	v13 =	vadd.s32 $0xFFFF0000, v12;
	v5 =	vsel vm0, v14, v2;
	v10 =	vsel vm8, v10, v6;
	v2 =	vld [tilespmem:s16+$0x100]  }
0xd5: {  	v11 =	vadd.f32 v10, v8;
	v14 =	vshll.u32 v3, $0x10;
	v15 =	vand.u32 $0xFFFF0000, v3;
	v6 =	vld [tilespmem:s16+$0x0]  }
0xd6: {  	v8 =	vsel vm2, v12, v13;
	v10 =	vadd.s32 $0xFFFF0000, v0;
	v12 =	vsel vm7, v14, v15;
	v3 =	vld [tilespmem:s16+$0x80];
	s16 =	sadd.s32 $0x400, s16  }
0xd7: {  	_ =	sdelay $0x1  }
0xd8: {  	v11 =	vadd.f32 v12, v11;
	vm5 =	vmmov vm5  }
0xd9: {  	v12 =	vshll.u32 v7, $0x10;
	v7 =	vand.u32 $0xFFFF0000, v7;
	v0 =	vsel vm5, v0, v10  }
0xda: {  	v4 =	vld.idx.msk [tilespmem:v4+s2+$0x0], $0xffff;
	v7 =	vsel vm4, v12, v7;
	v10 =	vshll.u32 v9, $0x10;
	v9 =	vand.u32 $0xFFFF0000, v9  }
0xdb: {  	v7 =	vadd.f32 v7, v11;
	v9 =	vsel vm1, v10, v9  }
0xdc: {  	v5 =	vld.idx.msk [tilespmem:v5+s2+$0x0], $0xffff;
	vm1 =	vlt.s32 v1, $0x10000;
	vm4 =	vlt.s32 v6, $0x10000;
	v12 =	vadd.s32 $0xFFFF0000, v6  }
0xdd: {  	vm7 =	vlt.s32 v2, $0x10000;
	v6 =	vsel vm4, v6, v12;
	vm6 =	vlt.s32 v3, $0x10000  }
0xde: {  	v8 =	vld.idx.msk [tilespmem:v8+s2+$0x0], $0xffff;
	v10 =	vadd.s32 $0xFFFF0000, v3;
	v7 =	vadd.f32 v9, v7;
	v9 =	vadd.s32 $0xFFFF0000, v2  }
0xdf: {  	v3 =	vsel vm6, v3, v10;
	v10 =	vshll.u32 v4, $0x10;
	v4 =	vand.u32 $0xFFFF0000, v4  }
0xe0: {  	v11 =	vadd.s32 $0xFFFF0000, v1;
	v2 =	vsel vm7, v2, v9;
	v0 =	vld.idx.msk [tilespmem:v0+s2+$0x0], $0xffff;
	v4 =	vsel vm3, v10, v4  }
0xe1: {  	v4 =	vadd.f32 v4, v7;
	v7 =	vshll.u32 v5, $0x10;
	v5 =	vand.u32 $0xFFFF0000, v5  }
0xe2: {  	vm2 =	vmmov vm2;
	v1 =	vsel vm1, v1, v11;
	v5 =	vsel vm0, v7, v5;
	v6 =	vld.idx.msk [tilespmem:v6+s2+$0x0], $0xffff  }
0xe3: {  	v7 =	vand.u32 $0xFFFF0000, v8;
	v4 =	vadd.f32 v5, v4;
	v5 =	vshll.u32 v8, $0x10  }
0xe4: {  	v3 =	vld.idx.msk [tilespmem:v3+s2+$0x0], $0xffff;
	v5 =	vsel vm2, v5, v7  }
0xe5: {  	v4 =	vadd.f32 v5, v4;
	v5 =	vshll.u32 v0, $0x10;
	v0 =	vand.u32 $0xFFFF0000, v0  }
0xe6: {  	v2 =	vld.idx.msk [tilespmem:v2+s2+$0x0], $0xffff;
	v0 =	vsel vm5, v5, v0  }
0xe7: {  	v0 =	vadd.f32 v0, v4;
	v4 =	vshll.u32 v6, $0x10;
	v5 =	vand.u32 $0xFFFF0000, v6  }
0xe8: {  	v1 =	vld.idx.msk [tilespmem:v1+s2+$0x0], $0xffff;
	v4 =	vsel vm4, v4, v5  }
0xe9: {  	v0 =	vadd.f32 v4, v0;
	v4 =	vshll.u32 v3, $0x10;
	v3 =	vand.u32 $0xFFFF0000, v3  }
0xea: {  	v3 =	vsel vm6, v4, v3  }
0xeb: {  	v0 =	vadd.f32 v3, v0;
	v3 =	vshll.u32 v2, $0x10;
	v2 =	vand.u32 $0xFFFF0000, v2  }
0xec: {  	v2 =	vsel vm7, v3, v2  }
0xed: {  	v0 =	vadd.f32 v2, v0;
	v2 =	vshll.u32 v1, $0x10;
	v1 =	vand.u32 $0xFFFF0000, v1  }
0xee: {  	v1 =	vsel vm1, v2, v1  }
0xef: {  	v0 =	vadd.f32 v1, v0;
	_ =	sdelay $0x1  }
0xf0: {  	s15 =	simm.s32 $0x10230;
	[tilespmem:$0x16420] =	vst v0  }
0xf1: {  	v0 =	vld [tilespmem:s15+$0xFFFFFE00]  }
0xf2: {  	v1 =	vld [tilespmem:s15+$0xFFFFFE80]  }
0xf3: {  	v3 =	vld [tilespmem:s15+$0xFFFFFF80];
	_ =	sdelay $0x1  }
0xf4: {  	v2 =	vld [tilespmem:s15+$0xFFFFFF00]  }
0xf5: {  	vm0 =	vlt.s32 v0, $0x10000;
	v4 =	vadd.s32 $0xFFFF0000, v0  }
0xf6: {  	v6 =	vld [tilespmem:s15+$0x0];
	v4 =	vsel vm0, v0, v4  }
0xf7: {  	vm3 =	vlt.s32 v1, $0x10000;
	vm2 =	vlt.s32 v3, $0x10000;
	v0 =	vadd.s32 $0xFFFF0000, v1  }
0xf8: {  	v8 =	vld [tilespmem:s15+$0x80];
	v10 =	vadd.s32 $0xFFFF0000, v3;
	vm8 =	vmmov vm2;
	v1 =	vsel vm3, v1, v0  }
0xf9: {  	v7 =	vld [tilespmem:s15+$0x100];
	vm1 =	vlt.s32 v2, $0x10000;
	v0 =	vadd.s32 $0xFFFF0000, v2;
	v3 =	vsel vm8, v3, v10  }
0xfa: {  	v5 =	vld [tilespmem:s15+$0x180];
	v2 =	vsel vm1, v2, v0  }
0xfb: {  	s16 =	simm.s32 $0x10630;
	vm7 =	vlt.s32 v6, $0x10000;
	v11 =	vadd.s32 $0xFFFF0000, v6;
	v4 =	vld.idx.msk [tilespmem:v4+s2+$0x0], $0xffff  }
0xfc: {  	v6 =	vsel vm7, v6, v11;
	v11 =	vld [tilespmem:s16+$0xFFFFFE80]  }
0xfd: {  	v9 =	vimm.f32 $0.0e+00;
	vm6 =	vlt.s32 v8, $0x10000;
	v12 =	vadd.s32 $0xFFFF0000, v8;
	v1 =	vld.idx.msk [tilespmem:v1+s2+$0x0], $0xffff  }
0xfe: {  	vm4 =	vlt.s32 v7, $0x10000;
	v8 =	vsel vm6, v8, v12;
	v12 =	vadd.s32 $0xFFFF0000, v7;
	v3 =	vld.idx.msk [tilespmem:v3+s2+$0x0], $0xffff  }
0xff: {  	v13 =	vadd.s32 $0xFFFF0000, v5;
	vm9 =	vmmov vm1;
	v7 =	vsel vm4, v7, v12;
	v2 =	vld.idx.msk [tilespmem:v2+s2+$0x0], $0xffff  }
0x100: {  	vm1 =	vlt.s32 v5, $0x10000;
	v15 =	vshll.u32 v4, $0x10;
	v4 =	vand.u32 $0xFFFF0000, v4  }
0x101: {  	v14 =	vld [tilespmem:s16+$0xFFFFFE00];
	v5 =	vsel vm1, v5, v13;
	v13 =	vadd.s32 $0xFFFF0000, v11;
	v4 =	vsel vm0, v15, v4  }
0x102: {  	v6 =	vld.idx.msk [tilespmem:v6+s2+$0x0], $0xffff;
	v4 =	vadd.f32 v4, v9;
	v9 =	vshll.u32 v1, $0x10;
	v1 =	vand.u32 $0xFFFF0000, v1  }
0x103: {  	v10 =	vld [tilespmem:s16+$0xFFFFFF00];
	v12 =	vshll.u32 v3, $0x10;
	v3 =	vand.u32 $0xFFFF0000, v3;
	v1 =	vsel vm3, v9, v1  }
0x104: {  	v0 =	vld [tilespmem:s16+$0xFFFFFF80];
	v1 =	vadd.f32 v1, v4;
	v4 =	vshll.u32 v2, $0x10;
	v2 =	vand.u32 $0xFFFF0000, v2  }
0x105: {  	v8 =	vld.idx.msk [tilespmem:v8+s2+$0x0], $0xffff;
	vm0 =	vlt.s32 v11, $0x10000;
	v3 =	vsel vm8, v12, v3;
	v2 =	vsel vm9, v4, v2  }
0x106: {  	v7 =	vld.idx.msk [tilespmem:v7+s2+$0x0], $0xffff;
	vm3 =	vlt.s32 v14, $0x10000;
	v9 =	vadd.s32 $0xFFFF0000, v14;
	v2 =	vadd.f32 v2, v1  }
0x107: {  	v12 =	vshll.u32 v6, $0x10;
	v6 =	vand.u32 $0xFFFF0000, v6;
	v4 =	vsel vm3, v14, v9;
	v9 =	vld.idx.msk [tilespmem:v5+s2+$0x0], $0xffff  }
0x108: {  	v5 =	vsel vm0, v11, v13;
	v11 =	vsel vm7, v12, v6;
	v6 =	vld [tilespmem:s16+$0x0];
	v3 =	vadd.f32 v3, v2  }
0x109: {  	vm2 =	vlt.s32 v10, $0x10000;
	vm5 =	vlt.s32 v0, $0x10000;
	v13 =	vadd.s32 $0xFFFF0000, v10;
	v1 =	vld [tilespmem:s16+$0x180]  }
0x10a: {  	v12 =	vshll.u32 v8, $0x10;
	v14 =	vand.u32 $0xFFFF0000, v8;
	v2 =	vld [tilespmem:s16+$0x100];
	v11 =	vadd.f32 v11, v3  }
0x10b: {  	s15 =	simm.s32 $0x8;
	v8 =	vsel vm2, v10, v13;
	v10 =	vadd.s32 $0xFFFF0000, v0;
	v12 =	vsel vm6, v12, v14;
	v3 =	vld [tilespmem:s16+$0x80];
	s16 =	simm.s32 $0x10A30  }
.LBB2_8:
0x10c: {  	v11 =	vadd.f32 v12, v11;
	v12 =	vshll.u32 v7, $0x10  }
0x10d: {  	v13 =	vld [tilespmem:s16+$0xFFFFFF80];
	v7 =	vand.u32 $0xFFFF0000, v7;
	vm6 =	vmmov vm5;
	vm9 =	vmmov vm2  }
0x10e: {  	v4 =	vld.idx.msk [tilespmem:v4+s2+$0x0], $0xffff;
	v10 =	vsel vm6, v0, v10;
	v0 =	vsel vm4, v12, v7  }
0x10f: {  	v7 =	vshll.u32 v9, $0x10;
	v9 =	vand.u32 $0xFFFF0000, v9;
	v12 =	vld [tilespmem:s16+$0xFFFFFF00];
	v15 =	vadd.f32 v0, v11  }
0x110: {  	v7 =	vsel vm1, v7, v9;
	v5 =	vld.idx.msk [tilespmem:v5+s2+$0x0], $0xffff;
	vm8 =	vlt.s32 v6, $0x10000;
	v11 =	vadd.s32 $0xFFFF0000, v6  }
0x111: {  	vm1 =	vlt.s32 v1, $0x10000;
	v14 =	vld [tilespmem:s16+$0xFFFFFE80];
	v6 =	vsel vm8, v6, v11;
	v7 =	vadd.f32 v7, v15  }
0x112: {  	vm7 =	vlt.s32 v3, $0x10000;
	v9 =	vadd.s32 $0xFFFF0000, v3;
	v11 =	vadd.s32 $0xFFFF0000, v1;
	v8 =	vld.idx.msk [tilespmem:v8+s2+$0x0], $0xffff;
	v0 =	vmovc v13  }
0x113: {  	vm4 =	vlt.s32 v2, $0x10000;
	v3 =	vsel vm7, v3, v9;
	v9 =	vadd.s32 $0xFFFF0000, v2;
	v13 =	vld [tilespmem:s16+$0xFFFFFE00]  }
0x114: {  	vm5 =	vlt.s32 v0, $0x10000;
	v15 =	vshll.u32 v4, $0x10;
	v4 =	vand.u32 $0xFFFF0000, v4;
	v10 =	vld.idx.msk [tilespmem:v10+s2+$0x0], $0xffff  }
0x115: {  	v2 =	vsel vm4, v2, v9;
	vm2 =	vlt.s32 v12, $0x10000;
	v4 =	vsel vm3, v15, v4  }
0x116: {  	s15 =	sadd.s32 $0x8, s15;
	v4 =	vadd.f32 v4, v7;
	v7 =	vshll.u32 v5, $0x10;
	v5 =	vand.u32 $0xFFFF0000, v5;
	v6 =	vld.idx.msk [tilespmem:v6+s2+$0x0], $0xffff  }
0x117: {  	p0 =	slt.u32 s15, $0xC0;
	v9 =	vsel vm1, v1, v11;
	v5 =	vsel vm0, v7, v5;
	vm0 =	vlt.s32 v14, $0x10000  }
0x118: {  	v1 =	vadd.f32 v5, v4;
	v4 =	vshll.u32 v8, $0x10;
	v5 =	vand.u32 $0xFFFF0000, v8;
	v3 =	vld.idx.msk [tilespmem:v3+s2+$0x0], $0xffff  }
0x119: {  	vm3 =	vlt.s32 v13, $0x10000;
	v8 =	vadd.s32 $0xFFFF0000, v13;
	v4 =	vsel vm9, v4, v5  }
0x11a: {  	v5 =	vadd.f32 v4, v1;
	v11 =	vshll.u32 v10, $0x10;
	v10 =	vand.u32 $0xFFFF0000, v10;
	v7 =	vld.idx.msk [tilespmem:v2+s2+$0x0], $0xffff  }
.Ltmp3:
0x11b: {  	v4 =	vsel vm3, v13, v8;
	v2 =	vadd.s32 $0xFFFF0000, v14;
	v8 =	vsel vm6, v11, v10;
	v1 =	vld [tilespmem:s16+$0x180];
	(pc) =	sbr.rel @p0 .LBB2_8-.Ltmp3, $4  }
0x11c: {  	v8 =	vadd.f32 v8, v5;
	v10 =	vshll.u32 v6, $0x10;
	v6 =	vand.u32 $0xFFFF0000, v6;
	v9 =	vld.idx.msk [tilespmem:v9+s2+$0x0], $0xffff  }
0x11d: {  	v13 =	vadd.s32 $0xFFFF0000, v12;
	v5 =	vsel vm0, v14, v2;
	v10 =	vsel vm8, v10, v6;
	v2 =	vld [tilespmem:s16+$0x100]  }
0x11e: {  	v11 =	vadd.f32 v10, v8;
	v14 =	vshll.u32 v3, $0x10;
	v15 =	vand.u32 $0xFFFF0000, v3;
	v6 =	vld [tilespmem:s16+$0x0]  }
0x11f: {  	v8 =	vsel vm2, v12, v13;
	v10 =	vadd.s32 $0xFFFF0000, v0;
	v12 =	vsel vm7, v14, v15;
	v3 =	vld [tilespmem:s16+$0x80];
	s16 =	sadd.s32 $0x400, s16  }
0x120: {  	_ =	sdelay $0x1  }
0x121: {  	v11 =	vadd.f32 v12, v11;
	vm5 =	vmmov vm5  }
0x122: {  	v12 =	vshll.u32 v7, $0x10;
	v7 =	vand.u32 $0xFFFF0000, v7;
	v0 =	vsel vm5, v0, v10  }
0x123: {  	v4 =	vld.idx.msk [tilespmem:v4+s2+$0x0], $0xffff;
	v7 =	vsel vm4, v12, v7;
	v10 =	vshll.u32 v9, $0x10;
	v9 =	vand.u32 $0xFFFF0000, v9  }
0x124: {  	v7 =	vadd.f32 v7, v11;
	v9 =	vsel vm1, v10, v9  }
0x125: {  	v5 =	vld.idx.msk [tilespmem:v5+s2+$0x0], $0xffff;
	vm1 =	vlt.s32 v1, $0x10000;
	vm4 =	vlt.s32 v6, $0x10000;
	v12 =	vadd.s32 $0xFFFF0000, v6  }
0x126: {  	vm7 =	vlt.s32 v2, $0x10000;
	v6 =	vsel vm4, v6, v12;
	vm6 =	vlt.s32 v3, $0x10000  }
0x127: {  	v8 =	vld.idx.msk [tilespmem:v8+s2+$0x0], $0xffff;
	v10 =	vadd.s32 $0xFFFF0000, v3;
	v7 =	vadd.f32 v9, v7;
	v9 =	vadd.s32 $0xFFFF0000, v2  }
0x128: {  	v3 =	vsel vm6, v3, v10;
	v10 =	vshll.u32 v4, $0x10;
	v4 =	vand.u32 $0xFFFF0000, v4  }
0x129: {  	v11 =	vadd.s32 $0xFFFF0000, v1;
	v2 =	vsel vm7, v2, v9;
	v0 =	vld.idx.msk [tilespmem:v0+s2+$0x0], $0xffff;
	v4 =	vsel vm3, v10, v4  }
0x12a: {  	v4 =	vadd.f32 v4, v7;
	v7 =	vshll.u32 v5, $0x10;
	v5 =	vand.u32 $0xFFFF0000, v5  }
0x12b: {  	vm2 =	vmmov vm2;
	v1 =	vsel vm1, v1, v11;
	v5 =	vsel vm0, v7, v5;
	v6 =	vld.idx.msk [tilespmem:v6+s2+$0x0], $0xffff  }
0x12c: {  	v7 =	vand.u32 $0xFFFF0000, v8;
	v4 =	vadd.f32 v5, v4;
	v5 =	vshll.u32 v8, $0x10  }
0x12d: {  	v3 =	vld.idx.msk [tilespmem:v3+s2+$0x0], $0xffff;
	v5 =	vsel vm2, v5, v7  }
0x12e: {  	v4 =	vadd.f32 v5, v4;
	v5 =	vshll.u32 v0, $0x10;
	v0 =	vand.u32 $0xFFFF0000, v0  }
0x12f: {  	v2 =	vld.idx.msk [tilespmem:v2+s2+$0x0], $0xffff;
	v0 =	vsel vm5, v5, v0  }
0x130: {  	v0 =	vadd.f32 v0, v4;
	v4 =	vshll.u32 v6, $0x10;
	v5 =	vand.u32 $0xFFFF0000, v6  }
0x131: {  	v1 =	vld.idx.msk [tilespmem:v1+s2+$0x0], $0xffff;
	v4 =	vsel vm4, v4, v5  }
0x132: {  	v0 =	vadd.f32 v4, v0;
	v4 =	vshll.u32 v3, $0x10;
	v3 =	vand.u32 $0xFFFF0000, v3  }
0x133: {  	v3 =	vsel vm6, v4, v3  }
0x134: {  	v0 =	vadd.f32 v3, v0;
	v3 =	vshll.u32 v2, $0x10;
	v2 =	vand.u32 $0xFFFF0000, v2  }
0x135: {  	v2 =	vsel vm7, v3, v2  }
0x136: {  	v0 =	vadd.f32 v2, v0;
	v2 =	vshll.u32 v1, $0x10;
	v1 =	vand.u32 $0xFFFF0000, v1  }
0x137: {  	v1 =	vsel vm1, v2, v1  }
0x138: {  	v0 =	vadd.f32 v1, v0;
	_ =	sdelay $0x1  }
0x139: {  	s15 =	simm.s32 $0x10240;
	[tilespmem:$0x16430] =	vst v0  }
0x13a: {  	v0 =	vld [tilespmem:s15+$0xFFFFFE00]  }
0x13b: {  	v1 =	vld [tilespmem:s15+$0xFFFFFE80]  }
0x13c: {  	v3 =	vld [tilespmem:s15+$0xFFFFFF80];
	_ =	sdelay $0x1  }
0x13d: {  	v2 =	vld [tilespmem:s15+$0xFFFFFF00]  }
0x13e: {  	vm0 =	vlt.s32 v0, $0x10000;
	v4 =	vadd.s32 $0xFFFF0000, v0  }
0x13f: {  	v6 =	vld [tilespmem:s15+$0x0];
	v4 =	vsel vm0, v0, v4  }
0x140: {  	vm3 =	vlt.s32 v1, $0x10000;
	vm2 =	vlt.s32 v3, $0x10000;
	v0 =	vadd.s32 $0xFFFF0000, v1  }
0x141: {  	v8 =	vld [tilespmem:s15+$0x80];
	v10 =	vadd.s32 $0xFFFF0000, v3;
	vm8 =	vmmov vm2;
	v1 =	vsel vm3, v1, v0  }
0x142: {  	v7 =	vld [tilespmem:s15+$0x100];
	vm1 =	vlt.s32 v2, $0x10000;
	v0 =	vadd.s32 $0xFFFF0000, v2;
	v3 =	vsel vm8, v3, v10  }
0x143: {  	v5 =	vld [tilespmem:s15+$0x180];
	v2 =	vsel vm1, v2, v0  }
0x144: {  	s16 =	simm.s32 $0x10640;
	vm7 =	vlt.s32 v6, $0x10000;
	v11 =	vadd.s32 $0xFFFF0000, v6;
	v4 =	vld.idx.msk [tilespmem:v4+s2+$0x0], $0xffff  }
0x145: {  	v6 =	vsel vm7, v6, v11;
	v11 =	vld [tilespmem:s16+$0xFFFFFE80]  }
0x146: {  	v9 =	vimm.f32 $0.0e+00;
	vm6 =	vlt.s32 v8, $0x10000;
	v12 =	vadd.s32 $0xFFFF0000, v8;
	v1 =	vld.idx.msk [tilespmem:v1+s2+$0x0], $0xffff  }
0x147: {  	vm4 =	vlt.s32 v7, $0x10000;
	v8 =	vsel vm6, v8, v12;
	v12 =	vadd.s32 $0xFFFF0000, v7;
	v3 =	vld.idx.msk [tilespmem:v3+s2+$0x0], $0xffff  }
0x148: {  	v13 =	vadd.s32 $0xFFFF0000, v5;
	vm9 =	vmmov vm1;
	v7 =	vsel vm4, v7, v12;
	v2 =	vld.idx.msk [tilespmem:v2+s2+$0x0], $0xffff  }
0x149: {  	vm1 =	vlt.s32 v5, $0x10000;
	v15 =	vshll.u32 v4, $0x10;
	v4 =	vand.u32 $0xFFFF0000, v4  }
0x14a: {  	v14 =	vld [tilespmem:s16+$0xFFFFFE00];
	v5 =	vsel vm1, v5, v13;
	v13 =	vadd.s32 $0xFFFF0000, v11;
	v4 =	vsel vm0, v15, v4  }
0x14b: {  	v6 =	vld.idx.msk [tilespmem:v6+s2+$0x0], $0xffff;
	v4 =	vadd.f32 v4, v9;
	v9 =	vshll.u32 v1, $0x10;
	v1 =	vand.u32 $0xFFFF0000, v1  }
0x14c: {  	v10 =	vld [tilespmem:s16+$0xFFFFFF00];
	v12 =	vshll.u32 v3, $0x10;
	v3 =	vand.u32 $0xFFFF0000, v3;
	v1 =	vsel vm3, v9, v1  }
0x14d: {  	v0 =	vld [tilespmem:s16+$0xFFFFFF80];
	v1 =	vadd.f32 v1, v4;
	v4 =	vshll.u32 v2, $0x10;
	v2 =	vand.u32 $0xFFFF0000, v2  }
0x14e: {  	v8 =	vld.idx.msk [tilespmem:v8+s2+$0x0], $0xffff;
	vm0 =	vlt.s32 v11, $0x10000;
	v3 =	vsel vm8, v12, v3;
	v2 =	vsel vm9, v4, v2  }
0x14f: {  	v7 =	vld.idx.msk [tilespmem:v7+s2+$0x0], $0xffff;
	vm3 =	vlt.s32 v14, $0x10000;
	v9 =	vadd.s32 $0xFFFF0000, v14;
	v2 =	vadd.f32 v2, v1  }
0x150: {  	v12 =	vshll.u32 v6, $0x10;
	v6 =	vand.u32 $0xFFFF0000, v6;
	v4 =	vsel vm3, v14, v9;
	v9 =	vld.idx.msk [tilespmem:v5+s2+$0x0], $0xffff  }
0x151: {  	v5 =	vsel vm0, v11, v13;
	v11 =	vsel vm7, v12, v6;
	v6 =	vld [tilespmem:s16+$0x0];
	v3 =	vadd.f32 v3, v2  }
0x152: {  	vm2 =	vlt.s32 v10, $0x10000;
	vm5 =	vlt.s32 v0, $0x10000;
	v13 =	vadd.s32 $0xFFFF0000, v10;
	v1 =	vld [tilespmem:s16+$0x180]  }
0x153: {  	v12 =	vshll.u32 v8, $0x10;
	v14 =	vand.u32 $0xFFFF0000, v8;
	v2 =	vld [tilespmem:s16+$0x100];
	v11 =	vadd.f32 v11, v3  }
0x154: {  	s15 =	simm.s32 $0x8;
	v8 =	vsel vm2, v10, v13;
	v10 =	vadd.s32 $0xFFFF0000, v0;
	v12 =	vsel vm6, v12, v14;
	v3 =	vld [tilespmem:s16+$0x80];
	s16 =	simm.s32 $0x10A40  }
.LBB2_10:
0x155: {  	v11 =	vadd.f32 v12, v11;
	v12 =	vshll.u32 v7, $0x10  }
0x156: {  	v13 =	vld [tilespmem:s16+$0xFFFFFF80];
	v7 =	vand.u32 $0xFFFF0000, v7;
	vm6 =	vmmov vm5;
	vm9 =	vmmov vm2  }
0x157: {  	v4 =	vld.idx.msk [tilespmem:v4+s2+$0x0], $0xffff;
	v10 =	vsel vm6, v0, v10;
	v0 =	vsel vm4, v12, v7  }
0x158: {  	v7 =	vshll.u32 v9, $0x10;
	v9 =	vand.u32 $0xFFFF0000, v9;
	v12 =	vld [tilespmem:s16+$0xFFFFFF00];
	v15 =	vadd.f32 v0, v11  }
0x159: {  	v7 =	vsel vm1, v7, v9;
	v5 =	vld.idx.msk [tilespmem:v5+s2+$0x0], $0xffff;
	vm8 =	vlt.s32 v6, $0x10000;
	v11 =	vadd.s32 $0xFFFF0000, v6  }
0x15a: {  	vm1 =	vlt.s32 v1, $0x10000;
	v14 =	vld [tilespmem:s16+$0xFFFFFE80];
	v6 =	vsel vm8, v6, v11;
	v7 =	vadd.f32 v7, v15  }
0x15b: {  	vm7 =	vlt.s32 v3, $0x10000;
	v9 =	vadd.s32 $0xFFFF0000, v3;
	v11 =	vadd.s32 $0xFFFF0000, v1;
	v8 =	vld.idx.msk [tilespmem:v8+s2+$0x0], $0xffff;
	v0 =	vmovc v13  }
0x15c: {  	vm4 =	vlt.s32 v2, $0x10000;
	v3 =	vsel vm7, v3, v9;
	v9 =	vadd.s32 $0xFFFF0000, v2;
	v13 =	vld [tilespmem:s16+$0xFFFFFE00]  }
0x15d: {  	vm5 =	vlt.s32 v0, $0x10000;
	v15 =	vshll.u32 v4, $0x10;
	v4 =	vand.u32 $0xFFFF0000, v4;
	v10 =	vld.idx.msk [tilespmem:v10+s2+$0x0], $0xffff  }
0x15e: {  	v2 =	vsel vm4, v2, v9;
	vm2 =	vlt.s32 v12, $0x10000;
	v4 =	vsel vm3, v15, v4  }
0x15f: {  	s15 =	sadd.s32 $0x8, s15;
	v4 =	vadd.f32 v4, v7;
	v7 =	vshll.u32 v5, $0x10;
	v5 =	vand.u32 $0xFFFF0000, v5;
	v6 =	vld.idx.msk [tilespmem:v6+s2+$0x0], $0xffff  }
0x160: {  	p0 =	slt.u32 s15, $0xC0;
	v9 =	vsel vm1, v1, v11;
	v5 =	vsel vm0, v7, v5;
	vm0 =	vlt.s32 v14, $0x10000  }
0x161: {  	v1 =	vadd.f32 v5, v4;
	v4 =	vshll.u32 v8, $0x10;
	v5 =	vand.u32 $0xFFFF0000, v8;
	v3 =	vld.idx.msk [tilespmem:v3+s2+$0x0], $0xffff  }
0x162: {  	vm3 =	vlt.s32 v13, $0x10000;
	v8 =	vadd.s32 $0xFFFF0000, v13;
	v4 =	vsel vm9, v4, v5  }
0x163: {  	v5 =	vadd.f32 v4, v1;
	v11 =	vshll.u32 v10, $0x10;
	v10 =	vand.u32 $0xFFFF0000, v10;
	v7 =	vld.idx.msk [tilespmem:v2+s2+$0x0], $0xffff  }
.Ltmp4:
0x164: {  	v4 =	vsel vm3, v13, v8;
	v2 =	vadd.s32 $0xFFFF0000, v14;
	v8 =	vsel vm6, v11, v10;
	v1 =	vld [tilespmem:s16+$0x180];
	(pc) =	sbr.rel @p0 .LBB2_10-.Ltmp4, $4  }
0x165: {  	v8 =	vadd.f32 v8, v5;
	v10 =	vshll.u32 v6, $0x10;
	v6 =	vand.u32 $0xFFFF0000, v6;
	v9 =	vld.idx.msk [tilespmem:v9+s2+$0x0], $0xffff  }
0x166: {  	v13 =	vadd.s32 $0xFFFF0000, v12;
	v5 =	vsel vm0, v14, v2;
	v10 =	vsel vm8, v10, v6;
	v2 =	vld [tilespmem:s16+$0x100]  }
0x167: {  	v11 =	vadd.f32 v10, v8;
	v14 =	vshll.u32 v3, $0x10;
	v15 =	vand.u32 $0xFFFF0000, v3;
	v6 =	vld [tilespmem:s16+$0x0]  }
0x168: {  	v8 =	vsel vm2, v12, v13;
	v10 =	vadd.s32 $0xFFFF0000, v0;
	v12 =	vsel vm7, v14, v15;
	v3 =	vld [tilespmem:s16+$0x80];
	s16 =	sadd.s32 $0x400, s16  }
0x169: {  	_ =	sdelay $0x1  }
0x16a: {  	v11 =	vadd.f32 v12, v11;
	vm5 =	vmmov vm5  }
0x16b: {  	v12 =	vshll.u32 v7, $0x10;
	v7 =	vand.u32 $0xFFFF0000, v7;
	v0 =	vsel vm5, v0, v10  }
0x16c: {  	v4 =	vld.idx.msk [tilespmem:v4+s2+$0x0], $0xffff;
	v7 =	vsel vm4, v12, v7;
	v10 =	vshll.u32 v9, $0x10;
	v9 =	vand.u32 $0xFFFF0000, v9  }
0x16d: {  	v7 =	vadd.f32 v7, v11;
	v9 =	vsel vm1, v10, v9  }
0x16e: {  	v5 =	vld.idx.msk [tilespmem:v5+s2+$0x0], $0xffff;
	vm1 =	vlt.s32 v1, $0x10000;
	vm4 =	vlt.s32 v6, $0x10000;
	v12 =	vadd.s32 $0xFFFF0000, v6  }
0x16f: {  	vm7 =	vlt.s32 v2, $0x10000;
	v6 =	vsel vm4, v6, v12;
	vm6 =	vlt.s32 v3, $0x10000  }
0x170: {  	v8 =	vld.idx.msk [tilespmem:v8+s2+$0x0], $0xffff;
	v10 =	vadd.s32 $0xFFFF0000, v3;
	v7 =	vadd.f32 v9, v7;
	v9 =	vadd.s32 $0xFFFF0000, v2  }
0x171: {  	v3 =	vsel vm6, v3, v10;
	v10 =	vshll.u32 v4, $0x10;
	v4 =	vand.u32 $0xFFFF0000, v4  }
0x172: {  	v11 =	vadd.s32 $0xFFFF0000, v1;
	v2 =	vsel vm7, v2, v9;
	v0 =	vld.idx.msk [tilespmem:v0+s2+$0x0], $0xffff;
	v4 =	vsel vm3, v10, v4  }
0x173: {  	v4 =	vadd.f32 v4, v7;
	v7 =	vshll.u32 v5, $0x10;
	v5 =	vand.u32 $0xFFFF0000, v5  }
0x174: {  	vm2 =	vmmov vm2;
	v1 =	vsel vm1, v1, v11;
	v5 =	vsel vm0, v7, v5;
	v6 =	vld.idx.msk [tilespmem:v6+s2+$0x0], $0xffff  }
0x175: {  	v7 =	vand.u32 $0xFFFF0000, v8;
	v4 =	vadd.f32 v5, v4;
	v5 =	vshll.u32 v8, $0x10  }
0x176: {  	v3 =	vld.idx.msk [tilespmem:v3+s2+$0x0], $0xffff;
	v5 =	vsel vm2, v5, v7  }
0x177: {  	v4 =	vadd.f32 v5, v4;
	v5 =	vshll.u32 v0, $0x10;
	v0 =	vand.u32 $0xFFFF0000, v0  }
0x178: {  	v2 =	vld.idx.msk [tilespmem:v2+s2+$0x0], $0xffff;
	v0 =	vsel vm5, v5, v0  }
0x179: {  	v0 =	vadd.f32 v0, v4;
	v4 =	vshll.u32 v6, $0x10;
	v5 =	vand.u32 $0xFFFF0000, v6  }
0x17a: {  	v1 =	vld.idx.msk [tilespmem:v1+s2+$0x0], $0xffff;
	v4 =	vsel vm4, v4, v5  }
0x17b: {  	v0 =	vadd.f32 v4, v0;
	v4 =	vshll.u32 v3, $0x10;
	v3 =	vand.u32 $0xFFFF0000, v3  }
0x17c: {  	v3 =	vsel vm6, v4, v3  }
0x17d: {  	v0 =	vadd.f32 v3, v0;
	v3 =	vshll.u32 v2, $0x10;
	v2 =	vand.u32 $0xFFFF0000, v2  }
0x17e: {  	v2 =	vsel vm7, v3, v2  }
0x17f: {  	v0 =	vadd.f32 v2, v0;
	v2 =	vshll.u32 v1, $0x10;
	v1 =	vand.u32 $0xFFFF0000, v1  }
0x180: {  	v1 =	vsel vm1, v2, v1  }
0x181: {  	v0 =	vadd.f32 v1, v0;
	_ =	sdelay $0x1  }
0x182: {  	s15 =	simm.s32 $0x10250;
	[tilespmem:$0x16440] =	vst v0  }
0x183: {  	v0 =	vld [tilespmem:s15+$0xFFFFFE00]  }
0x184: {  	v1 =	vld [tilespmem:s15+$0xFFFFFE80]  }
0x185: {  	v3 =	vld [tilespmem:s15+$0xFFFFFF80];
	_ =	sdelay $0x1  }
0x186: {  	v2 =	vld [tilespmem:s15+$0xFFFFFF00]  }
0x187: {  	vm0 =	vlt.s32 v0, $0x10000;
	v4 =	vadd.s32 $0xFFFF0000, v0  }
0x188: {  	v6 =	vld [tilespmem:s15+$0x0];
	v4 =	vsel vm0, v0, v4  }
0x189: {  	vm3 =	vlt.s32 v1, $0x10000;
	vm2 =	vlt.s32 v3, $0x10000;
	v0 =	vadd.s32 $0xFFFF0000, v1  }
0x18a: {  	v8 =	vld [tilespmem:s15+$0x80];
	v10 =	vadd.s32 $0xFFFF0000, v3;
	vm8 =	vmmov vm2;
	v1 =	vsel vm3, v1, v0  }
0x18b: {  	v7 =	vld [tilespmem:s15+$0x100];
	vm1 =	vlt.s32 v2, $0x10000;
	v0 =	vadd.s32 $0xFFFF0000, v2;
	v3 =	vsel vm8, v3, v10  }
0x18c: {  	v5 =	vld [tilespmem:s15+$0x180];
	v2 =	vsel vm1, v2, v0  }
0x18d: {  	s16 =	simm.s32 $0x10650;
	vm7 =	vlt.s32 v6, $0x10000;
	v11 =	vadd.s32 $0xFFFF0000, v6;
	v4 =	vld.idx.msk [tilespmem:v4+s2+$0x0], $0xffff  }
0x18e: {  	v6 =	vsel vm7, v6, v11;
	v11 =	vld [tilespmem:s16+$0xFFFFFE80]  }
0x18f: {  	v9 =	vimm.f32 $0.0e+00;
	vm6 =	vlt.s32 v8, $0x10000;
	v12 =	vadd.s32 $0xFFFF0000, v8;
	v1 =	vld.idx.msk [tilespmem:v1+s2+$0x0], $0xffff  }
0x190: {  	vm4 =	vlt.s32 v7, $0x10000;
	v8 =	vsel vm6, v8, v12;
	v12 =	vadd.s32 $0xFFFF0000, v7;
	v3 =	vld.idx.msk [tilespmem:v3+s2+$0x0], $0xffff  }
0x191: {  	v13 =	vadd.s32 $0xFFFF0000, v5;
	vm9 =	vmmov vm1;
	v7 =	vsel vm4, v7, v12;
	v2 =	vld.idx.msk [tilespmem:v2+s2+$0x0], $0xffff  }
0x192: {  	vm1 =	vlt.s32 v5, $0x10000;
	v15 =	vshll.u32 v4, $0x10;
	v4 =	vand.u32 $0xFFFF0000, v4  }
0x193: {  	v14 =	vld [tilespmem:s16+$0xFFFFFE00];
	v5 =	vsel vm1, v5, v13;
	v13 =	vadd.s32 $0xFFFF0000, v11;
	v4 =	vsel vm0, v15, v4  }
0x194: {  	v6 =	vld.idx.msk [tilespmem:v6+s2+$0x0], $0xffff;
	v4 =	vadd.f32 v4, v9;
	v9 =	vshll.u32 v1, $0x10;
	v1 =	vand.u32 $0xFFFF0000, v1  }
0x195: {  	v10 =	vld [tilespmem:s16+$0xFFFFFF00];
	v12 =	vshll.u32 v3, $0x10;
	v3 =	vand.u32 $0xFFFF0000, v3;
	v1 =	vsel vm3, v9, v1  }
0x196: {  	v0 =	vld [tilespmem:s16+$0xFFFFFF80];
	v1 =	vadd.f32 v1, v4;
	v4 =	vshll.u32 v2, $0x10;
	v2 =	vand.u32 $0xFFFF0000, v2  }
0x197: {  	v8 =	vld.idx.msk [tilespmem:v8+s2+$0x0], $0xffff;
	vm0 =	vlt.s32 v11, $0x10000;
	v3 =	vsel vm8, v12, v3;
	v2 =	vsel vm9, v4, v2  }
0x198: {  	v7 =	vld.idx.msk [tilespmem:v7+s2+$0x0], $0xffff;
	vm3 =	vlt.s32 v14, $0x10000;
	v9 =	vadd.s32 $0xFFFF0000, v14;
	v2 =	vadd.f32 v2, v1  }
0x199: {  	v12 =	vshll.u32 v6, $0x10;
	v6 =	vand.u32 $0xFFFF0000, v6;
	v4 =	vsel vm3, v14, v9;
	v9 =	vld.idx.msk [tilespmem:v5+s2+$0x0], $0xffff  }
0x19a: {  	v5 =	vsel vm0, v11, v13;
	v11 =	vsel vm7, v12, v6;
	v6 =	vld [tilespmem:s16+$0x0];
	v3 =	vadd.f32 v3, v2  }
0x19b: {  	vm2 =	vlt.s32 v10, $0x10000;
	vm5 =	vlt.s32 v0, $0x10000;
	v13 =	vadd.s32 $0xFFFF0000, v10;
	v1 =	vld [tilespmem:s16+$0x180]  }
0x19c: {  	v12 =	vshll.u32 v8, $0x10;
	v14 =	vand.u32 $0xFFFF0000, v8;
	v2 =	vld [tilespmem:s16+$0x100];
	v11 =	vadd.f32 v11, v3  }
0x19d: {  	s15 =	simm.s32 $0x8;
	v8 =	vsel vm2, v10, v13;
	v10 =	vadd.s32 $0xFFFF0000, v0;
	v12 =	vsel vm6, v12, v14;
	v3 =	vld [tilespmem:s16+$0x80];
	s16 =	simm.s32 $0x10A50  }
.LBB2_12:
0x19e: {  	v11 =	vadd.f32 v12, v11;
	v12 =	vshll.u32 v7, $0x10  }
0x19f: {  	v13 =	vld [tilespmem:s16+$0xFFFFFF80];
	v7 =	vand.u32 $0xFFFF0000, v7;
	vm6 =	vmmov vm5;
	vm9 =	vmmov vm2  }
0x1a0: {  	v4 =	vld.idx.msk [tilespmem:v4+s2+$0x0], $0xffff;
	v10 =	vsel vm6, v0, v10;
	v0 =	vsel vm4, v12, v7  }
0x1a1: {  	v7 =	vshll.u32 v9, $0x10;
	v9 =	vand.u32 $0xFFFF0000, v9;
	v12 =	vld [tilespmem:s16+$0xFFFFFF00];
	v15 =	vadd.f32 v0, v11  }
0x1a2: {  	v7 =	vsel vm1, v7, v9;
	v5 =	vld.idx.msk [tilespmem:v5+s2+$0x0], $0xffff;
	vm8 =	vlt.s32 v6, $0x10000;
	v11 =	vadd.s32 $0xFFFF0000, v6  }
0x1a3: {  	vm1 =	vlt.s32 v1, $0x10000;
	v14 =	vld [tilespmem:s16+$0xFFFFFE80];
	v6 =	vsel vm8, v6, v11;
	v7 =	vadd.f32 v7, v15  }
0x1a4: {  	vm7 =	vlt.s32 v3, $0x10000;
	v9 =	vadd.s32 $0xFFFF0000, v3;
	v11 =	vadd.s32 $0xFFFF0000, v1;
	v8 =	vld.idx.msk [tilespmem:v8+s2+$0x0], $0xffff;
	v0 =	vmovc v13  }
0x1a5: {  	vm4 =	vlt.s32 v2, $0x10000;
	v3 =	vsel vm7, v3, v9;
	v9 =	vadd.s32 $0xFFFF0000, v2;
	v13 =	vld [tilespmem:s16+$0xFFFFFE00]  }
0x1a6: {  	vm5 =	vlt.s32 v0, $0x10000;
	v15 =	vshll.u32 v4, $0x10;
	v4 =	vand.u32 $0xFFFF0000, v4;
	v10 =	vld.idx.msk [tilespmem:v10+s2+$0x0], $0xffff  }
0x1a7: {  	v2 =	vsel vm4, v2, v9;
	vm2 =	vlt.s32 v12, $0x10000;
	v4 =	vsel vm3, v15, v4  }
0x1a8: {  	s15 =	sadd.s32 $0x8, s15;
	v4 =	vadd.f32 v4, v7;
	v7 =	vshll.u32 v5, $0x10;
	v5 =	vand.u32 $0xFFFF0000, v5;
	v6 =	vld.idx.msk [tilespmem:v6+s2+$0x0], $0xffff  }
0x1a9: {  	p0 =	slt.u32 s15, $0xC0;
	v9 =	vsel vm1, v1, v11;
	v5 =	vsel vm0, v7, v5;
	vm0 =	vlt.s32 v14, $0x10000  }
0x1aa: {  	v1 =	vadd.f32 v5, v4;
	v4 =	vshll.u32 v8, $0x10;
	v5 =	vand.u32 $0xFFFF0000, v8;
	v3 =	vld.idx.msk [tilespmem:v3+s2+$0x0], $0xffff  }
0x1ab: {  	vm3 =	vlt.s32 v13, $0x10000;
	v8 =	vadd.s32 $0xFFFF0000, v13;
	v4 =	vsel vm9, v4, v5  }
0x1ac: {  	v5 =	vadd.f32 v4, v1;
	v11 =	vshll.u32 v10, $0x10;
	v10 =	vand.u32 $0xFFFF0000, v10;
	v7 =	vld.idx.msk [tilespmem:v2+s2+$0x0], $0xffff  }
.Ltmp5:
0x1ad: {  	v4 =	vsel vm3, v13, v8;
	v2 =	vadd.s32 $0xFFFF0000, v14;
	v8 =	vsel vm6, v11, v10;
	v1 =	vld [tilespmem:s16+$0x180];
	(pc) =	sbr.rel @p0 .LBB2_12-.Ltmp5, $4  }
0x1ae: {  	v8 =	vadd.f32 v8, v5;
	v10 =	vshll.u32 v6, $0x10;
	v6 =	vand.u32 $0xFFFF0000, v6;
	v9 =	vld.idx.msk [tilespmem:v9+s2+$0x0], $0xffff  }
0x1af: {  	v13 =	vadd.s32 $0xFFFF0000, v12;
	v5 =	vsel vm0, v14, v2;
	v10 =	vsel vm8, v10, v6;
	v2 =	vld [tilespmem:s16+$0x100]  }
0x1b0: {  	v11 =	vadd.f32 v10, v8;
	v14 =	vshll.u32 v3, $0x10;
	v15 =	vand.u32 $0xFFFF0000, v3;
	v6 =	vld [tilespmem:s16+$0x0]  }
0x1b1: {  	v8 =	vsel vm2, v12, v13;
	v10 =	vadd.s32 $0xFFFF0000, v0;
	v12 =	vsel vm7, v14, v15;
	v3 =	vld [tilespmem:s16+$0x80];
	s16 =	sadd.s32 $0x400, s16  }
0x1b2: {  	_ =	sdelay $0x1  }
0x1b3: {  	v11 =	vadd.f32 v12, v11;
	vm5 =	vmmov vm5  }
0x1b4: {  	v12 =	vshll.u32 v7, $0x10;
	v7 =	vand.u32 $0xFFFF0000, v7;
	v0 =	vsel vm5, v0, v10  }
0x1b5: {  	v4 =	vld.idx.msk [tilespmem:v4+s2+$0x0], $0xffff;
	v7 =	vsel vm4, v12, v7;
	v10 =	vshll.u32 v9, $0x10;
	v9 =	vand.u32 $0xFFFF0000, v9  }
0x1b6: {  	v7 =	vadd.f32 v7, v11;
	v9 =	vsel vm1, v10, v9  }
0x1b7: {  	v5 =	vld.idx.msk [tilespmem:v5+s2+$0x0], $0xffff;
	vm1 =	vlt.s32 v1, $0x10000;
	vm4 =	vlt.s32 v6, $0x10000;
	v12 =	vadd.s32 $0xFFFF0000, v6  }
0x1b8: {  	vm7 =	vlt.s32 v2, $0x10000;
	v6 =	vsel vm4, v6, v12;
	vm6 =	vlt.s32 v3, $0x10000  }
0x1b9: {  	v8 =	vld.idx.msk [tilespmem:v8+s2+$0x0], $0xffff;
	v10 =	vadd.s32 $0xFFFF0000, v3;
	v7 =	vadd.f32 v9, v7;
	v9 =	vadd.s32 $0xFFFF0000, v2  }
0x1ba: {  	v3 =	vsel vm6, v3, v10;
	v10 =	vshll.u32 v4, $0x10;
	v4 =	vand.u32 $0xFFFF0000, v4  }
0x1bb: {  	v11 =	vadd.s32 $0xFFFF0000, v1;
	v2 =	vsel vm7, v2, v9;
	v0 =	vld.idx.msk [tilespmem:v0+s2+$0x0], $0xffff;
	v4 =	vsel vm3, v10, v4  }
0x1bc: {  	v4 =	vadd.f32 v4, v7;
	v7 =	vshll.u32 v5, $0x10;
	v5 =	vand.u32 $0xFFFF0000, v5  }
0x1bd: {  	vm2 =	vmmov vm2;
	v1 =	vsel vm1, v1, v11;
	v5 =	vsel vm0, v7, v5;
	v6 =	vld.idx.msk [tilespmem:v6+s2+$0x0], $0xffff  }
0x1be: {  	v7 =	vand.u32 $0xFFFF0000, v8;
	v4 =	vadd.f32 v5, v4;
	v5 =	vshll.u32 v8, $0x10  }
0x1bf: {  	v3 =	vld.idx.msk [tilespmem:v3+s2+$0x0], $0xffff;
	v5 =	vsel vm2, v5, v7  }
0x1c0: {  	v4 =	vadd.f32 v5, v4;
	v5 =	vshll.u32 v0, $0x10;
	v0 =	vand.u32 $0xFFFF0000, v0  }
0x1c1: {  	v2 =	vld.idx.msk [tilespmem:v2+s2+$0x0], $0xffff;
	v0 =	vsel vm5, v5, v0  }
0x1c2: {  	v0 =	vadd.f32 v0, v4;
	v4 =	vshll.u32 v6, $0x10;
	v5 =	vand.u32 $0xFFFF0000, v6  }
0x1c3: {  	v1 =	vld.idx.msk [tilespmem:v1+s2+$0x0], $0xffff;
	v4 =	vsel vm4, v4, v5  }
0x1c4: {  	v0 =	vadd.f32 v4, v0;
	v4 =	vshll.u32 v3, $0x10;
	v3 =	vand.u32 $0xFFFF0000, v3  }
0x1c5: {  	v3 =	vsel vm6, v4, v3  }
0x1c6: {  	v0 =	vadd.f32 v3, v0;
	v3 =	vshll.u32 v2, $0x10;
	v2 =	vand.u32 $0xFFFF0000, v2  }
0x1c7: {  	v2 =	vsel vm7, v3, v2  }
0x1c8: {  	v0 =	vadd.f32 v2, v0;
	v2 =	vshll.u32 v1, $0x10;
	v1 =	vand.u32 $0xFFFF0000, v1  }
0x1c9: {  	v1 =	vsel vm1, v2, v1  }
0x1ca: {  	v0 =	vadd.f32 v1, v0;
	_ =	sdelay $0x1  }
0x1cb: {  	s15 =	simm.s32 $0x10260;
	[tilespmem:$0x16450] =	vst v0  }
0x1cc: {  	v0 =	vld [tilespmem:s15+$0xFFFFFE00]  }
0x1cd: {  	v1 =	vld [tilespmem:s15+$0xFFFFFE80]  }
0x1ce: {  	v3 =	vld [tilespmem:s15+$0xFFFFFF80];
	_ =	sdelay $0x1  }
0x1cf: {  	v2 =	vld [tilespmem:s15+$0xFFFFFF00]  }
0x1d0: {  	vm0 =	vlt.s32 v0, $0x10000;
	v4 =	vadd.s32 $0xFFFF0000, v0  }
0x1d1: {  	v6 =	vld [tilespmem:s15+$0x0];
	v4 =	vsel vm0, v0, v4  }
0x1d2: {  	vm3 =	vlt.s32 v1, $0x10000;
	vm2 =	vlt.s32 v3, $0x10000;
	v0 =	vadd.s32 $0xFFFF0000, v1  }
0x1d3: {  	v8 =	vld [tilespmem:s15+$0x80];
	v10 =	vadd.s32 $0xFFFF0000, v3;
	vm8 =	vmmov vm2;
	v1 =	vsel vm3, v1, v0  }
0x1d4: {  	v7 =	vld [tilespmem:s15+$0x100];
	vm1 =	vlt.s32 v2, $0x10000;
	v0 =	vadd.s32 $0xFFFF0000, v2;
	v3 =	vsel vm8, v3, v10  }
0x1d5: {  	v5 =	vld [tilespmem:s15+$0x180];
	v2 =	vsel vm1, v2, v0  }
0x1d6: {  	s16 =	simm.s32 $0x10660;
	vm7 =	vlt.s32 v6, $0x10000;
	v11 =	vadd.s32 $0xFFFF0000, v6;
	v4 =	vld.idx.msk [tilespmem:v4+s2+$0x0], $0xffff  }
0x1d7: {  	v6 =	vsel vm7, v6, v11;
	v11 =	vld [tilespmem:s16+$0xFFFFFE80]  }
0x1d8: {  	v9 =	vimm.f32 $0.0e+00;
	vm6 =	vlt.s32 v8, $0x10000;
	v12 =	vadd.s32 $0xFFFF0000, v8;
	v1 =	vld.idx.msk [tilespmem:v1+s2+$0x0], $0xffff  }
0x1d9: {  	vm4 =	vlt.s32 v7, $0x10000;
	v8 =	vsel vm6, v8, v12;
	v12 =	vadd.s32 $0xFFFF0000, v7;
	v3 =	vld.idx.msk [tilespmem:v3+s2+$0x0], $0xffff  }
0x1da: {  	v13 =	vadd.s32 $0xFFFF0000, v5;
	vm9 =	vmmov vm1;
	v7 =	vsel vm4, v7, v12;
	v2 =	vld.idx.msk [tilespmem:v2+s2+$0x0], $0xffff  }
0x1db: {  	vm1 =	vlt.s32 v5, $0x10000;
	v15 =	vshll.u32 v4, $0x10;
	v4 =	vand.u32 $0xFFFF0000, v4  }
0x1dc: {  	v14 =	vld [tilespmem:s16+$0xFFFFFE00];
	v5 =	vsel vm1, v5, v13;
	v13 =	vadd.s32 $0xFFFF0000, v11;
	v4 =	vsel vm0, v15, v4  }
0x1dd: {  	v6 =	vld.idx.msk [tilespmem:v6+s2+$0x0], $0xffff;
	v4 =	vadd.f32 v4, v9;
	v9 =	vshll.u32 v1, $0x10;
	v1 =	vand.u32 $0xFFFF0000, v1  }
0x1de: {  	v10 =	vld [tilespmem:s16+$0xFFFFFF00];
	v12 =	vshll.u32 v3, $0x10;
	v3 =	vand.u32 $0xFFFF0000, v3;
	v1 =	vsel vm3, v9, v1  }
0x1df: {  	v0 =	vld [tilespmem:s16+$0xFFFFFF80];
	v1 =	vadd.f32 v1, v4;
	v4 =	vshll.u32 v2, $0x10;
	v2 =	vand.u32 $0xFFFF0000, v2  }
0x1e0: {  	v8 =	vld.idx.msk [tilespmem:v8+s2+$0x0], $0xffff;
	vm0 =	vlt.s32 v11, $0x10000;
	v3 =	vsel vm8, v12, v3;
	v2 =	vsel vm9, v4, v2  }
0x1e1: {  	v7 =	vld.idx.msk [tilespmem:v7+s2+$0x0], $0xffff;
	vm3 =	vlt.s32 v14, $0x10000;
	v9 =	vadd.s32 $0xFFFF0000, v14;
	v2 =	vadd.f32 v2, v1  }
0x1e2: {  	v12 =	vshll.u32 v6, $0x10;
	v6 =	vand.u32 $0xFFFF0000, v6;
	v4 =	vsel vm3, v14, v9;
	v9 =	vld.idx.msk [tilespmem:v5+s2+$0x0], $0xffff  }
0x1e3: {  	v5 =	vsel vm0, v11, v13;
	v11 =	vsel vm7, v12, v6;
	v6 =	vld [tilespmem:s16+$0x0];
	v3 =	vadd.f32 v3, v2  }
0x1e4: {  	vm2 =	vlt.s32 v10, $0x10000;
	vm5 =	vlt.s32 v0, $0x10000;
	v13 =	vadd.s32 $0xFFFF0000, v10;
	v1 =	vld [tilespmem:s16+$0x180]  }
0x1e5: {  	v12 =	vshll.u32 v8, $0x10;
	v14 =	vand.u32 $0xFFFF0000, v8;
	v2 =	vld [tilespmem:s16+$0x100];
	v11 =	vadd.f32 v11, v3  }
0x1e6: {  	s15 =	simm.s32 $0x8;
	v8 =	vsel vm2, v10, v13;
	v10 =	vadd.s32 $0xFFFF0000, v0;
	v12 =	vsel vm6, v12, v14;
	v3 =	vld [tilespmem:s16+$0x80];
	s16 =	simm.s32 $0x10A60  }
.LBB2_14:
0x1e7: {  	v11 =	vadd.f32 v12, v11;
	v12 =	vshll.u32 v7, $0x10  }
0x1e8: {  	v13 =	vld [tilespmem:s16+$0xFFFFFF80];
	v7 =	vand.u32 $0xFFFF0000, v7;
	vm6 =	vmmov vm5;
	vm9 =	vmmov vm2  }
0x1e9: {  	v4 =	vld.idx.msk [tilespmem:v4+s2+$0x0], $0xffff;
	v10 =	vsel vm6, v0, v10;
	v0 =	vsel vm4, v12, v7  }
0x1ea: {  	v7 =	vshll.u32 v9, $0x10;
	v9 =	vand.u32 $0xFFFF0000, v9;
	v12 =	vld [tilespmem:s16+$0xFFFFFF00];
	v15 =	vadd.f32 v0, v11  }
0x1eb: {  	v7 =	vsel vm1, v7, v9;
	v5 =	vld.idx.msk [tilespmem:v5+s2+$0x0], $0xffff;
	vm8 =	vlt.s32 v6, $0x10000;
	v11 =	vadd.s32 $0xFFFF0000, v6  }
0x1ec: {  	vm1 =	vlt.s32 v1, $0x10000;
	v14 =	vld [tilespmem:s16+$0xFFFFFE80];
	v6 =	vsel vm8, v6, v11;
	v7 =	vadd.f32 v7, v15  }
0x1ed: {  	vm7 =	vlt.s32 v3, $0x10000;
	v9 =	vadd.s32 $0xFFFF0000, v3;
	v11 =	vadd.s32 $0xFFFF0000, v1;
	v8 =	vld.idx.msk [tilespmem:v8+s2+$0x0], $0xffff;
	v0 =	vmovc v13  }
0x1ee: {  	vm4 =	vlt.s32 v2, $0x10000;
	v3 =	vsel vm7, v3, v9;
	v9 =	vadd.s32 $0xFFFF0000, v2;
	v13 =	vld [tilespmem:s16+$0xFFFFFE00]  }
0x1ef: {  	vm5 =	vlt.s32 v0, $0x10000;
	v15 =	vshll.u32 v4, $0x10;
	v4 =	vand.u32 $0xFFFF0000, v4;
	v10 =	vld.idx.msk [tilespmem:v10+s2+$0x0], $0xffff  }
0x1f0: {  	v2 =	vsel vm4, v2, v9;
	vm2 =	vlt.s32 v12, $0x10000;
	v4 =	vsel vm3, v15, v4  }
0x1f1: {  	s15 =	sadd.s32 $0x8, s15;
	v4 =	vadd.f32 v4, v7;
	v7 =	vshll.u32 v5, $0x10;
	v5 =	vand.u32 $0xFFFF0000, v5;
	v6 =	vld.idx.msk [tilespmem:v6+s2+$0x0], $0xffff  }
0x1f2: {  	p0 =	slt.u32 s15, $0xC0;
	v9 =	vsel vm1, v1, v11;
	v5 =	vsel vm0, v7, v5;
	vm0 =	vlt.s32 v14, $0x10000  }
0x1f3: {  	v1 =	vadd.f32 v5, v4;
	v4 =	vshll.u32 v8, $0x10;
	v5 =	vand.u32 $0xFFFF0000, v8;
	v3 =	vld.idx.msk [tilespmem:v3+s2+$0x0], $0xffff  }
0x1f4: {  	vm3 =	vlt.s32 v13, $0x10000;
	v8 =	vadd.s32 $0xFFFF0000, v13;
	v4 =	vsel vm9, v4, v5  }
0x1f5: {  	v5 =	vadd.f32 v4, v1;
	v11 =	vshll.u32 v10, $0x10;
	v10 =	vand.u32 $0xFFFF0000, v10;
	v7 =	vld.idx.msk [tilespmem:v2+s2+$0x0], $0xffff  }
.Ltmp6:
0x1f6: {  	v4 =	vsel vm3, v13, v8;
	v2 =	vadd.s32 $0xFFFF0000, v14;
	v8 =	vsel vm6, v11, v10;
	v1 =	vld [tilespmem:s16+$0x180];
	(pc) =	sbr.rel @p0 .LBB2_14-.Ltmp6, $4  }
0x1f7: {  	v8 =	vadd.f32 v8, v5;
	v10 =	vshll.u32 v6, $0x10;
	v6 =	vand.u32 $0xFFFF0000, v6;
	v9 =	vld.idx.msk [tilespmem:v9+s2+$0x0], $0xffff  }
0x1f8: {  	v13 =	vadd.s32 $0xFFFF0000, v12;
	v5 =	vsel vm0, v14, v2;
	v10 =	vsel vm8, v10, v6;
	v2 =	vld [tilespmem:s16+$0x100]  }
0x1f9: {  	v11 =	vadd.f32 v10, v8;
	v14 =	vshll.u32 v3, $0x10;
	v15 =	vand.u32 $0xFFFF0000, v3;
	v6 =	vld [tilespmem:s16+$0x0]  }
0x1fa: {  	v8 =	vsel vm2, v12, v13;
	v10 =	vadd.s32 $0xFFFF0000, v0;
	v12 =	vsel vm7, v14, v15;
	v3 =	vld [tilespmem:s16+$0x80];
	s16 =	sadd.s32 $0x400, s16  }
0x1fb: {  	_ =	sdelay $0x1  }
0x1fc: {  	v11 =	vadd.f32 v12, v11;
	vm5 =	vmmov vm5  }
0x1fd: {  	v12 =	vshll.u32 v7, $0x10;
	v7 =	vand.u32 $0xFFFF0000, v7;
	v0 =	vsel vm5, v0, v10  }
0x1fe: {  	v4 =	vld.idx.msk [tilespmem:v4+s2+$0x0], $0xffff;
	v7 =	vsel vm4, v12, v7;
	v10 =	vshll.u32 v9, $0x10;
	v9 =	vand.u32 $0xFFFF0000, v9  }
0x1ff: {  	v7 =	vadd.f32 v7, v11;
	v9 =	vsel vm1, v10, v9  }
0x200: {  	v5 =	vld.idx.msk [tilespmem:v5+s2+$0x0], $0xffff;
	vm1 =	vlt.s32 v1, $0x10000;
	vm4 =	vlt.s32 v6, $0x10000;
	v12 =	vadd.s32 $0xFFFF0000, v6  }
0x201: {  	vm7 =	vlt.s32 v2, $0x10000;
	v6 =	vsel vm4, v6, v12;
	vm6 =	vlt.s32 v3, $0x10000  }
0x202: {  	v8 =	vld.idx.msk [tilespmem:v8+s2+$0x0], $0xffff;
	v10 =	vadd.s32 $0xFFFF0000, v3;
	v7 =	vadd.f32 v9, v7;
	v9 =	vadd.s32 $0xFFFF0000, v2  }
0x203: {  	v3 =	vsel vm6, v3, v10;
	v10 =	vshll.u32 v4, $0x10;
	v4 =	vand.u32 $0xFFFF0000, v4  }
0x204: {  	v11 =	vadd.s32 $0xFFFF0000, v1;
	v2 =	vsel vm7, v2, v9;
	v0 =	vld.idx.msk [tilespmem:v0+s2+$0x0], $0xffff;
	v4 =	vsel vm3, v10, v4  }
0x205: {  	v4 =	vadd.f32 v4, v7;
	v7 =	vshll.u32 v5, $0x10;
	v5 =	vand.u32 $0xFFFF0000, v5  }
0x206: {  	vm2 =	vmmov vm2;
	v1 =	vsel vm1, v1, v11;
	v5 =	vsel vm0, v7, v5;
	v6 =	vld.idx.msk [tilespmem:v6+s2+$0x0], $0xffff  }
0x207: {  	v7 =	vand.u32 $0xFFFF0000, v8;
	v4 =	vadd.f32 v5, v4;
	v5 =	vshll.u32 v8, $0x10  }
0x208: {  	v3 =	vld.idx.msk [tilespmem:v3+s2+$0x0], $0xffff;
	v5 =	vsel vm2, v5, v7  }
0x209: {  	v4 =	vadd.f32 v5, v4;
	v5 =	vshll.u32 v0, $0x10;
	v0 =	vand.u32 $0xFFFF0000, v0  }
0x20a: {  	v2 =	vld.idx.msk [tilespmem:v2+s2+$0x0], $0xffff;
	v0 =	vsel vm5, v5, v0  }
0x20b: {  	v0 =	vadd.f32 v0, v4;
	v4 =	vshll.u32 v6, $0x10;
	v5 =	vand.u32 $0xFFFF0000, v6  }
0x20c: {  	v1 =	vld.idx.msk [tilespmem:v1+s2+$0x0], $0xffff;
	v4 =	vsel vm4, v4, v5  }
0x20d: {  	v0 =	vadd.f32 v4, v0;
	v4 =	vshll.u32 v3, $0x10;
	v3 =	vand.u32 $0xFFFF0000, v3  }
0x20e: {  	v3 =	vsel vm6, v4, v3  }
0x20f: {  	v0 =	vadd.f32 v3, v0;
	v3 =	vshll.u32 v2, $0x10;
	v2 =	vand.u32 $0xFFFF0000, v2  }
0x210: {  	v2 =	vsel vm7, v3, v2  }
0x211: {  	v0 =	vadd.f32 v2, v0;
	v2 =	vshll.u32 v1, $0x10;
	v1 =	vand.u32 $0xFFFF0000, v1  }
0x212: {  	v1 =	vsel vm1, v2, v1  }
0x213: {  	v0 =	vadd.f32 v1, v0;
	_ =	sdelay $0x1  }
0x214: {  	s15 =	simm.s32 $0x10270;
	[tilespmem:$0x16460] =	vst v0  }
0x215: {  	v0 =	vld [tilespmem:s15+$0xFFFFFE00]  }
0x216: {  	v1 =	vld [tilespmem:s15+$0xFFFFFE80]  }
0x217: {  	v3 =	vld [tilespmem:s15+$0xFFFFFF80];
	_ =	sdelay $0x1  }
0x218: {  	v2 =	vld [tilespmem:s15+$0xFFFFFF00]  }
0x219: {  	vm0 =	vlt.s32 v0, $0x10000;
	v4 =	vadd.s32 $0xFFFF0000, v0  }
0x21a: {  	v6 =	vld [tilespmem:s15+$0x0];
	v4 =	vsel vm0, v0, v4  }
0x21b: {  	vm3 =	vlt.s32 v1, $0x10000;
	vm2 =	vlt.s32 v3, $0x10000;
	v0 =	vadd.s32 $0xFFFF0000, v1  }
0x21c: {  	v8 =	vld [tilespmem:s15+$0x80];
	v10 =	vadd.s32 $0xFFFF0000, v3;
	vm8 =	vmmov vm2;
	v1 =	vsel vm3, v1, v0  }
0x21d: {  	v7 =	vld [tilespmem:s15+$0x100];
	vm1 =	vlt.s32 v2, $0x10000;
	v0 =	vadd.s32 $0xFFFF0000, v2;
	v3 =	vsel vm8, v3, v10  }
0x21e: {  	v5 =	vld [tilespmem:s15+$0x180];
	v2 =	vsel vm1, v2, v0  }
0x21f: {  	s16 =	simm.s32 $0x10670;
	vm7 =	vlt.s32 v6, $0x10000;
	v11 =	vadd.s32 $0xFFFF0000, v6;
	v4 =	vld.idx.msk [tilespmem:v4+s2+$0x0], $0xffff  }
0x220: {  	v6 =	vsel vm7, v6, v11;
	v11 =	vld [tilespmem:s16+$0xFFFFFE80]  }
0x221: {  	v9 =	vimm.f32 $0.0e+00;
	vm6 =	vlt.s32 v8, $0x10000;
	v12 =	vadd.s32 $0xFFFF0000, v8;
	v1 =	vld.idx.msk [tilespmem:v1+s2+$0x0], $0xffff  }
0x222: {  	vm4 =	vlt.s32 v7, $0x10000;
	v8 =	vsel vm6, v8, v12;
	v12 =	vadd.s32 $0xFFFF0000, v7;
	v3 =	vld.idx.msk [tilespmem:v3+s2+$0x0], $0xffff  }
0x223: {  	v13 =	vadd.s32 $0xFFFF0000, v5;
	vm9 =	vmmov vm1;
	v7 =	vsel vm4, v7, v12;
	v2 =	vld.idx.msk [tilespmem:v2+s2+$0x0], $0xffff  }
0x224: {  	vm1 =	vlt.s32 v5, $0x10000;
	v15 =	vshll.u32 v4, $0x10;
	v4 =	vand.u32 $0xFFFF0000, v4  }
0x225: {  	v14 =	vld [tilespmem:s16+$0xFFFFFE00];
	v5 =	vsel vm1, v5, v13;
	v13 =	vadd.s32 $0xFFFF0000, v11;
	v4 =	vsel vm0, v15, v4  }
0x226: {  	v6 =	vld.idx.msk [tilespmem:v6+s2+$0x0], $0xffff;
	v4 =	vadd.f32 v4, v9;
	v9 =	vshll.u32 v1, $0x10;
	v1 =	vand.u32 $0xFFFF0000, v1  }
0x227: {  	v10 =	vld [tilespmem:s16+$0xFFFFFF00];
	v12 =	vshll.u32 v3, $0x10;
	v3 =	vand.u32 $0xFFFF0000, v3;
	v1 =	vsel vm3, v9, v1  }
0x228: {  	v0 =	vld [tilespmem:s16+$0xFFFFFF80];
	v1 =	vadd.f32 v1, v4;
	v4 =	vshll.u32 v2, $0x10;
	v2 =	vand.u32 $0xFFFF0000, v2  }
0x229: {  	v8 =	vld.idx.msk [tilespmem:v8+s2+$0x0], $0xffff;
	vm0 =	vlt.s32 v11, $0x10000;
	v3 =	vsel vm8, v12, v3;
	v2 =	vsel vm9, v4, v2  }
0x22a: {  	v7 =	vld.idx.msk [tilespmem:v7+s2+$0x0], $0xffff;
	vm3 =	vlt.s32 v14, $0x10000;
	v9 =	vadd.s32 $0xFFFF0000, v14;
	v2 =	vadd.f32 v2, v1  }
0x22b: {  	v12 =	vshll.u32 v6, $0x10;
	v6 =	vand.u32 $0xFFFF0000, v6;
	v4 =	vsel vm3, v14, v9;
	v9 =	vld.idx.msk [tilespmem:v5+s2+$0x0], $0xffff  }
0x22c: {  	v5 =	vsel vm0, v11, v13;
	v11 =	vsel vm7, v12, v6;
	v6 =	vld [tilespmem:s16+$0x0];
	v3 =	vadd.f32 v3, v2  }
0x22d: {  	vm2 =	vlt.s32 v10, $0x10000;
	vm5 =	vlt.s32 v0, $0x10000;
	v13 =	vadd.s32 $0xFFFF0000, v10;
	v1 =	vld [tilespmem:s16+$0x180]  }
0x22e: {  	v12 =	vshll.u32 v8, $0x10;
	v14 =	vand.u32 $0xFFFF0000, v8;
	v2 =	vld [tilespmem:s16+$0x100];
	v11 =	vadd.f32 v11, v3  }
0x22f: {  	s15 =	simm.s32 $0x8;
	v8 =	vsel vm2, v10, v13;
	v10 =	vadd.s32 $0xFFFF0000, v0;
	v12 =	vsel vm6, v12, v14;
	v3 =	vld [tilespmem:s16+$0x80];
	s16 =	simm.s32 $0x10A70  }
.LBB2_16:
0x230: {  	v11 =	vadd.f32 v12, v11;
	v12 =	vshll.u32 v7, $0x10  }
0x231: {  	v13 =	vld [tilespmem:s16+$0xFFFFFF80];
	v7 =	vand.u32 $0xFFFF0000, v7;
	vm6 =	vmmov vm5;
	vm9 =	vmmov vm2  }
0x232: {  	v4 =	vld.idx.msk [tilespmem:v4+s2+$0x0], $0xffff;
	v10 =	vsel vm6, v0, v10;
	v0 =	vsel vm4, v12, v7  }
0x233: {  	v7 =	vshll.u32 v9, $0x10;
	v9 =	vand.u32 $0xFFFF0000, v9;
	v12 =	vld [tilespmem:s16+$0xFFFFFF00];
	v15 =	vadd.f32 v0, v11  }
0x234: {  	v7 =	vsel vm1, v7, v9;
	v5 =	vld.idx.msk [tilespmem:v5+s2+$0x0], $0xffff;
	vm8 =	vlt.s32 v6, $0x10000;
	v11 =	vadd.s32 $0xFFFF0000, v6  }
0x235: {  	vm1 =	vlt.s32 v1, $0x10000;
	v14 =	vld [tilespmem:s16+$0xFFFFFE80];
	v6 =	vsel vm8, v6, v11;
	v7 =	vadd.f32 v7, v15  }
0x236: {  	vm7 =	vlt.s32 v3, $0x10000;
	v9 =	vadd.s32 $0xFFFF0000, v3;
	v11 =	vadd.s32 $0xFFFF0000, v1;
	v8 =	vld.idx.msk [tilespmem:v8+s2+$0x0], $0xffff;
	v0 =	vmovc v13  }
0x237: {  	vm4 =	vlt.s32 v2, $0x10000;
	v3 =	vsel vm7, v3, v9;
	v9 =	vadd.s32 $0xFFFF0000, v2;
	v13 =	vld [tilespmem:s16+$0xFFFFFE00]  }
0x238: {  	vm5 =	vlt.s32 v0, $0x10000;
	v15 =	vshll.u32 v4, $0x10;
	v4 =	vand.u32 $0xFFFF0000, v4;
	v10 =	vld.idx.msk [tilespmem:v10+s2+$0x0], $0xffff  }
0x239: {  	v2 =	vsel vm4, v2, v9;
	vm2 =	vlt.s32 v12, $0x10000;
	v4 =	vsel vm3, v15, v4  }
0x23a: {  	s15 =	sadd.s32 $0x8, s15;
	v4 =	vadd.f32 v4, v7;
	v7 =	vshll.u32 v5, $0x10;
	v5 =	vand.u32 $0xFFFF0000, v5;
	v6 =	vld.idx.msk [tilespmem:v6+s2+$0x0], $0xffff  }
0x23b: {  	p0 =	slt.u32 s15, $0xC0;
	v9 =	vsel vm1, v1, v11;
	v5 =	vsel vm0, v7, v5;
	vm0 =	vlt.s32 v14, $0x10000  }
0x23c: {  	v1 =	vadd.f32 v5, v4;
	v4 =	vshll.u32 v8, $0x10;
	v5 =	vand.u32 $0xFFFF0000, v8;
	v3 =	vld.idx.msk [tilespmem:v3+s2+$0x0], $0xffff  }
0x23d: {  	vm3 =	vlt.s32 v13, $0x10000;
	v8 =	vadd.s32 $0xFFFF0000, v13;
	v4 =	vsel vm9, v4, v5  }
0x23e: {  	v5 =	vadd.f32 v4, v1;
	v11 =	vshll.u32 v10, $0x10;
	v10 =	vand.u32 $0xFFFF0000, v10;
	v7 =	vld.idx.msk [tilespmem:v2+s2+$0x0], $0xffff  }
.Ltmp7:
0x23f: {  	v4 =	vsel vm3, v13, v8;
	v2 =	vadd.s32 $0xFFFF0000, v14;
	v8 =	vsel vm6, v11, v10;
	v1 =	vld [tilespmem:s16+$0x180];
	(pc) =	sbr.rel @p0 .LBB2_16-.Ltmp7, $4  }
0x240: {  	v8 =	vadd.f32 v8, v5;
	v10 =	vshll.u32 v6, $0x10;
	v6 =	vand.u32 $0xFFFF0000, v6;
	v9 =	vld.idx.msk [tilespmem:v9+s2+$0x0], $0xffff  }
0x241: {  	v13 =	vadd.s32 $0xFFFF0000, v12;
	v5 =	vsel vm0, v14, v2;
	v10 =	vsel vm8, v10, v6;
	v2 =	vld [tilespmem:s16+$0x100]  }
0x242: {  	v11 =	vadd.f32 v10, v8;
	v14 =	vshll.u32 v3, $0x10;
	v15 =	vand.u32 $0xFFFF0000, v3;
	v6 =	vld [tilespmem:s16+$0x0]  }
0x243: {  	v8 =	vsel vm2, v12, v13;
	v10 =	vadd.s32 $0xFFFF0000, v0;
	v12 =	vsel vm7, v14, v15;
	v3 =	vld [tilespmem:s16+$0x80];
	s16 =	sadd.s32 $0x400, s16  }
0x244: {  	_ =	sdelay $0x1  }
0x245: {  	v11 =	vadd.f32 v12, v11  }
0x246: {  	v46 =	vshll.u32 v7, $0x10;
	v47 =	vand.u32 $0xFFFF0000, v7;
	vm5 =	vmmov vm5  }
0x247: {  	v4 =	vld.idx.msk [tilespmem:v4+s2+$0x0], $0xffff;
	vm15 =	vlt.s32 v1, $0x10000;
	v0 =	vsel vm5, v0, v10;
	v7 =	vsel vm4, v46, v47  }
0x248: {  	v48 =	vshll.u32 v9, $0x10;
	v49 =	vand.u32 $0xFFFF0000, v9;
	v7 =	vadd.f32 v7, v11  }
0x249: {  	v5 =	vld.idx.msk [tilespmem:v5+s2+$0x0], $0xffff;
	v9 =	vsel vm1, v48, v49;
	vm14 =	vlt.s32 v6, $0x10000;
	v50 =	vadd.s32 $0xFFFF0000, v6  }
0x24a: {  	vm7 =	vlt.s32 v2, $0x10000;
	v52 =	vadd.s32 $0xFFFF0000, v2;
	v6 =	vsel vm14, v6, v50  }
0x24b: {  	v8 =	vld.idx.msk [tilespmem:v8+s2+$0x0], $0xffff;
	vm6 =	vlt.s32 v3, $0x10000;
	v51 =	vadd.s32 $0xFFFF0000, v3;
	v7 =	vadd.f32 v9, v7  }
0x24c: {  	v3 =	vsel vm6, v3, v51;
	v53 =	vshll.u32 v4, $0x10;
	v4 =	vand.u32 $0xFFFF0000, v4  }
0x24d: {  	v54 =	vadd.s32 $0xFFFF0000, v1;
	v2 =	vsel vm7, v2, v52;
	v0 =	vld.idx.msk [tilespmem:v0+s2+$0x0], $0xffff;
	v4 =	vsel vm3, v53, v4  }
0x24e: {  	v55 =	vshll.u32 v5, $0x10;
	v5 =	vand.u32 $0xFFFF0000, v5;
	v4 =	vadd.f32 v4, v7  }
0x24f: {  	vm2 =	vmmov vm2;
	v1 =	vsel vm15, v1, v54;
	v5 =	vsel vm0, v55, v5;
	v6 =	vld.idx.msk [tilespmem:v6+s2+$0x0], $0xffff  }
0x250: {  	v56 =	vshll.u32 v8, $0x10;
	v57 =	vand.u32 $0xFFFF0000, v8;
	v4 =	vadd.f32 v5, v4  }
0x251: {  	v5 =	vsel vm2, v56, v57;
	v3 =	vld.idx.msk [tilespmem:v3+s2+$0x0], $0xffff  }
0x252: {  	v4 =	vadd.f32 v5, v4;
	v58 =	vshll.u32 v0, $0x10;
	v0 =	vand.u32 $0xFFFF0000, v0  }
0x253: {  	v2 =	vld.idx.msk [tilespmem:v2+s2+$0x0], $0xffff;
	v0 =	vsel vm5, v58, v0  }
0x254: {  	v0 =	vadd.f32 v0, v4;
	v59 =	vshll.u32 v6, $0x10;
	v60 =	vand.u32 $0xFFFF0000, v6  }
0x255: {  	v1 =	vld.idx.msk [tilespmem:v1+s2+$0x0], $0xffff;
	v4 =	vsel vm14, v59, v60  }
0x256: {  	v61 =	vshll.u32 v3, $0x10;
	v3 =	vand.u32 $0xFFFF0000, v3;
	v0 =	vadd.f32 v4, v0  }
0x257: {  	v3 =	vsel vm6, v61, v3  }
0x258: {  	v62 =	vshll.u32 v2, $0x10;
	v2 =	vand.u32 $0xFFFF0000, v2;
	v0 =	vadd.f32 v3, v0  }
0x259: {  	v2 =	vsel vm7, v62, v2  }
0x25a: {  	v63 =	vshll.u32 v1, $0x10;
	v1 =	vand.u32 $0xFFFF0000, v1;
	v0 =	vadd.f32 v2, v0  }
0x25b: {  	v1 =	vsel vm15, v63, v1  }
0x25c: {  	s14 =	sadd.s32 $0x1, s14;
	v0 =	vadd.f32 v1, v0  }
0x25d: {  	p0 =	sne.s32 s14, s6  }
.Ltmp8:
0x25e: {  	[tilespmem:$0x16470] =	vst v0;
	(pc) =	sbr.rel @p0 .LBB2_1-.Ltmp8, $4  }
0x25f: {  	[hbm4b:s5+s2] =	stream.linear.scatter [tilespmem:s12], [sflag:$0x3], $0x80, $0x38;
	[tilespmem:$0x16480] =	vst v63  }
0x260: {  	_ =	swait.ge [sflag:s13], $0x80  }
0x261: {  	[sflag:s13] =	ssyncset.done $0x0  }
0x262: {  	[sflag:s13] =	ssyncadd.s32 $0xFFFFFF80  }
0x263: {  	_ =	sfence.sel $0x180000  }
0x264: {  	[bflag:$0x0] =	sbarrier.arrive $0xFFFF  }
0x265: {  	p0 =	sne.s32 s1, $0x0;
	_ =	strace $0x90000047  }
0x266: {  	s0 =	sadd.s32 @!p0 $0x100000, s0;
	[bflag:$0x2] =	sbarrier.arrive $0xFFFF  }
0x267: {  	[sflag:s0] =	ssyncadd.tile.s32 @!p0 $0x1;
	_ =	shalt  }
.Lfunc_end2:
_tile_overlayer_lowered:
.L_overlay_start_2:
0x268: {  	(tag) =	ssettag $0x2  }
0x269: {  	s0 =	rddreg [dreg:$0x0];
	s2 =	stileid.u32  }
0x26a: {  	s1 =	rddreg [dreg:$0x1];
	p0 =	sne.s32 s2, $0x0  }
0x26b: {  	s3 =	rddreg [dreg:$0x2];
	[bflag:$0x3] =	sbarrier.arrive $0xFFFF;
	s2 =	simm.s32 @!p0 $0x1C03  }
0x26c: {  	[timem:s3], [sflag:s2] =	dma.local @!p0 [hbm:s0], s1  }
0x26d: {  	s0 =	simm.s32 @!p0 $0x3  }
0x26e: {  	_ =	swait.ge @!p0 [sflag:s0], s1  }
0x26f: {  	s1 =	ssub.s32 @!p0 $0x0, s1;
	[sflag:s0] =	ssyncset.done @!p0 $0x0  }
0x270: {  	[sflag:s0] =	ssyncadd.s32 @!p0 s1  }
0x271: {  	[bflag:$0x3] =	sbarrier.arrive $0xFFFF  }
0x272: {  	_ =	shalt  }

</sc_bundles>
